<compile_context>
chip_gen: v7x
topology: tpu7x:2x2x1
jax: 0.10.2.dev20260603
libtpu: 0.0.44.dev20260713+nightly
codegen_flags: <defaults>
</compile_context>

<pallas_src>
import jax
import jax.numpy as jnp
from jax import lax
from jax.experimental import pallas as pl
from jax.experimental.pallas import tpu as pltpu
from jax.experimental.pallas import tpu_sc as plsc
from functools import partial

PAD = 512
NW = 32
CH = 128


def _pack_bf16(v):
    h = v.shape[1] // 2
    u = lax.bitcast_convert_type(v, jnp.int32)
    r = (u + 0x7FFF + ((u >> 16) & 1)) >> 16
    lo = r[:, :h] & 0xFFFF
    hi = r[:, h:] << 16
    return lo | hi


def _unpack_bf16(w):
    lo = lax.bitcast_convert_type(w << 16, jnp.float32)
    hi = lax.bitcast_convert_type(w & jnp.int32(-65536), jnp.float32)
    return jnp.concatenate([lo, hi], axis=1).astype(jnp.bfloat16)


def _gate_body(x_ref, wg_ref, bg_ref, xpk_ref, s1_ref, s2_ref, w1_ref,
               w2_ref, wsel_ref, r1_ref, r2_ref, cnt_ref,
               tril_ref, *, n_experts):
    i = pl.program_id(0)
    xb = x_ref[...]
    logits = jnp.dot(xb, wg_ref[...], preferred_element_type=jnp.float32)
    logits = logits + bg_ref[...]
    bt = logits.shape[0]
    idx = lax.broadcasted_iota(jnp.int32, (bt, n_experts), 1)
    m1 = jnp.max(logits, axis=-1, keepdims=True)
    a1 = jnp.min(jnp.where(logits == m1, idx, n_experts), axis=-1, keepdims=True)
    sel1 = (idx == a1)
    masked = jnp.where(sel1, -jnp.inf, logits)
    m2 = jnp.max(masked, axis=-1, keepdims=True)
    a2 = jnp.min(jnp.where(masked == m2, idx, n_experts), axis=-1, keepdims=True)
    sel2 = (idx == a2)
    t = jnp.exp(m2 - m1)
    w1 = 1.0 / (1.0 + t)
    w2 = 1.0 - w1
    s1f = sel1.astype(jnp.float32)
    s2f = sel2.astype(jnp.float32)
    xpk_ref[...] = lax.bitcast_convert_type(_pack_bf16(xb), jnp.float32)
    s1_ref[...] = s1f
    s2_ref[...] = s2f
    w1_ref[...] = w1
    w2_ref[...] = w2
    wsel_ref[...] = s1f * w1 + s2f * w2

    @pl.when(i == 0)
    def _():
        cnt_ref[...] = jnp.zeros_like(cnt_ref)
        ri = lax.broadcasted_iota(jnp.int32, (bt, bt), 0)
        ci = lax.broadcasted_iota(jnp.int32, (bt, bt), 1)
        tril_ref[...] = (ri > ci).astype(jnp.bfloat16)

    sc = s1f + s2f
    rm = jnp.dot(tril_ref[...], sc.astype(jnp.bfloat16),
                 preferred_element_type=jnp.float32)
    rmc = rm + cnt_ref[...]
    r1_ref[...] = jnp.sum(s1f * rmc, axis=1, keepdims=True)
    r2_ref[...] = jnp.sum(s2f * rmc, axis=1, keepdims=True)
    cnt_ref[...] += jnp.sum(sc, axis=0, keepdims=True)


def _finalize_body(s1_ref, s2_ref, r1_ref, r2_ref, cnt_ref,
                   p1_ref, p2_ref, tmap_ref, offs_ref,
                   *, n_experts, n_tiles_max):
    i = pl.program_id(0)

    @pl.when(i == 0)
    def _():
        counts = cnt_ref[...]
        padded = jnp.ceil(counts / PAD) * PAD
        ti = lax.broadcasted_iota(jnp.int32, (n_experts, n_experts), 0)
        tj = lax.broadcasted_iota(jnp.int32, (n_experts, n_experts), 1)
        triu_inc = (ti <= tj).astype(jnp.float32)
        ends = jnp.dot(padded, triu_inc,
                       preferred_element_type=jnp.float32)
        offs_ref[...] = ends - padded
        r = (lax.broadcasted_iota(jnp.int32, (n_tiles_max, n_experts), 0)
             * PAD).astype(jnp.float32)
        texp = jnp.sum((r >= ends).astype(jnp.int32), axis=1, keepdims=True)
        total = jnp.sum(padded, axis=-1, keepdims=True)
        used = r[:, :1] < total
        tmap_ref[...] = jnp.where(used, jnp.minimum(texp, n_experts - 1), -1)

    offs = offs_ref[...]
    p1 = r1_ref[...] + jnp.sum(s1_ref[...] * offs, axis=1, keepdims=True)
    p2 = r2_ref[...] + jnp.sum(s2_ref[...] * offs, axis=1, keepdims=True)
    p1_ref[...] = p1.astype(jnp.int32)
    p2_ref[...] = p2.astype(jnp.int32)


def _gmm_body(tm_ref, xs_ref, we_ref, ys_ref):
    i = pl.program_id(0)

    @pl.when(tm_ref[i] >= 0)
    def _():
        xw = _unpack_bf16(lax.bitcast_convert_type(xs_ref[...], jnp.int32))
        acc = jnp.dot(xw, we_ref[0], preferred_element_type=jnp.float32)
        ys_ref[...] = lax.bitcast_convert_type(_pack_bf16(acc), jnp.float32)


def _combine_body(y1_ref, y2_ref, w1_ref, w2_ref, wsel_ref, be_ref, out_ref):
    y1 = _unpack_bf16(lax.bitcast_convert_type(y1_ref[...], jnp.int32))
    y2 = _unpack_bf16(lax.bitcast_convert_type(y2_ref[...], jnp.int32))
    bias = jnp.dot(wsel_ref[...], be_ref[...], preferred_element_type=jnp.float32)
    out_ref[...] = (w1_ref[...] * y1.astype(jnp.float32)
                    + w2_ref[...] * y2.astype(jnp.float32) + bias)


def _dispatch(xpk, pos_k3, np_rows):
    hp = xpk.shape[1]
    nc = xpk.shape[0] // (NW * CH)
    mesh = plsc.VectorSubcoreMesh(core_axis_name="c", subcore_axis_name="s")

    @partial(pl.kernel, mesh=mesh,
             out_type=jax.ShapeDtypeStruct((np_rows, hp), jnp.float32),
             scratch_types=[pltpu.VMEM((CH, hp), jnp.float32),
                            pltpu.VMEM((CH,), jnp.int32),
                            pltpu.VMEM((CH,), jnp.int32),
                            pltpu.SemaphoreType.DMA])
    def k(xpk_hbm, pos_hbm, xs_hbm, rows_v, idx0_v, idx1_v, sem):
        wid = lax.axis_index("s") * 2 + lax.axis_index("c")
        for c in range(nc):
            base = wid * (nc * CH) + c * CH
            pltpu.sync_copy(xpk_hbm.at[pl.ds(base, CH)], rows_v)
            pltpu.sync_copy(pos_hbm.at[wid * (nc * 2) + c * 2], idx0_v)
            pltpu.sync_copy(pos_hbm.at[wid * (nc * 2) + c * 2 + 1], idx1_v)
            cp0 = pltpu.async_copy(rows_v, xs_hbm.at[idx0_v], sem)
            cp1 = pltpu.async_copy(rows_v, xs_hbm.at[idx1_v], sem)
            cp0.wait()
            cp1.wait()

    return k(xpk, pos_k3)


def _unsort(ys, pos_k3, b_tokens):
    hp = ys.shape[1]
    nc = b_tokens // (NW * CH)
    mesh = plsc.VectorSubcoreMesh(core_axis_name="c", subcore_axis_name="s")
    oty = jax.ShapeDtypeStruct((b_tokens, hp), jnp.float32)

    @partial(pl.kernel, mesh=mesh, out_type=[oty, oty],
             scratch_types=[pltpu.VMEM((CH, hp), jnp.float32),
                            pltpu.VMEM((CH,), jnp.int32),
                            pltpu.SemaphoreType.DMA])
    def k(ys_hbm, pos_hbm, o1_hbm, o2_hbm, rows_v, idx_v, sem):
        wid = lax.axis_index("s") * 2 + lax.axis_index("c")
        outs = (o1_hbm, o2_hbm)
        for c in range(nc):
            base = wid * (nc * CH) + c * CH
            for s in range(2):
                pltpu.sync_copy(pos_hbm.at[wid * (nc * 2) + c * 2 + s], idx_v)
                pltpu.async_copy(ys_hbm.at[idx_v], rows_v, sem).wait()
                pltpu.sync_copy(rows_v, outs[s].at[pl.ds(base, CH)])

    return k(ys, pos_k3)


def kernel(x, Wg, bg, We, be):
    B, D = x.shape
    E, _, O = We.shape
    BG = 512
    HP = D // 2
    HO = O // 2
    nb = B // BG
    np_rows = 2 * B + E * PAD
    n_tiles = np_rows // PAD
    we_bf = We.astype(jnp.bfloat16)
    bg2 = bg.reshape(1, E)

    xpk, s1, s2, w1, w2, wsel, r1, r2, cnt = pl.pallas_call(
        partial(_gate_body, n_experts=E),
        grid=(nb,),
        in_specs=[
            pl.BlockSpec((BG, D), lambda i: (i, 0)),
            pl.BlockSpec((D, E), lambda i: (0, 0)),
            pl.BlockSpec((1, E), lambda i: (0, 0)),
        ],
        out_specs=[
            pl.BlockSpec((BG, HP), lambda i: (i, 0)),
            pl.BlockSpec((BG, E), lambda i: (i, 0)),
            pl.BlockSpec((BG, E), lambda i: (i, 0)),
            pl.BlockSpec((BG, 1), lambda i: (i, 0)),
            pl.BlockSpec((BG, 1), lambda i: (i, 0)),
            pl.BlockSpec((BG, E), lambda i: (i, 0)),
            pl.BlockSpec((BG, 1), lambda i: (i, 0)),
            pl.BlockSpec((BG, 1), lambda i: (i, 0)),
            pl.BlockSpec((1, E), lambda i: (0, 0)),
        ],
        out_shape=[
            jax.ShapeDtypeStruct((B, HP), jnp.float32),
            jax.ShapeDtypeStruct((B, E), jnp.float32),
            jax.ShapeDtypeStruct((B, E), jnp.float32),
            jax.ShapeDtypeStruct((B, 1), jnp.float32),
            jax.ShapeDtypeStruct((B, 1), jnp.float32),
            jax.ShapeDtypeStruct((B, E), jnp.float32),
            jax.ShapeDtypeStruct((B, 1), jnp.float32),
            jax.ShapeDtypeStruct((B, 1), jnp.float32),
            jax.ShapeDtypeStruct((1, E), jnp.float32),
        ],
        scratch_shapes=[pltpu.VMEM((BG, BG), jnp.bfloat16)],
        compiler_params=pltpu.CompilerParams(dimension_semantics=("arbitrary",)),
    )(x, Wg, bg2)

    pos1, pos2, tmap = pl.pallas_call(
        partial(_finalize_body, n_experts=E, n_tiles_max=64),
        grid=(nb,),
        in_specs=[
            pl.BlockSpec((BG, E), lambda i: (i, 0)),
            pl.BlockSpec((BG, E), lambda i: (i, 0)),
            pl.BlockSpec((BG, 1), lambda i: (i, 0)),
            pl.BlockSpec((BG, 1), lambda i: (i, 0)),
            pl.BlockSpec((1, E), lambda i: (0, 0)),
        ],
        out_specs=[
            pl.BlockSpec((BG, 1), lambda i: (i, 0)),
            pl.BlockSpec((BG, 1), lambda i: (i, 0)),
            pl.BlockSpec((64, 1), lambda i: (0, 0)),
        ],
        out_shape=[
            jax.ShapeDtypeStruct((B, 1), jnp.int32),
            jax.ShapeDtypeStruct((B, 1), jnp.int32),
            jax.ShapeDtypeStruct((64, 1), jnp.int32),
        ],
        scratch_shapes=[
            pltpu.VMEM((1, E), jnp.float32),
        ],
        compiler_params=pltpu.CompilerParams(dimension_semantics=("arbitrary",)),
    )(s1, s2, r1, r2, cnt)

    tmap40 = tmap.reshape(64)[:n_tiles]
    nc = B // (NW * CH)
    pos_k3 = (jnp.stack([pos1.reshape(NW, nc, CH), pos2.reshape(NW, nc, CH)],
                        axis=2).reshape(NW * nc * 2, CH))

    xs = _dispatch(xpk, pos_k3, np_rows)

    ys = pl.pallas_call(
        _gmm_body,
        grid_spec=pltpu.PrefetchScalarGridSpec(
            num_scalar_prefetch=1,
            grid=(n_tiles,),
            in_specs=[
                pl.BlockSpec((PAD, HP), lambda i, tm: (i, 0)),
                pl.BlockSpec((1, D, O), lambda i, tm: (jnp.maximum(tm[i], 0), 0, 0)),
            ],
            out_specs=pl.BlockSpec((PAD, HO), lambda i, tm: (i, 0)),
        ),
        out_shape=jax.ShapeDtypeStruct((np_rows, HO), jnp.float32),
        compiler_params=pltpu.CompilerParams(dimension_semantics=("arbitrary",)),
    )(tmap40, xs, we_bf)

    y1, y2 = _unsort(ys, pos_k3, B)

    return pl.pallas_call(
        _combine_body,
        grid=(nb,),
        in_specs=[
            pl.BlockSpec((BG, HO), lambda i: (i, 0)),
            pl.BlockSpec((BG, HO), lambda i: (i, 0)),
            pl.BlockSpec((BG, 1), lambda i: (i, 0)),
            pl.BlockSpec((BG, 1), lambda i: (i, 0)),
            pl.BlockSpec((BG, E), lambda i: (i, 0)),
            pl.BlockSpec((E, O), lambda i: (0, 0)),
        ],
        out_specs=pl.BlockSpec((BG, O), lambda i: (i, 0)),
        out_shape=jax.ShapeDtypeStruct((B, O), jnp.float32),
        compiler_params=pltpu.CompilerParams(dimension_semantics=("arbitrary",)),
    )(y1, y2, w1, w2, wsel, be)

# --- scband reference (transcript-rebuilt; emitter-appended) ---
"""Pipeline reference for scband-mo-e-592705487075 (READ-ONLY COPY).

The authoritative reference and input builder live on the scoring server;
editing this copy changes nothing except your own understanding.
"""

import jax, jax.numpy as jnp
import numpy as np

B, D, O, E, TOP_K = 8192, 1024, 1024, 8, 2

def setup_inputs(seed: int = 0) -> dict:
    key = jax.random.key(seed)
    ks = jax.random.split(key, 5)
    x = jax.random.normal(ks[0], (B, D), dtype=jnp.float32)
    # gate: nn.Linear(input_dim, num_experts)
    Wg = jax.random.normal(ks[1], (D, E), dtype=jnp.float32) * 0.02
    bg = jnp.zeros((E,), dtype=jnp.float32)
    # experts: num_experts x nn.Linear(input_dim, output_dim)
    We = jax.random.normal(ks[2], (E, D, O), dtype=jnp.float32) * 0.02
    be = jnp.zeros((E, O), dtype=jnp.float32)
    return {"x": x, "Wg": Wg, "bg": bg, "We": We, "be": be}

def reference(x, Wg, bg, We, be):
    # gate logits / probs
    gate_logits = x @ Wg + bg
    gate_probs = jax.nn.softmax(gate_logits, axis=-1)
    # top-k routing
    top_v, top_i = jax.lax.top_k(gate_probs, TOP_K)
    top_v = top_v / jnp.sum(top_v, axis=-1, keepdims=True)
    # dense per-expert outputs: [B, E, O] (matches torch.stack of expert(x))
    expert_outputs = jnp.einsum('bd,edo->beo', x, We) + be[None, :, :]
    # gather selected experts per token and weight-combine
    gathered = jnp.take_along_axis(expert_outputs, top_i[:, :, None], axis=1)  # [B, k, O]
    output = jnp.sum(top_v[:, :, None] * gathered, axis=1)  # [B, O]
    return output

if __name__ == "__main__":
    import jax
    _d = setup_inputs()
    print(jax.jit(kernel)(*tuple(_d.values())))

</pallas_src>

<mosaic_0001>
#map = affine_map<(d0, d1) -> (0, 0)>
module attributes {stable_mosaic.version = 14 : i64} {
  func.func @k(%arg0: i32, %arg1: i32, %arg2: memref<8192x512xf32, #tpu.memory_space<hbm>>, %arg3: memref<128x128xi32, #tpu.memory_space<hbm>>, %arg4: memref<20480x512xf32, #tpu.memory_space<hbm>>, %arg5: memref<128x512xf32, #tpu.memory_space<vmem>>, %arg6: memref<128xi32, #tpu.memory_space<vmem>>, %arg7: memref<128xi32, #tpu.memory_space<vmem>>, %arg8: memref<!tpu.dma_semaphore, #tpu.memory_space<semaphore_mem>>) attributes {dimension_semantics = [#tpu.dimension_semantics<core_parallel>, #tpu.dimension_semantics<subcore_parallel>], iteration_bounds = array<i64: 2, 16>, scalar_prefetch = 0 : i64, scratch_operands = 4 : i64, tpu.core_type = #tpu.core_type<sc_vector_subcore>, window_params = [{transform_indices = #map}, {transform_indices = #map}, {transform_indices = #map}]} {
    %mul3A = arith.constant 2 : i32
    %mul3A_0 = arith.muli %arg1, %mul3A : i32
    %add3A = arith.addi %mul3A_0, %arg0 : i32
    %mul3A_1 = arith.constant 256 : i32
    %mul3A_2 = arith.muli %add3A, %mul3A_1 : i32
    %add3A_3 = arith.constant 0 : i32
    %add3A_4 = arith.addi %mul3A_2, %add3A_3 : i32
    "tpu.region"() ({
      %run_scoped3A = tpu.sem_alloc : memref<!tpu.dma_semaphore, #tpu.memory_space<semaphore_mem>>
      %dma_start3A_51 = arith.constant 0 : i32
      %dma_start3A_52 = tpu.memref_slice %arg2[%add3A_4, %dma_start3A_51] : memref<8192x512xf32, #tpu.memory_space<hbm>> -> memref<128x512xf32, #tpu.memory_space<hbm>>
      %dma_start3A_53 = arith.constant 0 : i32
      %dma_start3A_54 = tpu.memref_slice %arg2[%add3A_4, %dma_start3A_53] : memref<8192x512xf32, #tpu.memory_space<hbm>> -> memref<128x512xf32, #tpu.memory_space<hbm>>
      tpu.enqueue_dma source(%dma_start3A_54 : memref<128x512xf32, #tpu.memory_space<hbm>>) target(%arg5 : memref<128x512xf32, #tpu.memory_space<vmem>>) target_semaphore(%run_scoped3A : memref<!tpu.dma_semaphore, #tpu.memory_space<semaphore_mem>>)
      %dma_wait3A_55 = arith.constant 0 : i32
      %dma_wait3A_56 = tpu.memref_slice %arg2[%add3A_4, %dma_wait3A_55] : memref<8192x512xf32, #tpu.memory_space<hbm>> -> memref<128x512xf32, #tpu.memory_space<hbm>>
      %dma_wait3A_57 = arith.constant 0 : i32
      %dma_wait3A_58 = tpu.memref_slice %arg2[%add3A_4, %dma_wait3A_57] : memref<8192x512xf32, #tpu.memory_space<hbm>> -> memref<128x512xf32, #tpu.memory_space<hbm>>
      tpu.wait_dma2 semaphore(%run_scoped3A : memref<!tpu.dma_semaphore, #tpu.memory_space<semaphore_mem>>) src(%dma_wait3A_58 : memref<128x512xf32, #tpu.memory_space<hbm>>) dst(%arg5 : memref<128x512xf32, #tpu.memory_space<vmem>>)
      tpu.yield
    }) : () -> ()
    %mul3A_5 = arith.constant 4 : i32
    %mul3A_6 = arith.muli %add3A, %mul3A_5 : i32
    %add3A_7 = arith.constant 0 : i32
    %add3A_8 = arith.addi %mul3A_6, %add3A_7 : i32
    "tpu.region"() ({
      %run_scoped3A = tpu.sem_alloc : memref<!tpu.dma_semaphore, #tpu.memory_space<semaphore_mem>>
      %dma_start3A_51 = arith.constant 0 : i32
      %dma_start3A_52 = tpu.memref_slice %arg3[%add3A_8, %dma_start3A_51] : memref<128x128xi32, #tpu.memory_space<hbm>> -> memref<1x128xi32, #tpu.memory_space<hbm>>
      %dma_start3A_53 = tpu.memref_squeeze %dma_start3A_52 : memref<1x128xi32, #tpu.memory_space<hbm>> -> memref<128xi32, #tpu.memory_space<hbm>>
      %dma_start3A_54 = arith.constant 0 : i32
      %dma_start3A_55 = tpu.memref_slice %arg3[%add3A_8, %dma_start3A_54] : memref<128x128xi32, #tpu.memory_space<hbm>> -> memref<1x128xi32, #tpu.memory_space<hbm>>
      %dma_start3A_56 = tpu.memref_squeeze %dma_start3A_55 : memref<1x128xi32, #tpu.memory_space<hbm>> -> memref<128xi32, #tpu.memory_space<hbm>>
      tpu.enqueue_dma source(%dma_start3A_56 : memref<128xi32, #tpu.memory_space<hbm>>) target(%arg6 : memref<128xi32, #tpu.memory_space<vmem>>) target_semaphore(%run_scoped3A : memref<!tpu.dma_semaphore, #tpu.memory_space<semaphore_mem>>)
      %dma_wait3A_57 = arith.constant 0 : i32
      %dma_wait3A_58 = tpu.memref_slice %arg3[%add3A_8, %dma_wait3A_57] : memref<128x128xi32, #tpu.memory_space<hbm>> -> memref<1x128xi32, #tpu.memory_space<hbm>>
      %dma_wait3A_59 = tpu.memref_squeeze %dma_wait3A_58 : memref<1x128xi32, #tpu.memory_space<hbm>> -> memref<128xi32, #tpu.memory_space<hbm>>
      %dma_wait3A_60 = arith.constant 0 : i32
      %dma_wait3A_61 = tpu.memref_slice %arg3[%add3A_8, %dma_wait3A_60] : memref<128x128xi32, #tpu.memory_space<hbm>> -> memref<1x128xi32, #tpu.memory_space<hbm>>
      %dma_wait3A_62 = tpu.memref_squeeze %dma_wait3A_61 : memref<1x128xi32, #tpu.memory_space<hbm>> -> memref<128xi32, #tpu.memory_space<hbm>>
      tpu.wait_dma2 semaphore(%run_scoped3A : memref<!tpu.dma_semaphore, #tpu.memory_space<semaphore_mem>>) src(%dma_wait3A_62 : memref<128xi32, #tpu.memory_space<hbm>>) dst(%arg6 : memref<128xi32, #tpu.memory_space<vmem>>)
      tpu.yield
    }) : () -> ()
    %mul3A_9 = arith.constant 4 : i32
    %mul3A_10 = arith.muli %add3A, %mul3A_9 : i32
    %add3A_11 = arith.constant 0 : i32
    %add3A_12 = arith.addi %mul3A_10, %add3A_11 : i32
    %add3A_13 = arith.constant 1 : i32
    %add3A_14 = arith.addi %add3A_12, %add3A_13 : i32
    "tpu.region"() ({
      %run_scoped3A = tpu.sem_alloc : memref<!tpu.dma_semaphore, #tpu.memory_space<semaphore_mem>>
      %dma_start3A_51 = arith.constant 0 : i32
      %dma_start3A_52 = tpu.memref_slice %arg3[%add3A_14, %dma_start3A_51] : memref<128x128xi32, #tpu.memory_space<hbm>> -> memref<1x128xi32, #tpu.memory_space<hbm>>
      %dma_start3A_53 = tpu.memref_squeeze %dma_start3A_52 : memref<1x128xi32, #tpu.memory_space<hbm>> -> memref<128xi32, #tpu.memory_space<hbm>>
      %dma_start3A_54 = arith.constant 0 : i32
      %dma_start3A_55 = tpu.memref_slice %arg3[%add3A_14, %dma_start3A_54] : memref<128x128xi32, #tpu.memory_space<hbm>> -> memref<1x128xi32, #tpu.memory_space<hbm>>
      %dma_start3A_56 = tpu.memref_squeeze %dma_start3A_55 : memref<1x128xi32, #tpu.memory_space<hbm>> -> memref<128xi32, #tpu.memory_space<hbm>>
      tpu.enqueue_dma source(%dma_start3A_56 : memref<128xi32, #tpu.memory_space<hbm>>) target(%arg7 : memref<128xi32, #tpu.memory_space<vmem>>) target_semaphore(%run_scoped3A : memref<!tpu.dma_semaphore, #tpu.memory_space<semaphore_mem>>)
      %dma_wait3A_57 = arith.constant 0 : i32
      %dma_wait3A_58 = tpu.memref_slice %arg3[%add3A_14, %dma_wait3A_57] : memref<128x128xi32, #tpu.memory_space<hbm>> -> memref<1x128xi32, #tpu.memory_space<hbm>>
      %dma_wait3A_59 = tpu.memref_squeeze %dma_wait3A_58 : memref<1x128xi32, #tpu.memory_space<hbm>> -> memref<128xi32, #tpu.memory_space<hbm>>
      %dma_wait3A_60 = arith.constant 0 : i32
      %dma_wait3A_61 = tpu.memref_slice %arg3[%add3A_14, %dma_wait3A_60] : memref<128x128xi32, #tpu.memory_space<hbm>> -> memref<1x128xi32, #tpu.memory_space<hbm>>
      %dma_wait3A_62 = tpu.memref_squeeze %dma_wait3A_61 : memref<1x128xi32, #tpu.memory_space<hbm>> -> memref<128xi32, #tpu.memory_space<hbm>>
      tpu.wait_dma2 semaphore(%run_scoped3A : memref<!tpu.dma_semaphore, #tpu.memory_space<semaphore_mem>>) src(%dma_wait3A_62 : memref<128xi32, #tpu.memory_space<hbm>>) dst(%arg7 : memref<128xi32, #tpu.memory_space<vmem>>)
      tpu.yield
    }) : () -> ()
    %dma_start3A = arith.constant 0 : i32
    %dma_start3A_15 = arith.constant 0 : i32
    %dma_start3A_16 = tpu.memref_slice %arg4[%dma_start3A, %dma_start3A_15] : memref<20480x512xf32, #tpu.memory_space<hbm>> -> memref<20480x512xf32, #tpu.memory_space<hbm>>
    tpu.enqueue_indirect_dma source(%arg5 : memref<128x512xf32, #tpu.memory_space<vmem>>) target(%dma_start3A_16 : memref<20480x512xf32, #tpu.memory_space<hbm>>) offsets(%arg6 : memref<128xi32, #tpu.memory_space<vmem>>) semaphore(%arg8 : memref<!tpu.dma_semaphore, #tpu.memory_space<semaphore_mem>>)
    %dma_start3A_17 = arith.constant 0 : i32
    %dma_start3A_18 = arith.constant 0 : i32
    %dma_start3A_19 = tpu.memref_slice %arg4[%dma_start3A_17, %dma_start3A_18] : memref<20480x512xf32, #tpu.memory_space<hbm>> -> memref<20480x512xf32, #tpu.memory_space<hbm>>
    tpu.enqueue_indirect_dma source(%arg5 : memref<128x512xf32, #tpu.memory_space<vmem>>) target(%dma_start3A_19 : memref<20480x512xf32, #tpu.memory_space<hbm>>) offsets(%arg7 : memref<128xi32, #tpu.memory_space<vmem>>) semaphore(%arg8 : memref<!tpu.dma_semaphore, #tpu.memory_space<semaphore_mem>>)
    %dma_wait3A = arith.constant 0 : i32
    %dma_wait3A_20 = arith.constant 0 : i32
    %dma_wait3A_21 = tpu.memref_slice %arg4[%dma_wait3A, %dma_wait3A_20] : memref<20480x512xf32, #tpu.memory_space<hbm>> -> memref<20480x512xf32, #tpu.memory_space<hbm>>
    tpu.wait_indirect_dma semaphore(%arg8 : memref<!tpu.dma_semaphore, #tpu.memory_space<semaphore_mem>>) src(%arg5 : memref<128x512xf32, #tpu.memory_space<vmem>>) dst(%dma_wait3A_21 : memref<20480x512xf32, #tpu.memory_space<hbm>>)
    %dma_wait3A_22 = arith.constant 0 : i32
    %dma_wait3A_23 = arith.constant 0 : i32
    %dma_wait3A_24 = tpu.memref_slice %arg4[%dma_wait3A_22, %dma_wait3A_23] : memref<20480x512xf32, #tpu.memory_space<hbm>> -> memref<20480x512xf32, #tpu.memory_space<hbm>>
    tpu.wait_indirect_dma semaphore(%arg8 : memref<!tpu.dma_semaphore, #tpu.memory_space<semaphore_mem>>) src(%arg5 : memref<128x512xf32, #tpu.memory_space<vmem>>) dst(%dma_wait3A_24 : memref<20480x512xf32, #tpu.memory_space<hbm>>)
    %mul3A_25 = arith.constant 256 : i32
    %mul3A_26 = arith.muli %add3A, %mul3A_25 : i32
    %add3A_27 = arith.constant 128 : i32
    %add3A_28 = arith.addi %mul3A_26, %add3A_27 : i32
    "tpu.region"() ({
      %run_scoped3A = tpu.sem_alloc : memref<!tpu.dma_semaphore, #tpu.memory_space<semaphore_mem>>
      %dma_start3A_51 = arith.constant 0 : i32
      %dma_start3A_52 = tpu.memref_slice %arg2[%add3A_28, %dma_start3A_51] : memref<8192x512xf32, #tpu.memory_space<hbm>> -> memref<128x512xf32, #tpu.memory_space<hbm>>
      %dma_start3A_53 = arith.constant 0 : i32
      %dma_start3A_54 = tpu.memref_slice %arg2[%add3A_28, %dma_start3A_53] : memref<8192x512xf32, #tpu.memory_space<hbm>> -> memref<128x512xf32, #tpu.memory_space<hbm>>
      tpu.enqueue_dma source(%dma_start3A_54 : memref<128x512xf32, #tpu.memory_space<hbm>>) target(%arg5 : memref<128x512xf32, #tpu.memory_space<vmem>>) target_semaphore(%run_scoped3A : memref<!tpu.dma_semaphore, #tpu.memory_space<semaphore_mem>>)
      %dma_wait3A_55 = arith.constant 0 : i32
      %dma_wait3A_56 = tpu.memref_slice %arg2[%add3A_28, %dma_wait3A_55] : memref<8192x512xf32, #tpu.memory_space<hbm>> -> memref<128x512xf32, #tpu.memory_space<hbm>>
      %dma_wait3A_57 = arith.constant 0 : i32
      %dma_wait3A_58 = tpu.memref_slice %arg2[%add3A_28, %dma_wait3A_57] : memref<8192x512xf32, #tpu.memory_space<hbm>> -> memref<128x512xf32, #tpu.memory_space<hbm>>
      tpu.wait_dma2 semaphore(%run_scoped3A : memref<!tpu.dma_semaphore, #tpu.memory_space<semaphore_mem>>) src(%dma_wait3A_58 : memref<128x512xf32, #tpu.memory_space<hbm>>) dst(%arg5 : memref<128x512xf32, #tpu.memory_space<vmem>>)
      tpu.yield
    }) : () -> ()
    %mul3A_29 = arith.constant 4 : i32
    %mul3A_30 = arith.muli %add3A, %mul3A_29 : i32
    %add3A_31 = arith.constant 2 : i32
    %add3A_32 = arith.addi %mul3A_30, %add3A_31 : i32
    "tpu.region"() ({
      %run_scoped3A = tpu.sem_alloc : memref<!tpu.dma_semaphore, #tpu.memory_space<semaphore_mem>>
      %dma_start3A_51 = arith.constant 0 : i32
      %dma_start3A_52 = tpu.memref_slice %arg3[%add3A_32, %dma_start3A_51] : memref<128x128xi32, #tpu.memory_space<hbm>> -> memref<1x128xi32, #tpu.memory_space<hbm>>
      %dma_start3A_53 = tpu.memref_squeeze %dma_start3A_52 : memref<1x128xi32, #tpu.memory_space<hbm>> -> memref<128xi32, #tpu.memory_space<hbm>>
      %dma_start3A_54 = arith.constant 0 : i32
      %dma_start3A_55 = tpu.memref_slice %arg3[%add3A_32, %dma_start3A_54] : memref<128x128xi32, #tpu.memory_space<hbm>> -> memref<1x128xi32, #tpu.memory_space<hbm>>
      %dma_start3A_56 = tpu.memref_squeeze %dma_start3A_55 : memref<1x128xi32, #tpu.memory_space<hbm>> -> memref<128xi32, #tpu.memory_space<hbm>>
      tpu.enqueue_dma source(%dma_start3A_56 : memref<128xi32, #tpu.memory_space<hbm>>) target(%arg6 : memref<128xi32, #tpu.memory_space<vmem>>) target_semaphore(%run_scoped3A : memref<!tpu.dma_semaphore, #tpu.memory_space<semaphore_mem>>)
      %dma_wait3A_57 = arith.constant 0 : i32
      %dma_wait3A_58 = tpu.memref_slice %arg3[%add3A_32, %dma_wait3A_57] : memref<128x128xi32, #tpu.memory_space<hbm>> -> memref<1x128xi32, #tpu.memory_space<hbm>>
      %dma_wait3A_59 = tpu.memref_squeeze %dma_wait3A_58 : memref<1x128xi32, #tpu.memory_space<hbm>> -> memref<128xi32, #tpu.memory_space<hbm>>
      %dma_wait3A_60 = arith.constant 0 : i32
      %dma_wait3A_61 = tpu.memref_slice %arg3[%add3A_32, %dma_wait3A_60] : memref<128x128xi32, #tpu.memory_space<hbm>> -> memref<1x128xi32, #tpu.memory_space<hbm>>
      %dma_wait3A_62 = tpu.memref_squeeze %dma_wait3A_61 : memref<1x128xi32, #tpu.memory_space<hbm>> -> memref<128xi32, #tpu.memory_space<hbm>>
      tpu.wait_dma2 semaphore(%run_scoped3A : memref<!tpu.dma_semaphore, #tpu.memory_space<semaphore_mem>>) src(%dma_wait3A_62 : memref<128xi32, #tpu.memory_space<hbm>>) dst(%arg6 : memref<128xi32, #tpu.memory_space<vmem>>)
      tpu.yield
    }) : () -> ()
    %mul3A_33 = arith.constant 4 : i32
    %mul3A_34 = arith.muli %add3A, %mul3A_33 : i32
    %add3A_35 = arith.constant 2 : i32
    %add3A_36 = arith.addi %mul3A_34, %add3A_35 : i32
    %add3A_37 = arith.constant 1 : i32
    %add3A_38 = arith.addi %add3A_36, %add3A_37 : i32
    "tpu.region"() ({
      %run_scoped3A = tpu.sem_alloc : memref<!tpu.dma_semaphore, #tpu.memory_space<semaphore_mem>>
      %dma_start3A_51 = arith.constant 0 : i32
      %dma_start3A_52 = tpu.memref_slice %arg3[%add3A_38, %dma_start3A_51] : memref<128x128xi32, #tpu.memory_space<hbm>> -> memref<1x128xi32, #tpu.memory_space<hbm>>
      %dma_start3A_53 = tpu.memref_squeeze %dma_start3A_52 : memref<1x128xi32, #tpu.memory_space<hbm>> -> memref<128xi32, #tpu.memory_space<hbm>>
      %dma_start3A_54 = arith.constant 0 : i32
      %dma_start3A_55 = tpu.memref_slice %arg3[%add3A_38, %dma_start3A_54] : memref<128x128xi32, #tpu.memory_space<hbm>> -> memref<1x128xi32, #tpu.memory_space<hbm>>
      %dma_start3A_56 = tpu.memref_squeeze %dma_start3A_55 : memref<1x128xi32, #tpu.memory_space<hbm>> -> memref<128xi32, #tpu.memory_space<hbm>>
      tpu.enqueue_dma source(%dma_start3A_56 : memref<128xi32, #tpu.memory_space<hbm>>) target(%arg7 : memref<128xi32, #tpu.memory_space<vmem>>) target_semaphore(%run_scoped3A : memref<!tpu.dma_semaphore, #tpu.memory_space<semaphore_mem>>)
      %dma_wait3A_57 = arith.constant 0 : i32
      %dma_wait3A_58 = tpu.memref_slice %arg3[%add3A_38, %dma_wait3A_57] : memref<128x128xi32, #tpu.memory_space<hbm>> -> memref<1x128xi32, #tpu.memory_space<hbm>>
      %dma_wait3A_59 = tpu.memref_squeeze %dma_wait3A_58 : memref<1x128xi32, #tpu.memory_space<hbm>> -> memref<128xi32, #tpu.memory_space<hbm>>
      %dma_wait3A_60 = arith.constant 0 : i32
      %dma_wait3A_61 = tpu.memref_slice %arg3[%add3A_38, %dma_wait3A_60] : memref<128x128xi32, #tpu.memory_space<hbm>> -> memref<1x128xi32, #tpu.memory_space<hbm>>
      %dma_wait3A_62 = tpu.memref_squeeze %dma_wait3A_61 : memref<1x128xi32, #tpu.memory_space<hbm>> -> memref<128xi32, #tpu.memory_space<hbm>>
      tpu.wait_dma2 semaphore(%run_scoped3A : memref<!tpu.dma_semaphore, #tpu.memory_space<semaphore_mem>>) src(%dma_wait3A_62 : memref<128xi32, #tpu.memory_space<hbm>>) dst(%arg7 : memref<128xi32, #tpu.memory_space<vmem>>)
      tpu.yield
    }) : () -> ()
    %dma_start3A_39 = arith.constant 0 : i32
    %dma_start3A_40 = arith.constant 0 : i32
    %dma_start3A_41 = tpu.memref_slice %arg4[%dma_start3A_39, %dma_start3A_40] : memref<20480x512xf32, #tpu.memory_space<hbm>> -> memref<20480x512xf32, #tpu.memory_space<hbm>>
    tpu.enqueue_indirect_dma source(%arg5 : memref<128x512xf32, #tpu.memory_space<vmem>>) target(%dma_start3A_41 : memref<20480x512xf32, #tpu.memory_space<hbm>>) offsets(%arg6 : memref<128xi32, #tpu.memory_space<vmem>>) semaphore(%arg8 : memref<!tpu.dma_semaphore, #tpu.memory_space<semaphore_mem>>)
    %dma_start3A_42 = arith.constant 0 : i32
    %dma_start3A_43 = arith.constant 0 : i32
    %dma_start3A_44 = tpu.memref_slice %arg4[%dma_start3A_42, %dma_start3A_43] : memref<20480x512xf32, #tpu.memory_space<hbm>> -> memref<20480x512xf32, #tpu.memory_space<hbm>>
    tpu.enqueue_indirect_dma source(%arg5 : memref<128x512xf32, #tpu.memory_space<vmem>>) target(%dma_start3A_44 : memref<20480x512xf32, #tpu.memory_space<hbm>>) offsets(%arg7 : memref<128xi32, #tpu.memory_space<vmem>>) semaphore(%arg8 : memref<!tpu.dma_semaphore, #tpu.memory_space<semaphore_mem>>)
    %dma_wait3A_45 = arith.constant 0 : i32
    %dma_wait3A_46 = arith.constant 0 : i32
    %dma_wait3A_47 = tpu.memref_slice %arg4[%dma_wait3A_45, %dma_wait3A_46] : memref<20480x512xf32, #tpu.memory_space<hbm>> -> memref<20480x512xf32, #tpu.memory_space<hbm>>
    tpu.wait_indirect_dma semaphore(%arg8 : memref<!tpu.dma_semaphore, #tpu.memory_space<semaphore_mem>>) src(%arg5 : memref<128x512xf32, #tpu.memory_space<vmem>>) dst(%dma_wait3A_47 : memref<20480x512xf32, #tpu.memory_space<hbm>>)
    %dma_wait3A_48 = arith.constant 0 : i32
    %dma_wait3A_49 = arith.constant 0 : i32
    %dma_wait3A_50 = tpu.memref_slice %arg4[%dma_wait3A_48, %dma_wait3A_49] : memref<20480x512xf32, #tpu.memory_space<hbm>> -> memref<20480x512xf32, #tpu.memory_space<hbm>>
    tpu.wait_indirect_dma semaphore(%arg8 : memref<!tpu.dma_semaphore, #tpu.memory_space<semaphore_mem>>) src(%arg5 : memref<128x512xf32, #tpu.memory_space<vmem>>) dst(%dma_wait3A_50 : memref<20480x512xf32, #tpu.memory_space<hbm>>)
    return
  }
}

#map = affine_map<(d0, d1) -> (0, 0)>
module attributes {stable_mosaic.version = 14 : i64} {
  func.func @k(%arg0: i32, %arg1: i32, %arg2: memref<20480x512xf32, #tpu.memory_space<hbm>>, %arg3: memref<128x128xi32, #tpu.memory_space<hbm>>, %arg4: memref<8192x512xf32, #tpu.memory_space<hbm>>, %arg5: memref<8192x512xf32, #tpu.memory_space<hbm>>, %arg6: memref<128x512xf32, #tpu.memory_space<vmem>>, %arg7: memref<128xi32, #tpu.memory_space<vmem>>, %arg8: memref<!tpu.dma_semaphore, #tpu.memory_space<semaphore_mem>>) attributes {dimension_semantics = [#tpu.dimension_semantics<core_parallel>, #tpu.dimension_semantics<subcore_parallel>], iteration_bounds = array<i64: 2, 16>, scalar_prefetch = 0 : i64, scratch_operands = 3 : i64, tpu.core_type = #tpu.core_type<sc_vector_subcore>, window_params = [{transform_indices = #map}, {transform_indices = #map}, {transform_indices = #map}, {transform_indices = #map}]} {
    %mul3A = arith.constant 2 : i32
    %mul3A_0 = arith.muli %arg1, %mul3A : i32
    %add3A = arith.addi %mul3A_0, %arg0 : i32
    %mul3A_1 = arith.constant 256 : i32
    %mul3A_2 = arith.muli %add3A, %mul3A_1 : i32
    %add3A_3 = arith.constant 0 : i32
    %add3A_4 = arith.addi %mul3A_2, %add3A_3 : i32
    %mul3A_5 = arith.constant 4 : i32
    %mul3A_6 = arith.muli %add3A, %mul3A_5 : i32
    %add3A_7 = arith.constant 0 : i32
    %add3A_8 = arith.addi %mul3A_6, %add3A_7 : i32
    %add3A_9 = arith.constant 0 : i32
    %add3A_10 = arith.addi %add3A_8, %add3A_9 : i32
    "tpu.region"() ({
      %run_scoped3A = tpu.sem_alloc : memref<!tpu.dma_semaphore, #tpu.memory_space<semaphore_mem>>
      %dma_start3A_55 = arith.constant 0 : i32
      %dma_start3A_56 = tpu.memref_slice %arg3[%add3A_10, %dma_start3A_55] : memref<128x128xi32, #tpu.memory_space<hbm>> -> memref<1x128xi32, #tpu.memory_space<hbm>>
      %dma_start3A_57 = tpu.memref_squeeze %dma_start3A_56 : memref<1x128xi32, #tpu.memory_space<hbm>> -> memref<128xi32, #tpu.memory_space<hbm>>
      %dma_start3A_58 = arith.constant 0 : i32
      %dma_start3A_59 = tpu.memref_slice %arg3[%add3A_10, %dma_start3A_58] : memref<128x128xi32, #tpu.memory_space<hbm>> -> memref<1x128xi32, #tpu.memory_space<hbm>>
      %dma_start3A_60 = tpu.memref_squeeze %dma_start3A_59 : memref<1x128xi32, #tpu.memory_space<hbm>> -> memref<128xi32, #tpu.memory_space<hbm>>
      tpu.enqueue_dma source(%dma_start3A_60 : memref<128xi32, #tpu.memory_space<hbm>>) target(%arg7 : memref<128xi32, #tpu.memory_space<vmem>>) target_semaphore(%run_scoped3A : memref<!tpu.dma_semaphore, #tpu.memory_space<semaphore_mem>>)
      %dma_wait3A_61 = arith.constant 0 : i32
      %dma_wait3A_62 = tpu.memref_slice %arg3[%add3A_10, %dma_wait3A_61] : memref<128x128xi32, #tpu.memory_space<hbm>> -> memref<1x128xi32, #tpu.memory_space<hbm>>
      %dma_wait3A_63 = tpu.memref_squeeze %dma_wait3A_62 : memref<1x128xi32, #tpu.memory_space<hbm>> -> memref<128xi32, #tpu.memory_space<hbm>>
      %dma_wait3A_64 = arith.constant 0 : i32
      %dma_wait3A_65 = tpu.memref_slice %arg3[%add3A_10, %dma_wait3A_64] : memref<128x128xi32, #tpu.memory_space<hbm>> -> memref<1x128xi32, #tpu.memory_space<hbm>>
      %dma_wait3A_66 = tpu.memref_squeeze %dma_wait3A_65 : memref<1x128xi32, #tpu.memory_space<hbm>> -> memref<128xi32, #tpu.memory_space<hbm>>
      tpu.wait_dma2 semaphore(%run_scoped3A : memref<!tpu.dma_semaphore, #tpu.memory_space<semaphore_mem>>) src(%dma_wait3A_66 : memref<128xi32, #tpu.memory_space<hbm>>) dst(%arg7 : memref<128xi32, #tpu.memory_space<vmem>>)
      tpu.yield
    }) : () -> ()
    %dma_start3A = arith.constant 0 : i32
    %dma_start3A_11 = arith.constant 0 : i32
    %dma_start3A_12 = tpu.memref_slice %arg2[%dma_start3A, %dma_start3A_11] : memref<20480x512xf32, #tpu.memory_space<hbm>> -> memref<20480x512xf32, #tpu.memory_space<hbm>>
    tpu.enqueue_indirect_dma source(%dma_start3A_12 : memref<20480x512xf32, #tpu.memory_space<hbm>>) target(%arg6 : memref<128x512xf32, #tpu.memory_space<vmem>>) offsets(%arg7 : memref<128xi32, #tpu.memory_space<vmem>>) semaphore(%arg8 : memref<!tpu.dma_semaphore, #tpu.memory_space<semaphore_mem>>)
    %dma_wait3A = arith.constant 0 : i32
    %dma_wait3A_13 = arith.constant 0 : i32
    %dma_wait3A_14 = tpu.memref_slice %arg2[%dma_wait3A, %dma_wait3A_13] : memref<20480x512xf32, #tpu.memory_space<hbm>> -> memref<20480x512xf32, #tpu.memory_space<hbm>>
    tpu.wait_indirect_dma semaphore(%arg8 : memref<!tpu.dma_semaphore, #tpu.memory_space<semaphore_mem>>) src(%dma_wait3A_14 : memref<20480x512xf32, #tpu.memory_space<hbm>>) dst(%arg6 : memref<128x512xf32, #tpu.memory_space<vmem>>)
    "tpu.region"() ({
      %run_scoped3A = tpu.sem_alloc : memref<!tpu.dma_semaphore, #tpu.memory_space<semaphore_mem>>
      %dma_start3A_55 = arith.constant 0 : i32
      %dma_start3A_56 = tpu.memref_slice %arg4[%add3A_4, %dma_start3A_55] : memref<8192x512xf32, #tpu.memory_space<hbm>> -> memref<128x512xf32, #tpu.memory_space<hbm>>
      %dma_start3A_57 = arith.constant 0 : i32
      %dma_start3A_58 = tpu.memref_slice %arg4[%add3A_4, %dma_start3A_57] : memref<8192x512xf32, #tpu.memory_space<hbm>> -> memref<128x512xf32, #tpu.memory_space<hbm>>
      tpu.enqueue_dma source(%arg6 : memref<128x512xf32, #tpu.memory_space<vmem>>) target(%dma_start3A_58 : memref<128x512xf32, #tpu.memory_space<hbm>>) target_semaphore(%run_scoped3A : memref<!tpu.dma_semaphore, #tpu.memory_space<semaphore_mem>>)
      %dma_wait3A_59 = arith.constant 0 : i32
      %dma_wait3A_60 = tpu.memref_slice %arg4[%add3A_4, %dma_wait3A_59] : memref<8192x512xf32, #tpu.memory_space<hbm>> -> memref<128x512xf32, #tpu.memory_space<hbm>>
      %dma_wait3A_61 = arith.constant 0 : i32
      %dma_wait3A_62 = tpu.memref_slice %arg4[%add3A_4, %dma_wait3A_61] : memref<8192x512xf32, #tpu.memory_space<hbm>> -> memref<128x512xf32, #tpu.memory_space<hbm>>
      tpu.wait_dma2 semaphore(%run_scoped3A : memref<!tpu.dma_semaphore, #tpu.memory_space<semaphore_mem>>) src(%arg6 : memref<128x512xf32, #tpu.memory_space<vmem>>) dst(%dma_wait3A_62 : memref<128x512xf32, #tpu.memory_space<hbm>>)
      tpu.yield
    }) : () -> ()
    %mul3A_15 = arith.constant 4 : i32
    %mul3A_16 = arith.muli %add3A, %mul3A_15 : i32
    %add3A_17 = arith.constant 0 : i32
    %add3A_18 = arith.addi %mul3A_16, %add3A_17 : i32
    %add3A_19 = arith.constant 1 : i32
    %add3A_20 = arith.addi %add3A_18, %add3A_19 : i32
    "tpu.region"() ({
      %run_scoped3A = tpu.sem_alloc : memref<!tpu.dma_semaphore, #tpu.memory_space<semaphore_mem>>
      %dma_start3A_55 = arith.constant 0 : i32
      %dma_start3A_56 = tpu.memref_slice %arg3[%add3A_20, %dma_start3A_55] : memref<128x128xi32, #tpu.memory_space<hbm>> -> memref<1x128xi32, #tpu.memory_space<hbm>>
      %dma_start3A_57 = tpu.memref_squeeze %dma_start3A_56 : memref<1x128xi32, #tpu.memory_space<hbm>> -> memref<128xi32, #tpu.memory_space<hbm>>
      %dma_start3A_58 = arith.constant 0 : i32
      %dma_start3A_59 = tpu.memref_slice %arg3[%add3A_20, %dma_start3A_58] : memref<128x128xi32, #tpu.memory_space<hbm>> -> memref<1x128xi32, #tpu.memory_space<hbm>>
      %dma_start3A_60 = tpu.memref_squeeze %dma_start3A_59 : memref<1x128xi32, #tpu.memory_space<hbm>> -> memref<128xi32, #tpu.memory_space<hbm>>
      tpu.enqueue_dma source(%dma_start3A_60 : memref<128xi32, #tpu.memory_space<hbm>>) target(%arg7 : memref<128xi32, #tpu.memory_space<vmem>>) target_semaphore(%run_scoped3A : memref<!tpu.dma_semaphore, #tpu.memory_space<semaphore_mem>>)
      %dma_wait3A_61 = arith.constant 0 : i32
      %dma_wait3A_62 = tpu.memref_slice %arg3[%add3A_20, %dma_wait3A_61] : memref<128x128xi32, #tpu.memory_space<hbm>> -> memref<1x128xi32, #tpu.memory_space<hbm>>
      %dma_wait3A_63 = tpu.memref_squeeze %dma_wait3A_62 : memref<1x128xi32, #tpu.memory_space<hbm>> -> memref<128xi32, #tpu.memory_space<hbm>>
      %dma_wait3A_64 = arith.constant 0 : i32
      %dma_wait3A_65 = tpu.memref_slice %arg3[%add3A_20, %dma_wait3A_64] : memref<128x128xi32, #tpu.memory_space<hbm>> -> memref<1x128xi32, #tpu.memory_space<hbm>>
      %dma_wait3A_66 = tpu.memref_squeeze %dma_wait3A_65 : memref<1x128xi32, #tpu.memory_space<hbm>> -> memref<128xi32, #tpu.memory_space<hbm>>
      tpu.wait_dma2 semaphore(%run_scoped3A : memref<!tpu.dma_semaphore, #tpu.memory_space<semaphore_mem>>) src(%dma_wait3A_66 : memref<128xi32, #tpu.memory_space<hbm>>) dst(%arg7 : memref<128xi32, #tpu.memory_space<vmem>>)
      tpu.yield
    }) : () -> ()
    %dma_start3A_21 = arith.constant 0 : i32
    %dma_start3A_22 = arith.constant 0 : i32
    %dma_start3A_23 = tpu.memref_slice %arg2[%dma_start3A_21, %dma_start3A_22] : memref<20480x512xf32, #tpu.memory_space<hbm>> -> memref<20480x512xf32, #tpu.memory_space<hbm>>
    tpu.enqueue_indirect_dma source(%dma_start3A_23 : memref<20480x512xf32, #tpu.memory_space<hbm>>) target(%arg6 : memref<128x512xf32, #tpu.memory_space<vmem>>) offsets(%arg7 : memref<128xi32, #tpu.memory_space<vmem>>) semaphore(%arg8 : memref<!tpu.dma_semaphore, #tpu.memory_space<semaphore_mem>>)
    %dma_wait3A_24 = arith.constant 0 : i32
    %dma_wait3A_25 = arith.constant 0 : i32
    %dma_wait3A_26 = tpu.memref_slice %arg2[%dma_wait3A_24, %dma_wait3A_25] : memref<20480x512xf32, #tpu.memory_space<hbm>> -> memref<20480x512xf32, #tpu.memory_space<hbm>>
    tpu.wait_indirect_dma semaphore(%arg8 : memref<!tpu.dma_semaphore, #tpu.memory_space<semaphore_mem>>) src(%dma_wait3A_26 : memref<20480x512xf32, #tpu.memory_space<hbm>>) dst(%arg6 : memref<128x512xf32, #tpu.memory_space<vmem>>)
    "tpu.region"() ({
      %run_scoped3A = tpu.sem_alloc : memref<!tpu.dma_semaphore, #tpu.memory_space<semaphore_mem>>
      %dma_start3A_55 = arith.constant 0 : i32
      %dma_start3A_56 = tpu.memref_slice %arg5[%add3A_4, %dma_start3A_55] : memref<8192x512xf32, #tpu.memory_space<hbm>> -> memref<128x512xf32, #tpu.memory_space<hbm>>
      %dma_start3A_57 = arith.constant 0 : i32
      %dma_start3A_58 = tpu.memref_slice %arg5[%add3A_4, %dma_start3A_57] : memref<8192x512xf32, #tpu.memory_space<hbm>> -> memref<128x512xf32, #tpu.memory_space<hbm>>
      tpu.enqueue_dma source(%arg6 : memref<128x512xf32, #tpu.memory_space<vmem>>) target(%dma_start3A_58 : memref<128x512xf32, #tpu.memory_space<hbm>>) target_semaphore(%run_scoped3A : memref<!tpu.dma_semaphore, #tpu.memory_space<semaphore_mem>>)
      %dma_wait3A_59 = arith.constant 0 : i32
      %dma_wait3A_60 = tpu.memref_slice %arg5[%add3A_4, %dma_wait3A_59] : memref<8192x512xf32, #tpu.memory_space<hbm>> -> memref<128x512xf32, #tpu.memory_space<hbm>>
      %dma_wait3A_61 = arith.constant 0 : i32
      %dma_wait3A_62 = tpu.memref_slice %arg5[%add3A_4, %dma_wait3A_61] : memref<8192x512xf32, #tpu.memory_space<hbm>> -> memref<128x512xf32, #tpu.memory_space<hbm>>
      tpu.wait_dma2 semaphore(%run_scoped3A : memref<!tpu.dma_semaphore, #tpu.memory_space<semaphore_mem>>) src(%arg6 : memref<128x512xf32, #tpu.memory_space<vmem>>) dst(%dma_wait3A_62 : memref<128x512xf32, #tpu.memory_space<hbm>>)
      tpu.yield
    }) : () -> ()
    %mul3A_27 = arith.constant 256 : i32
    %mul3A_28 = arith.muli %add3A, %mul3A_27 : i32
    %add3A_29 = arith.constant 128 : i32
    %add3A_30 = arith.addi %mul3A_28, %add3A_29 : i32
    %mul3A_31 = arith.constant 4 : i32
    %mul3A_32 = arith.muli %add3A, %mul3A_31 : i32
    %add3A_33 = arith.constant 2 : i32
    %add3A_34 = arith.addi %mul3A_32, %add3A_33 : i32
    %add3A_35 = arith.constant 0 : i32
    %add3A_36 = arith.addi %add3A_34, %add3A_35 : i32
    "tpu.region"() ({
      %run_scoped3A = tpu.sem_alloc : memref<!tpu.dma_semaphore, #tpu.memory_space<semaphore_mem>>
      %dma_start3A_55 = arith.constant 0 : i32
      %dma_start3A_56 = tpu.memref_slice %arg3[%add3A_36, %dma_start3A_55] : memref<128x128xi32, #tpu.memory_space<hbm>> -> memref<1x128xi32, #tpu.memory_space<hbm>>
      %dma_start3A_57 = tpu.memref_squeeze %dma_start3A_56 : memref<1x128xi32, #tpu.memory_space<hbm>> -> memref<128xi32, #tpu.memory_space<hbm>>
      %dma_start3A_58 = arith.constant 0 : i32
      %dma_start3A_59 = tpu.memref_slice %arg3[%add3A_36, %dma_start3A_58] : memref<128x128xi32, #tpu.memory_space<hbm>> -> memref<1x128xi32, #tpu.memory_space<hbm>>
      %dma_start3A_60 = tpu.memref_squeeze %dma_start3A_59 : memref<1x128xi32, #tpu.memory_space<hbm>> -> memref<128xi32, #tpu.memory_space<hbm>>
      tpu.enqueue_dma source(%dma_start3A_60 : memref<128xi32, #tpu.memory_space<hbm>>) target(%arg7 : memref<128xi32, #tpu.memory_space<vmem>>) target_semaphore(%run_scoped3A : memref<!tpu.dma_semaphore, #tpu.memory_space<semaphore_mem>>)
      %dma_wait3A_61 = arith.constant 0 : i32
      %dma_wait3A_62 = tpu.memref_slice %arg3[%add3A_36, %dma_wait3A_61] : memref<128x128xi32, #tpu.memory_space<hbm>> -> memref<1x128xi32, #tpu.memory_space<hbm>>
      %dma_wait3A_63 = tpu.memref_squeeze %dma_wait3A_62 : memref<1x128xi32, #tpu.memory_space<hbm>> -> memref<128xi32, #tpu.memory_space<hbm>>
      %dma_wait3A_64 = arith.constant 0 : i32
      %dma_wait3A_65 = tpu.memref_slice %arg3[%add3A_36, %dma_wait3A_64] : memref<128x128xi32, #tpu.memory_space<hbm>> -> memref<1x128xi32, #tpu.memory_space<hbm>>
      %dma_wait3A_66 = tpu.memref_squeeze %dma_wait3A_65 : memref<1x128xi32, #tpu.memory_space<hbm>> -> memref<128xi32, #tpu.memory_space<hbm>>
      tpu.wait_dma2 semaphore(%run_scoped3A : memref<!tpu.dma_semaphore, #tpu.memory_space<semaphore_mem>>) src(%dma_wait3A_66 : memref<128xi32, #tpu.memory_space<hbm>>) dst(%arg7 : memref<128xi32, #tpu.memory_space<vmem>>)
      tpu.yield
    }) : () -> ()
    %dma_start3A_37 = arith.constant 0 : i32
    %dma_start3A_38 = arith.constant 0 : i32
    %dma_start3A_39 = tpu.memref_slice %arg2[%dma_start3A_37, %dma_start3A_38] : memref<20480x512xf32, #tpu.memory_space<hbm>> -> memref<20480x512xf32, #tpu.memory_space<hbm>>
    tpu.enqueue_indirect_dma source(%dma_start3A_39 : memref<20480x512xf32, #tpu.memory_space<hbm>>) target(%arg6 : memref<128x512xf32, #tpu.memory_space<vmem>>) offsets(%arg7 : memref<128xi32, #tpu.memory_space<vmem>>) semaphore(%arg8 : memref<!tpu.dma_semaphore, #tpu.memory_space<semaphore_mem>>)
    %dma_wait3A_40 = arith.constant 0 : i32
    %dma_wait3A_41 = arith.constant 0 : i32
    %dma_wait3A_42 = tpu.memref_slice %arg2[%dma_wait3A_40, %dma_wait3A_41] : memref<20480x512xf32, #tpu.memory_space<hbm>> -> memref<20480x512xf32, #tpu.memory_space<hbm>>
    tpu.wait_indirect_dma semaphore(%arg8 : memref<!tpu.dma_semaphore, #tpu.memory_space<semaphore_mem>>) src(%dma_wait3A_42 : memref<20480x512xf32, #tpu.memory_space<hbm>>) dst(%arg6 : memref<128x512xf32, #tpu.memory_space<vmem>>)
    "tpu.region"() ({
      %run_scoped3A = tpu.sem_alloc : memref<!tpu.dma_semaphore, #tpu.memory_space<semaphore_mem>>
      %dma_start3A_55 = arith.constant 0 : i32
      %dma_start3A_56 = tpu.memref_slice %arg4[%add3A_30, %dma_start3A_55] : memref<8192x512xf32, #tpu.memory_space<hbm>> -> memref<128x512xf32, #tpu.memory_space<hbm>>
      %dma_start3A_57 = arith.constant 0 : i32
      %dma_start3A_58 = tpu.memref_slice %arg4[%add3A_30, %dma_start3A_57] : memref<8192x512xf32, #tpu.memory_space<hbm>> -> memref<128x512xf32, #tpu.memory_space<hbm>>
      tpu.enqueue_dma source(%arg6 : memref<128x512xf32, #tpu.memory_space<vmem>>) target(%dma_start3A_58 : memref<128x512xf32, #tpu.memory_space<hbm>>) target_semaphore(%run_scoped3A : memref<!tpu.dma_semaphore, #tpu.memory_space<semaphore_mem>>)
      %dma_wait3A_59 = arith.constant 0 : i32
      %dma_wait3A_60 = tpu.memref_slice %arg4[%add3A_30, %dma_wait3A_59] : memref<8192x512xf32, #tpu.memory_space<hbm>> -> memref<128x512xf32, #tpu.memory_space<hbm>>
      %dma_wait3A_61 = arith.constant 0 : i32
      %dma_wait3A_62 = tpu.memref_slice %arg4[%add3A_30, %dma_wait3A_61] : memref<8192x512xf32, #tpu.memory_space<hbm>> -> memref<128x512xf32, #tpu.memory_space<hbm>>
      tpu.wait_dma2 semaphore(%run_scoped3A : memref<!tpu.dma_semaphore, #tpu.memory_space<semaphore_mem>>) src(%arg6 : memref<128x512xf32, #tpu.memory_space<vmem>>) dst(%dma_wait3A_62 : memref<128x512xf32, #tpu.memory_space<hbm>>)
      tpu.yield
    }) : () -> ()
    %mul3A_43 = arith.constant 4 : i32
    %mul3A_44 = arith.muli %add3A, %mul3A_43 : i32
    %add3A_45 = arith.constant 2 : i32
    %add3A_46 = arith.addi %mul3A_44, %add3A_45 : i32
    %add3A_47 = arith.constant 1 : i32
    %add3A_48 = arith.addi %add3A_46, %add3A_47 : i32
    "tpu.region"() ({
      %run_scoped3A = tpu.sem_alloc : memref<!tpu.dma_semaphore, #tpu.memory_space<semaphore_mem>>
      %dma_start3A_55 = arith.constant 0 : i32
      %dma_start3A_56 = tpu.memref_slice %arg3[%add3A_48, %dma_start3A_55] : memref<128x128xi32, #tpu.memory_space<hbm>> -> memref<1x128xi32, #tpu.memory_space<hbm>>
      %dma_start3A_57 = tpu.memref_squeeze %dma_start3A_56 : memref<1x128xi32, #tpu.memory_space<hbm>> -> memref<128xi32, #tpu.memory_space<hbm>>
      %dma_start3A_58 = arith.constant 0 : i32
      %dma_start3A_59 = tpu.memref_slice %arg3[%add3A_48, %dma_start3A_58] : memref<128x128xi32, #tpu.memory_space<hbm>> -> memref<1x128xi32, #tpu.memory_space<hbm>>
      %dma_start3A_60 = tpu.memref_squeeze %dma_start3A_59 : memref<1x128xi32, #tpu.memory_space<hbm>> -> memref<128xi32, #tpu.memory_space<hbm>>
      tpu.enqueue_dma source(%dma_start3A_60 : memref<128xi32, #tpu.memory_space<hbm>>) target(%arg7 : memref<128xi32, #tpu.memory_space<vmem>>) target_semaphore(%run_scoped3A : memref<!tpu.dma_semaphore, #tpu.memory_space<semaphore_mem>>)
      %dma_wait3A_61 = arith.constant 0 : i32
      %dma_wait3A_62 = tpu.memref_slice %arg3[%add3A_48, %dma_wait3A_61] : memref<128x128xi32, #tpu.memory_space<hbm>> -> memref<1x128xi32, #tpu.memory_space<hbm>>
      %dma_wait3A_63 = tpu.memref_squeeze %dma_wait3A_62 : memref<1x128xi32, #tpu.memory_space<hbm>> -> memref<128xi32, #tpu.memory_space<hbm>>
      %dma_wait3A_64 = arith.constant 0 : i32
      %dma_wait3A_65 = tpu.memref_slice %arg3[%add3A_48, %dma_wait3A_64] : memref<128x128xi32, #tpu.memory_space<hbm>> -> memref<1x128xi32, #tpu.memory_space<hbm>>
      %dma_wait3A_66 = tpu.memref_squeeze %dma_wait3A_65 : memref<1x128xi32, #tpu.memory_space<hbm>> -> memref<128xi32, #tpu.memory_space<hbm>>
      tpu.wait_dma2 semaphore(%run_scoped3A : memref<!tpu.dma_semaphore, #tpu.memory_space<semaphore_mem>>) src(%dma_wait3A_66 : memref<128xi32, #tpu.memory_space<hbm>>) dst(%arg7 : memref<128xi32, #tpu.memory_space<vmem>>)
      tpu.yield
    }) : () -> ()
    %dma_start3A_49 = arith.constant 0 : i32
    %dma_start3A_50 = arith.constant 0 : i32
    %dma_start3A_51 = tpu.memref_slice %arg2[%dma_start3A_49, %dma_start3A_50] : memref<20480x512xf32, #tpu.memory_space<hbm>> -> memref<20480x512xf32, #tpu.memory_space<hbm>>
    tpu.enqueue_indirect_dma source(%dma_start3A_51 : memref<20480x512xf32, #tpu.memory_space<hbm>>) target(%arg6 : memref<128x512xf32, #tpu.memory_space<vmem>>) offsets(%arg7 : memref<128xi32, #tpu.memory_space<vmem>>) semaphore(%arg8 : memref<!tpu.dma_semaphore, #tpu.memory_space<semaphore_mem>>)
    %dma_wait3A_52 = arith.constant 0 : i32
    %dma_wait3A_53 = arith.constant 0 : i32
    %dma_wait3A_54 = tpu.memref_slice %arg2[%dma_wait3A_52, %dma_wait3A_53] : memref<20480x512xf32, #tpu.memory_space<hbm>> -> memref<20480x512xf32, #tpu.memory_space<hbm>>
    tpu.wait_indirect_dma semaphore(%arg8 : memref<!tpu.dma_semaphore, #tpu.memory_space<semaphore_mem>>) src(%dma_wait3A_54 : memref<20480x512xf32, #tpu.memory_space<hbm>>) dst(%arg6 : memref<128x512xf32, #tpu.memory_space<vmem>>)
    "tpu.region"() ({
      %run_scoped3A = tpu.sem_alloc : memref<!tpu.dma_semaphore, #tpu.memory_space<semaphore_mem>>
      %dma_start3A_55 = arith.constant 0 : i32
      %dma_start3A_56 = tpu.memref_slice %arg5[%add3A_30, %dma_start3A_55] : memref<8192x512xf32, #tpu.memory_space<hbm>> -> memref<128x512xf32, #tpu.memory_space<hbm>>
      %dma_start3A_57 = arith.constant 0 : i32
      %dma_start3A_58 = tpu.memref_slice %arg5[%add3A_30, %dma_start3A_57] : memref<8192x512xf32, #tpu.memory_space<hbm>> -> memref<128x512xf32, #tpu.memory_space<hbm>>
      tpu.enqueue_dma source(%arg6 : memref<128x512xf32, #tpu.memory_space<vmem>>) target(%dma_start3A_58 : memref<128x512xf32, #tpu.memory_space<hbm>>) target_semaphore(%run_scoped3A : memref<!tpu.dma_semaphore, #tpu.memory_space<semaphore_mem>>)
      %dma_wait3A_59 = arith.constant 0 : i32
      %dma_wait3A_60 = tpu.memref_slice %arg5[%add3A_30, %dma_wait3A_59] : memref<8192x512xf32, #tpu.memory_space<hbm>> -> memref<128x512xf32, #tpu.memory_space<hbm>>
      %dma_wait3A_61 = arith.constant 0 : i32
      %dma_wait3A_62 = tpu.memref_slice %arg5[%add3A_30, %dma_wait3A_61] : memref<8192x512xf32, #tpu.memory_space<hbm>> -> memref<128x512xf32, #tpu.memory_space<hbm>>
      tpu.wait_dma2 semaphore(%run_scoped3A : memref<!tpu.dma_semaphore, #tpu.memory_space<semaphore_mem>>) src(%arg6 : memref<128x512xf32, #tpu.memory_space<vmem>>) dst(%dma_wait3A_62 : memref<128x512xf32, #tpu.memory_space<hbm>>)
      tpu.yield
    }) : () -> ()
    return
  }
}

module attributes {stable_mosaic.version = 14 : i64} {
  func.func @_gate_body(%arg0: i32, %arg1: memref<512x1024xf32, #tpu.memory_space<vmem>>, %arg2: memref<1024x8xf32, #tpu.memory_space<vmem>>, %arg3: memref<1x8xf32, #tpu.memory_space<vmem>>, %arg4: memref<512x512xf32, #tpu.memory_space<vmem>>, %arg5: memref<512x8xf32, #tpu.memory_space<vmem>>, %arg6: memref<512x8xf32, #tpu.memory_space<vmem>>, %arg7: memref<512x1xf32, #tpu.memory_space<vmem>>, %arg8: memref<512x1xf32, #tpu.memory_space<vmem>>, %arg9: memref<512x8xf32, #tpu.memory_space<vmem>>, %arg10: memref<512x1xf32, #tpu.memory_space<vmem>>, %arg11: memref<512x1xf32, #tpu.memory_space<vmem>>, %arg12: memref<1x8xf32, #tpu.memory_space<vmem>>, %arg13: memref<512x512xbf16, #tpu.memory_space<vmem>>) attributes {dimension_semantics = [#tpu.dimension_semantics<arbitrary>], iteration_bounds = array<i64: 16>, scalar_prefetch = 0 : i64, scratch_operands = 1 : i64, tpu.core_type = #tpu.core_type<tc>, window_params = [{transform_indices = @transform_0, window_bounds = array<i64: 512, 1024>}, {pipeline_mode = #tpu.pipeline_mode<synchronous>, transform_indices = @transform_1, window_bounds = array<i64: 1024, 8>}, {pipeline_mode = #tpu.pipeline_mode<synchronous>, transform_indices = @transform_2, window_bounds = array<i64: 1, 8>}, {transform_indices = @transform_3, window_bounds = array<i64: 512, 512>}, {transform_indices = @transform_4, window_bounds = array<i64: 512, 8>}, {transform_indices = @transform_5, window_bounds = array<i64: 512, 8>}, {transform_indices = @transform_6, window_bounds = array<i64: 512, 1>}, {transform_indices = @transform_7, window_bounds = array<i64: 512, 1>}, {transform_indices = @transform_8, window_bounds = array<i64: 512, 8>}, {transform_indices = @transform_9, window_bounds = array<i64: 512, 1>}, {transform_indices = @transform_10, window_bounds = array<i64: 512, 1>}, {pipeline_mode = #tpu.pipeline_mode<synchronous>, transform_indices = @transform_11, window_bounds = array<i64: 1, 8>}]} {
    %get3A = arith.constant 0 : index
    %get3A_0 = arith.constant 0 : index
    %get3A_1 = vector.load %arg1[%get3A, %get3A_0] : memref<512x1024xf32, #tpu.memory_space<vmem>>, vector<512x1024xf32>
    %get3A_2 = arith.constant 0 : index
    %get3A_3 = arith.constant 0 : index
    %get3A_4 = vector.load %arg2[%get3A_2, %get3A_3] : memref<1024x8xf32, #tpu.memory_space<vmem>>, vector<1024x8xf32>
    %dot_general3A = arith.constant dense<0.000000e+00> : vector<512x8xf32>
    %dot_general3A_5 = tpu.matmul %get3A_1, %get3A_4, %dot_general3A {dimension_numbers = #tpu.dot_dimension_numbers<[1], [0], [0], [1], [0, 0, 1, 1], [], []>, transpose_lhs_hint = false} : vector<512x1024xf32>, vector<1024x8xf32>, vector<512x8xf32> -> vector<512x8xf32>
    %get3A_6 = arith.constant 0 : index
    %get3A_7 = arith.constant 0 : index
    %get3A_8 = vector.load %arg3[%get3A_6, %get3A_7] : memref<1x8xf32, #tpu.memory_space<vmem>>, vector<1x8xf32>
    %add3A = vector.broadcast %get3A_8 : vector<1x8xf32> to vector<512x8xf32>
    %add3A_9 = arith.addf %dot_general3A_5, %add3A : vector<512x8xf32>
    %iota3A = tpu.iota {dimensions = array<i32: 1>} : vector<512x8xi32>
    %reduce_max3A = arith.constant dense<0xFF800000> : vector<512xf32>
    %reduce_max3A_10 = vector.multi_reduction <maximumf>, %add3A_9, %reduce_max3A [1] : vector<512x8xf32> to vector<512xf32>
    %broadcast_in_dim3A = vector.shape_cast %reduce_max3A_10 : vector<512xf32> to vector<512x1xf32>
    %eq3A = vector.broadcast %broadcast_in_dim3A : vector<512x1xf32> to vector<512x8xf32>
    %eq3A_11 = arith.cmpf oeq, %add3A_9, %eq3A : vector<512x8xf32>
    %jit3A = arith.constant 8 : i32
    %broadcast_in_dim3A_12 = vector.broadcast %jit3A : i32 to vector<512x8xi32>
    %select_n3A = arith.select %eq3A_11, %iota3A, %broadcast_in_dim3A_12 : vector<512x8xi1>, vector<512x8xi32>
    %reduce_min3A = arith.constant dense<2147483647> : vector<512xi32>
    %reduce_min3A_13 = vector.multi_reduction <minsi>, %select_n3A, %reduce_min3A [1] : vector<512x8xi32> to vector<512xi32>
    %broadcast_in_dim3A_14 = vector.shape_cast %reduce_min3A_13 : vector<512xi32> to vector<512x1xi32>
    %eq3A_15 = vector.broadcast %broadcast_in_dim3A_14 : vector<512x1xi32> to vector<512x8xi32>
    %eq3A_16 = arith.cmpi eq, %iota3A, %eq3A_15 : vector<512x8xi32>
    %jit3A_17 = arith.constant 0xFF800000 : f32
    %broadcast_in_dim3A_18 = vector.broadcast %jit3A_17 : f32 to vector<512x8xf32>
    %select_n3A_19 = arith.select %eq3A_16, %broadcast_in_dim3A_18, %add3A_9 : vector<512x8xi1>, vector<512x8xf32>
    %reduce_max3A_20 = arith.constant dense<0xFF800000> : vector<512xf32>
    %reduce_max3A_21 = vector.multi_reduction <maximumf>, %select_n3A_19, %reduce_max3A_20 [1] : vector<512x8xf32> to vector<512xf32>
    %broadcast_in_dim3A_22 = vector.shape_cast %reduce_max3A_21 : vector<512xf32> to vector<512x1xf32>
    %eq3A_23 = vector.broadcast %broadcast_in_dim3A_22 : vector<512x1xf32> to vector<512x8xf32>
    %eq3A_24 = arith.cmpf oeq, %select_n3A_19, %eq3A_23 : vector<512x8xf32>
    %jit3A_25 = arith.constant 8 : i32
    %broadcast_in_dim3A_26 = vector.broadcast %jit3A_25 : i32 to vector<512x8xi32>
    %select_n3A_27 = arith.select %eq3A_24, %iota3A, %broadcast_in_dim3A_26 : vector<512x8xi1>, vector<512x8xi32>
    %reduce_min3A_28 = arith.constant dense<2147483647> : vector<512xi32>
    %reduce_min3A_29 = vector.multi_reduction <minsi>, %select_n3A_27, %reduce_min3A_28 [1] : vector<512x8xi32> to vector<512xi32>
    %broadcast_in_dim3A_30 = vector.shape_cast %reduce_min3A_29 : vector<512xi32> to vector<512x1xi32>
    %eq3A_31 = vector.broadcast %broadcast_in_dim3A_30 : vector<512x1xi32> to vector<512x8xi32>
    %eq3A_32 = arith.cmpi eq, %iota3A, %eq3A_31 : vector<512x8xi32>
    %sub3A = arith.subf %broadcast_in_dim3A_22, %broadcast_in_dim3A : vector<512x1xf32>
    %exp3A = math.exp %sub3A : vector<512x1xf32>
    %add3A_33 = arith.constant 1.000000e+00 : f32
    %add3A_34 = vector.broadcast %add3A_33 : f32 to vector<512x1xf32>
    %add3A_35 = arith.addf %add3A_34, %exp3A : vector<512x1xf32>
    %div3A = arith.constant 1.000000e+00 : f32
    %div3A_36 = vector.broadcast %div3A : f32 to vector<512x1xf32>
    %div3A_37 = arith.divf %div3A_36, %add3A_35 : vector<512x1xf32>
    %sub3A_38 = arith.constant 1.000000e+00 : f32
    %sub3A_39 = vector.broadcast %sub3A_38 : f32 to vector<512x1xf32>
    %sub3A_40 = arith.subf %sub3A_39, %div3A_37 : vector<512x1xf32>
    %convert_element_type3A = arith.extui %eq3A_16 : vector<512x8xi1> to vector<512x8xi32>
    %convert_element_type3A_41 = arith.sitofp %convert_element_type3A : vector<512x8xi32> to vector<512x8xf32>
    %convert_element_type3A_42 = arith.extui %eq3A_32 : vector<512x8xi1> to vector<512x8xi32>
    %convert_element_type3A_43 = arith.sitofp %convert_element_type3A_42 : vector<512x8xi32> to vector<512x8xf32>
    %bitcast_convert_type3A = tpu.bitcast %get3A_1 : vector<512x1024xf32> -> vector<512x1024xi32>
    %add3A_44 = arith.constant 32767 : i32
    %add3A_45 = vector.broadcast %add3A_44 : i32 to vector<512x1024xi32>
    %add3A_46 = arith.addi %bitcast_convert_type3A, %add3A_45 : vector<512x1024xi32>
    %shift_right_arithmetic3A = arith.constant 16 : i32
    %shift_right_arithmetic3A_47 = vector.broadcast %shift_right_arithmetic3A : i32 to vector<512x1024xi32>
    %shift_right_arithmetic3A_48 = arith.shrsi %bitcast_convert_type3A, %shift_right_arithmetic3A_47 : vector<512x1024xi32>
    %and3A = arith.constant 1 : i32
    %and3A_49 = vector.broadcast %and3A : i32 to vector<512x1024xi32>
    %and3A_50 = arith.andi %shift_right_arithmetic3A_48, %and3A_49 : vector<512x1024xi32>
    %add3A_51 = arith.addi %add3A_46, %and3A_50 : vector<512x1024xi32>
    %shift_right_arithmetic3A_52 = arith.constant 16 : i32
    %shift_right_arithmetic3A_53 = vector.broadcast %shift_right_arithmetic3A_52 : i32 to vector<512x1024xi32>
    %shift_right_arithmetic3A_54 = arith.shrsi %add3A_51, %shift_right_arithmetic3A_53 : vector<512x1024xi32>
    %slice3A = vector.extract_strided_slice %shift_right_arithmetic3A_54 {offsets = [0, 0], sizes = [512, 512], strides = [1, 1]} : vector<512x1024xi32> to vector<512x512xi32>
    %and3A_55 = arith.constant 65535 : i32
    %and3A_56 = vector.broadcast %and3A_55 : i32 to vector<512x512xi32>
    %and3A_57 = arith.andi %slice3A, %and3A_56 : vector<512x512xi32>
    %slice3A_58 = vector.extract_strided_slice %shift_right_arithmetic3A_54 {offsets = [0, 512], sizes = [512, 512], strides = [1, 1]} : vector<512x1024xi32> to vector<512x512xi32>
    %shift_left3A = arith.constant 16 : i32
    %shift_left3A_59 = vector.broadcast %shift_left3A : i32 to vector<512x512xi32>
    %shift_left3A_60 = arith.shli %slice3A_58, %shift_left3A_59 : vector<512x512xi32>
    %or3A = arith.ori %and3A_57, %shift_left3A_60 : vector<512x512xi32>
    %bitcast_convert_type3A_61 = tpu.bitcast %or3A : vector<512x512xi32> -> vector<512x512xf32>
    %swap3A = arith.constant 0 : index
    %swap3A_62 = arith.constant 0 : index
    %swap3A_63 = vector.load %arg4[%swap3A, %swap3A_62] : memref<512x512xf32, #tpu.memory_space<vmem>>, vector<512x512xf32>
    tpu.vector_store %arg4[%swap3A, %swap3A_62], %bitcast_convert_type3A_61 {strides = array<i32>} : memref<512x512xf32, #tpu.memory_space<vmem>>, vector<512x512xf32>,
    %swap3A_64 = arith.constant 0 : index
    %swap3A_65 = arith.constant 0 : index
    %swap3A_66 = vector.load %arg5[%swap3A_64, %swap3A_65] : memref<512x8xf32, #tpu.memory_space<vmem>>, vector<512x8xf32>
    tpu.vector_store %arg5[%swap3A_64, %swap3A_65], %convert_element_type3A_41 {strides = array<i32>} : memref<512x8xf32, #tpu.memory_space<vmem>>, vector<512x8xf32>,
    %swap3A_67 = arith.constant 0 : index
    %swap3A_68 = arith.constant 0 : index
    %swap3A_69 = vector.load %arg6[%swap3A_67, %swap3A_68] : memref<512x8xf32, #tpu.memory_space<vmem>>, vector<512x8xf32>
    tpu.vector_store %arg6[%swap3A_67, %swap3A_68], %convert_element_type3A_43 {strides = array<i32>} : memref<512x8xf32, #tpu.memory_space<vmem>>, vector<512x8xf32>,
    %swap3A_70 = arith.constant 0 : index
    %swap3A_71 = arith.constant 0 : index
    %swap3A_72 = vector.load %arg7[%swap3A_70, %swap3A_71] : memref<512x1xf32, #tpu.memory_space<vmem>>, vector<512x1xf32>
    tpu.vector_store %arg7[%swap3A_70, %swap3A_71], %div3A_37 {strides = array<i32>} : memref<512x1xf32, #tpu.memory_space<vmem>>, vector<512x1xf32>,
    %swap3A_73 = arith.constant 0 : index
    %swap3A_74 = arith.constant 0 : index
    %swap3A_75 = vector.load %arg8[%swap3A_73, %swap3A_74] : memref<512x1xf32, #tpu.memory_space<vmem>>, vector<512x1xf32>
    tpu.vector_store %arg8[%swap3A_73, %swap3A_74], %sub3A_40 {strides = array<i32>} : memref<512x1xf32, #tpu.memory_space<vmem>>, vector<512x1xf32>,
    %mul3A = vector.broadcast %div3A_37 : vector<512x1xf32> to vector<512x8xf32>
    %mul3A_76 = arith.mulf %convert_element_type3A_41, %mul3A : vector<512x8xf32>
    %mul3A_77 = vector.broadcast %sub3A_40 : vector<512x1xf32> to vector<512x8xf32>
    %mul3A_78 = arith.mulf %convert_element_type3A_43, %mul3A_77 : vector<512x8xf32>
    %add3A_79 = arith.addf %mul3A_76, %mul3A_78 : vector<512x8xf32>
    %swap3A_80 = arith.constant 0 : index
    %swap3A_81 = arith.constant 0 : index
    %swap3A_82 = vector.load %arg9[%swap3A_80, %swap3A_81] : memref<512x8xf32, #tpu.memory_space<vmem>>, vector<512x8xf32>
    tpu.vector_store %arg9[%swap3A_80, %swap3A_81], %add3A_79 {strides = array<i32>} : memref<512x8xf32, #tpu.memory_space<vmem>>, vector<512x8xf32>,
    %eq3A_83 = arith.constant 0 : i32
    %eq3A_84 = arith.cmpi eq, %arg0, %eq3A_83 : i32
    %convert_element_type3A_85 = arith.extui %eq3A_84 : i1 to i32
    %cond3A = arith.constant 0 : i32
    %cond3A_86 = arith.cmpi ne, %convert_element_type3A_85, %cond3A : i32
    scf.if %cond3A_86 {
      %broadcast_in_dim3A_122 = arith.constant 0.000000e+00 : f32
      %broadcast_in_dim3A_123 = vector.broadcast %broadcast_in_dim3A_122 : f32 to vector<1x8xf32>
      %swap3A_124 = arith.constant 0 : index
      %swap3A_125 = arith.constant 0 : index
      %swap3A_126 = vector.load %arg12[%swap3A_124, %swap3A_125] : memref<1x8xf32, #tpu.memory_space<vmem>>, vector<1x8xf32>
      tpu.vector_store %arg12[%swap3A_124, %swap3A_125], %broadcast_in_dim3A_123 {strides = array<i32>} : memref<1x8xf32, #tpu.memory_space<vmem>>, vector<1x8xf32>,
      %iota3A_127 = tpu.iota {dimensions = array<i32: 0>} : vector<512x512xi32>
      %iota3A_128 = tpu.iota {dimensions = array<i32: 1>} : vector<512x512xi32>
      %gt3A = arith.cmpi sgt, %iota3A_127, %iota3A_128 : vector<512x512xi32>
      %convert_element_type3A_129 = arith.extui %gt3A : vector<512x512xi1> to vector<512x512xi32>
      %convert_element_type3A_130 = arith.sitofp %convert_element_type3A_129 : vector<512x512xi32> to vector<512x512xf32>
      %convert_element_type3A_131 = arith.truncf %convert_element_type3A_130 : vector<512x512xf32> to vector<512x512xbf16>
      %swap3A_132 = arith.constant 0 : index
      %swap3A_133 = arith.constant 0 : index
      %swap3A_134 = vector.load %arg13[%swap3A_132, %swap3A_133] : memref<512x512xbf16, #tpu.memory_space<vmem>>, vector<512x512xbf16>
      tpu.vector_store %arg13[%swap3A_132, %swap3A_133], %convert_element_type3A_131 {strides = array<i32>} : memref<512x512xbf16, #tpu.memory_space<vmem>>, vector<512x512xbf16>,
    } else {
    }
    %add3A_87 = arith.addf %convert_element_type3A_41, %convert_element_type3A_43 : vector<512x8xf32>
    %get3A_88 = arith.constant 0 : index
    %get3A_89 = arith.constant 0 : index
    %get3A_90 = vector.load %arg13[%get3A_88, %get3A_89] : memref<512x512xbf16, #tpu.memory_space<vmem>>, vector<512x512xbf16>
    %convert_element_type3A_91 = arith.truncf %add3A_87 : vector<512x8xf32> to vector<512x8xbf16>
    %dot_general3A_92 = arith.constant dense<0.000000e+00> : vector<512x8xf32>
    %dot_general3A_93 = tpu.matmul %get3A_90, %convert_element_type3A_91, %dot_general3A_92 {dimension_numbers = #tpu.dot_dimension_numbers<[1], [0], [0], [1], [0, 0, 1, 1], [], []>, transpose_lhs_hint = false} : vector<512x512xbf16>, vector<512x8xbf16>, vector<512x8xf32> -> vector<512x8xf32>
    %get3A_94 = arith.constant 0 : index
    %get3A_95 = arith.constant 0 : index
    %get3A_96 = vector.load %arg12[%get3A_94, %get3A_95] : memref<1x8xf32, #tpu.memory_space<vmem>>, vector<1x8xf32>
    %add3A_97 = vector.broadcast %get3A_96 : vector<1x8xf32> to vector<512x8xf32>
    %add3A_98 = arith.addf %dot_general3A_93, %add3A_97 : vector<512x8xf32>
    %mul3A_99 = arith.mulf %convert_element_type3A_41, %add3A_98 : vector<512x8xf32>
    %reduce_sum3A = arith.constant dense<0.000000e+00> : vector<512xf32>
    %reduce_sum3A_100 = vector.multi_reduction <add>, %mul3A_99, %reduce_sum3A [1] : vector<512x8xf32> to vector<512xf32>
    %broadcast_in_dim3A_101 = vector.shape_cast %reduce_sum3A_100 : vector<512xf32> to vector<512x1xf32>
    %swap3A_102 = arith.constant 0 : index
    %swap3A_103 = arith.constant 0 : index
    %swap3A_104 = vector.load %arg10[%swap3A_102, %swap3A_103] : memref<512x1xf32, #tpu.memory_space<vmem>>, vector<512x1xf32>
    tpu.vector_store %arg10[%swap3A_102, %swap3A_103], %broadcast_in_dim3A_101 {strides = array<i32>} : memref<512x1xf32, #tpu.memory_space<vmem>>, vector<512x1xf32>,
    %mul3A_105 = arith.mulf %convert_element_type3A_43, %add3A_98 : vector<512x8xf32>
    %reduce_sum3A_106 = arith.constant dense<0.000000e+00> : vector<512xf32>
    %reduce_sum3A_107 = vector.multi_reduction <add>, %mul3A_105, %reduce_sum3A_106 [1] : vector<512x8xf32> to vector<512xf32>
    %broadcast_in_dim3A_108 = vector.shape_cast %reduce_sum3A_107 : vector<512xf32> to vector<512x1xf32>
    %swap3A_109 = arith.constant 0 : index
    %swap3A_110 = arith.constant 0 : index
    %swap3A_111 = vector.load %arg11[%swap3A_109, %swap3A_110] : memref<512x1xf32, #tpu.memory_space<vmem>>, vector<512x1xf32>
    tpu.vector_store %arg11[%swap3A_109, %swap3A_110], %broadcast_in_dim3A_108 {strides = array<i32>} : memref<512x1xf32, #tpu.memory_space<vmem>>, vector<512x1xf32>,
    %get3A_112 = arith.constant 0 : index
    %get3A_113 = arith.constant 0 : index
    %get3A_114 = vector.load %arg12[%get3A_112, %get3A_113] : memref<1x8xf32, #tpu.memory_space<vmem>>, vector<1x8xf32>
    %reduce_sum3A_115 = arith.constant dense<0.000000e+00> : vector<8xf32>
    %reduce_sum3A_116 = vector.multi_reduction <add>, %add3A_87, %reduce_sum3A_115 [0] : vector<512x8xf32> to vector<8xf32>
    %broadcast_in_dim3A_117 = vector.shape_cast %reduce_sum3A_116 : vector<8xf32> to vector<1x8xf32>
    %add3A_118 = arith.addf %get3A_114, %broadcast_in_dim3A_117 : vector<1x8xf32>
    %swap3A_119 = arith.constant 0 : index
    %swap3A_120 = arith.constant 0 : index
    %swap3A_121 = vector.load %arg12[%swap3A_119, %swap3A_120] : memref<1x8xf32, #tpu.memory_space<vmem>>, vector<1x8xf32>
    tpu.vector_store %arg12[%swap3A_119, %swap3A_120], %add3A_118 {strides = array<i32>} : memref<1x8xf32, #tpu.memory_space<vmem>>, vector<1x8xf32>,
    return
  }
  func.func @transform_0(%arg0: i32) -> (i32, i32) {
    %c0_i32 = arith.constant 0 : i32
    %c0_i32_0 = arith.constant 0 : i32
    return %arg0, %c0_i32 : i32, i32
  }
  func.func @transform_1(%arg0: i32) -> (i32, i32) {
    %c0_i32 = arith.constant 0 : i32
    %c0_i32_0 = arith.constant 0 : i32
    %c0_i32_1 = arith.constant 0 : i32
    return %c0_i32, %c0_i32_0 : i32, i32
  }
  func.func @transform_2(%arg0: i32) -> (i32, i32) {
    %c0_i32 = arith.constant 0 : i32
    %c0_i32_0 = arith.constant 0 : i32
    %c0_i32_1 = arith.constant 0 : i32
    return %c0_i32, %c0_i32_0 : i32, i32
  }
  func.func @transform_3(%arg0: i32) -> (i32, i32) {
    %c0_i32 = arith.constant 0 : i32
    %c0_i32_0 = arith.constant 0 : i32
    return %arg0, %c0_i32 : i32, i32
  }
  func.func @transform_4(%arg0: i32) -> (i32, i32) {
    %c0_i32 = arith.constant 0 : i32
    %c0_i32_0 = arith.constant 0 : i32
    return %arg0, %c0_i32 : i32, i32
  }
  func.func @transform_5(%arg0: i32) -> (i32, i32) {
    %c0_i32 = arith.constant 0 : i32
    %c0_i32_0 = arith.constant 0 : i32
    return %arg0, %c0_i32 : i32, i32
  }
  func.func @transform_6(%arg0: i32) -> (i32, i32) {
    %c0_i32 = arith.constant 0 : i32
    %c0_i32_0 = arith.constant 0 : i32
    return %arg0, %c0_i32 : i32, i32
  }
  func.func @transform_7(%arg0: i32) -> (i32, i32) {
    %c0_i32 = arith.constant 0 : i32
    %c0_i32_0 = arith.constant 0 : i32
    return %arg0, %c0_i32 : i32, i32
  }
  func.func @transform_8(%arg0: i32) -> (i32, i32) {
    %c0_i32 = arith.constant 0 : i32
    %c0_i32_0 = arith.constant 0 : i32
    return %arg0, %c0_i32 : i32, i32
  }
  func.func @transform_9(%arg0: i32) -> (i32, i32) {
    %c0_i32 = arith.constant 0 : i32
    %c0_i32_0 = arith.constant 0 : i32
    return %arg0, %c0_i32 : i32, i32
  }
  func.func @transform_10(%arg0: i32) -> (i32, i32) {
    %c0_i32 = arith.constant 0 : i32
    %c0_i32_0 = arith.constant 0 : i32
    return %arg0, %c0_i32 : i32, i32
  }
  func.func @transform_11(%arg0: i32) -> (i32, i32) {
    %c0_i32 = arith.constant 0 : i32
    %c0_i32_0 = arith.constant 0 : i32
    %c0_i32_1 = arith.constant 0 : i32
    return %c0_i32, %c0_i32_0 : i32, i32
  }
}

module attributes {stable_mosaic.version = 14 : i64} {
  func.func @_finalize_body(%arg0: i32, %arg1: memref<512x8xf32, #tpu.memory_space<vmem>>, %arg2: memref<512x8xf32, #tpu.memory_space<vmem>>, %arg3: memref<512x1xf32, #tpu.memory_space<vmem>>, %arg4: memref<512x1xf32, #tpu.memory_space<vmem>>, %arg5: memref<1x8xf32, #tpu.memory_space<vmem>>, %arg6: memref<512x1xi32, #tpu.memory_space<vmem>>, %arg7: memref<512x1xi32, #tpu.memory_space<vmem>>, %arg8: memref<64x1xi32, #tpu.memory_space<vmem>>, %arg9: memref<1x8xf32, #tpu.memory_space<vmem>>) attributes {dimension_semantics = [#tpu.dimension_semantics<arbitrary>], iteration_bounds = array<i64: 16>, scalar_prefetch = 0 : i64, scratch_operands = 1 : i64, tpu.core_type = #tpu.core_type<tc>, window_params = [{transform_indices = @transform_0, window_bounds = array<i64: 512, 8>}, {transform_indices = @transform_1, window_bounds = array<i64: 512, 8>}, {transform_indices = @transform_2, window_bounds = array<i64: 512, 1>}, {transform_indices = @transform_3, window_bounds = array<i64: 512, 1>}, {pipeline_mode = #tpu.pipeline_mode<synchronous>, transform_indices = @transform_4, window_bounds = array<i64: 1, 8>}, {transform_indices = @transform_5, window_bounds = array<i64: 512, 1>}, {transform_indices = @transform_6, window_bounds = array<i64: 512, 1>}, {pipeline_mode = #tpu.pipeline_mode<synchronous>, transform_indices = @transform_7, window_bounds = array<i64: 64, 1>}]} {
    %eq3A = arith.constant 0 : i32
    %eq3A_0 = arith.cmpi eq, %arg0, %eq3A : i32
    %convert_element_type3A = arith.extui %eq3A_0 : i1 to i32
    %cond3A = arith.constant 0 : i32
    %cond3A_1 = arith.cmpi ne, %convert_element_type3A, %cond3A : i32
    scf.if %cond3A_1 {
      %get3A_31 = arith.constant 0 : index
      %get3A_32 = arith.constant 0 : index
      %get3A_33 = vector.load %arg5[%get3A_31, %get3A_32] : memref<1x8xf32, #tpu.memory_space<vmem>>, vector<1x8xf32>
      %div3A = arith.constant 5.120000e+02 : f32
      %div3A_34 = vector.broadcast %div3A : f32 to vector<1x8xf32>
      %div3A_35 = arith.divf %get3A_33, %div3A_34 : vector<1x8xf32>
      %ceil3A = math.ceil %div3A_35 : vector<1x8xf32>
      %mul3A_36 = arith.constant 5.120000e+02 : f32
      %mul3A_37 = vector.broadcast %mul3A_36 : f32 to vector<1x8xf32>
      %mul3A_38 = arith.mulf %ceil3A, %mul3A_37 : vector<1x8xf32>
      %iota3A = tpu.iota {dimensions = array<i32: 0>} : vector<8x8xi32>
      %iota3A_39 = tpu.iota {dimensions = array<i32: 1>} : vector<8x8xi32>
      %le3A = arith.cmpi sle, %iota3A, %iota3A_39 : vector<8x8xi32>
      %convert_element_type3A_40 = arith.extui %le3A : vector<8x8xi1> to vector<8x8xi32>
      %convert_element_type3A_41 = arith.sitofp %convert_element_type3A_40 : vector<8x8xi32> to vector<8x8xf32>
      %dot_general3A = arith.constant dense<0.000000e+00> : vector<1x8xf32>
      %dot_general3A_42 = tpu.matmul %mul3A_38, %convert_element_type3A_41, %dot_general3A {dimension_numbers = #tpu.dot_dimension_numbers<[1], [0], [0], [1], [0, 0, 1, 1], [], []>, transpose_lhs_hint = false} : vector<1x8xf32>, vector<8x8xf32>, vector<1x8xf32> -> vector<1x8xf32>
      %sub3A = arith.subf %dot_general3A_42, %mul3A_38 : vector<1x8xf32>
      %swap3A_43 = arith.constant 0 : index
      %swap3A_44 = arith.constant 0 : index
      %swap3A_45 = vector.load %arg9[%swap3A_43, %swap3A_44] : memref<1x8xf32, #tpu.memory_space<vmem>>, vector<1x8xf32>
      tpu.vector_store %arg9[%swap3A_43, %swap3A_44], %sub3A {strides = array<i32>} : memref<1x8xf32, #tpu.memory_space<vmem>>, vector<1x8xf32>,
      %iota3A_46 = tpu.iota {dimensions = array<i32: 0>} : vector<64x8xi32>
      %mul3A_47 = arith.constant 512 : i32
      %mul3A_48 = vector.broadcast %mul3A_47 : i32 to vector<64x8xi32>
      %mul3A_49 = arith.muli %iota3A_46, %mul3A_48 : vector<64x8xi32>
      %convert_element_type3A_50 = arith.sitofp %mul3A_49 : vector<64x8xi32> to vector<64x8xf32>
      %ge3A = vector.broadcast %dot_general3A_42 : vector<1x8xf32> to vector<64x8xf32>
      %ge3A_51 = arith.cmpf oge, %convert_element_type3A_50, %ge3A : vector<64x8xf32>
      %convert_element_type3A_52 = arith.extui %ge3A_51 : vector<64x8xi1> to vector<64x8xi32>
      %reduce_sum3A_53 = arith.constant dense<0> : vector<64xi32>
      %reduce_sum3A_54 = vector.multi_reduction <add>, %convert_element_type3A_52, %reduce_sum3A_53 [1] : vector<64x8xi32> to vector<64xi32>
      %broadcast_in_dim3A_55 = vector.shape_cast %reduce_sum3A_54 : vector<64xi32> to vector<64x1xi32>
      %reduce_sum3A_56 = arith.constant dense<0.000000e+00> : vector<1xf32>
      %reduce_sum3A_57 = vector.multi_reduction <add>, %mul3A_38, %reduce_sum3A_56 [1] : vector<1x8xf32> to vector<1xf32>
      %broadcast_in_dim3A_58 = vector.shape_cast %reduce_sum3A_57 : vector<1xf32> to vector<1x1xf32>
      %slice3A = vector.extract_strided_slice %convert_element_type3A_50 {offsets = [0, 0], sizes = [64, 1], strides = [1, 1]} : vector<64x8xf32> to vector<64x1xf32>
      %lt3A = vector.broadcast %broadcast_in_dim3A_58 : vector<1x1xf32> to vector<64x1xf32>
      %lt3A_59 = arith.cmpf olt, %slice3A, %lt3A : vector<64x1xf32>
      %min3A = arith.constant 7 : i32
      %min3A_60 = vector.broadcast %min3A : i32 to vector<64x1xi32>
      %min3A_61 = arith.minsi %broadcast_in_dim3A_55, %min3A_60 : vector<64x1xi32>
      %jit3A = arith.constant -1 : i32
      %broadcast_in_dim3A_62 = vector.broadcast %jit3A : i32 to vector<64x1xi32>
      %select_n3A = arith.select %lt3A_59, %min3A_61, %broadcast_in_dim3A_62 : vector<64x1xi1>, vector<64x1xi32>
      %swap3A_63 = arith.constant 0 : index
      %swap3A_64 = arith.constant 0 : index
      %swap3A_65 = vector.load %arg8[%swap3A_63, %swap3A_64] : memref<64x1xi32, #tpu.memory_space<vmem>>, vector<64x1xi32>
      tpu.vector_store %arg8[%swap3A_63, %swap3A_64], %select_n3A {strides = array<i32>} : memref<64x1xi32, #tpu.memory_space<vmem>>, vector<64x1xi32>,
    } else {
    }
    %get3A = arith.constant 0 : index
    %get3A_2 = arith.constant 0 : index
    %get3A_3 = vector.load %arg9[%get3A, %get3A_2] : memref<1x8xf32, #tpu.memory_space<vmem>>, vector<1x8xf32>
    %get3A_4 = arith.constant 0 : index
    %get3A_5 = arith.constant 0 : index
    %get3A_6 = vector.load %arg3[%get3A_4, %get3A_5] : memref<512x1xf32, #tpu.memory_space<vmem>>, vector<512x1xf32>
    %get3A_7 = arith.constant 0 : index
    %get3A_8 = arith.constant 0 : index
    %get3A_9 = vector.load %arg1[%get3A_7, %get3A_8] : memref<512x8xf32, #tpu.memory_space<vmem>>, vector<512x8xf32>
    %mul3A = vector.broadcast %get3A_3 : vector<1x8xf32> to vector<512x8xf32>
    %mul3A_10 = arith.mulf %get3A_9, %mul3A : vector<512x8xf32>
    %reduce_sum3A = arith.constant dense<0.000000e+00> : vector<512xf32>
    %reduce_sum3A_11 = vector.multi_reduction <add>, %mul3A_10, %reduce_sum3A [1] : vector<512x8xf32> to vector<512xf32>
    %broadcast_in_dim3A = vector.shape_cast %reduce_sum3A_11 : vector<512xf32> to vector<512x1xf32>
    %add3A = arith.addf %get3A_6, %broadcast_in_dim3A : vector<512x1xf32>
    %get3A_12 = arith.constant 0 : index
    %get3A_13 = arith.constant 0 : index
    %get3A_14 = vector.load %arg4[%get3A_12, %get3A_13] : memref<512x1xf32, #tpu.memory_space<vmem>>, vector<512x1xf32>
    %get3A_15 = arith.constant 0 : index
    %get3A_16 = arith.constant 0 : index
    %get3A_17 = vector.load %arg2[%get3A_15, %get3A_16] : memref<512x8xf32, #tpu.memory_space<vmem>>, vector<512x8xf32>
    %mul3A_18 = vector.broadcast %get3A_3 : vector<1x8xf32> to vector<512x8xf32>
    %mul3A_19 = arith.mulf %get3A_17, %mul3A_18 : vector<512x8xf32>
    %reduce_sum3A_20 = arith.constant dense<0.000000e+00> : vector<512xf32>
    %reduce_sum3A_21 = vector.multi_reduction <add>, %mul3A_19, %reduce_sum3A_20 [1] : vector<512x8xf32> to vector<512xf32>
    %broadcast_in_dim3A_22 = vector.shape_cast %reduce_sum3A_21 : vector<512xf32> to vector<512x1xf32>
    %add3A_23 = arith.addf %get3A_14, %broadcast_in_dim3A_22 : vector<512x1xf32>
    %convert_element_type3A_24 = arith.fptosi %add3A : vector<512x1xf32> to vector<512x1xi32>
    %swap3A = arith.constant 0 : index
    %swap3A_25 = arith.constant 0 : index
    %swap3A_26 = vector.load %arg6[%swap3A, %swap3A_25] : memref<512x1xi32, #tpu.memory_space<vmem>>, vector<512x1xi32>
    tpu.vector_store %arg6[%swap3A, %swap3A_25], %convert_element_type3A_24 {strides = array<i32>} : memref<512x1xi32, #tpu.memory_space<vmem>>, vector<512x1xi32>,
    %convert_element_type3A_27 = arith.fptosi %add3A_23 : vector<512x1xf32> to vector<512x1xi32>
    %swap3A_28 = arith.constant 0 : index
    %swap3A_29 = arith.constant 0 : index
    %swap3A_30 = vector.load %arg7[%swap3A_28, %swap3A_29] : memref<512x1xi32, #tpu.memory_space<vmem>>, vector<512x1xi32>
    tpu.vector_store %arg7[%swap3A_28, %swap3A_29], %convert_element_type3A_27 {strides = array<i32>} : memref<512x1xi32, #tpu.memory_space<vmem>>, vector<512x1xi32>,
    return
  }
  func.func @transform_0(%arg0: i32) -> (i32, i32) {
    %c0_i32 = arith.constant 0 : i32
    %c0_i32_0 = arith.constant 0 : i32
    return %arg0, %c0_i32 : i32, i32
  }
  func.func @transform_1(%arg0: i32) -> (i32, i32) {
    %c0_i32 = arith.constant 0 : i32
    %c0_i32_0 = arith.constant 0 : i32
    return %arg0, %c0_i32 : i32, i32
  }
  func.func @transform_2(%arg0: i32) -> (i32, i32) {
    %c0_i32 = arith.constant 0 : i32
    %c0_i32_0 = arith.constant 0 : i32
    return %arg0, %c0_i32 : i32, i32
  }
  func.func @transform_3(%arg0: i32) -> (i32, i32) {
    %c0_i32 = arith.constant 0 : i32
    %c0_i32_0 = arith.constant 0 : i32
    return %arg0, %c0_i32 : i32, i32
  }
  func.func @transform_4(%arg0: i32) -> (i32, i32) {
    %c0_i32 = arith.constant 0 : i32
    %c0_i32_0 = arith.constant 0 : i32
    %c0_i32_1 = arith.constant 0 : i32
    return %c0_i32, %c0_i32_0 : i32, i32
  }
  func.func @transform_5(%arg0: i32) -> (i32, i32) {
    %c0_i32 = arith.constant 0 : i32
    %c0_i32_0 = arith.constant 0 : i32
    return %arg0, %c0_i32 : i32, i32
  }
  func.func @transform_6(%arg0: i32) -> (i32, i32) {
    %c0_i32 = arith.constant 0 : i32
    %c0_i32_0 = arith.constant 0 : i32
    return %arg0, %c0_i32 : i32, i32
  }
  func.func @transform_7(%arg0: i32) -> (i32, i32) {
    %c0_i32 = arith.constant 0 : i32
    %c0_i32_0 = arith.constant 0 : i32
    %c0_i32_1 = arith.constant 0 : i32
    return %c0_i32, %c0_i32_0 : i32, i32
  }
}

module attributes {stable_mosaic.version = 14 : i64} {
  func.func @_gmm_body(%arg0: i32, %arg1: memref<40xi32, #tpu.memory_space<smem>>, %arg2: memref<512x512xf32, #tpu.memory_space<vmem>>, %arg3: memref<1x1024x1024xbf16, #tpu.memory_space<vmem>>, %arg4: memref<512x512xf32, #tpu.memory_space<vmem>>) attributes {dimension_semantics = [#tpu.dimension_semantics<arbitrary>], iteration_bounds = array<i64: 40>, scalar_prefetch = 1 : i64, scratch_operands = 0 : i64, tpu.core_type = #tpu.core_type<tc>, window_params = [{transform_indices = @transform_0, window_bounds = array<i64: 512, 512>}, {transform_indices = @transform_1, window_bounds = array<i64: 1, 1024, 1024>}, {transform_indices = @transform_2, window_bounds = array<i64: 512, 512>}]} {
    %get3A = arith.index_cast %arg0 : i32 to index
    %get3A_0 = memref.load %arg1[%get3A] : memref<40xi32, #tpu.memory_space<smem>>
    %ge3A = arith.constant 0 : i32
    %ge3A_1 = arith.cmpi sge, %get3A_0, %ge3A : i32
    %convert_element_type3A = arith.extui %ge3A_1 : i1 to i32
    %cond3A = arith.constant 0 : i32
    %cond3A_2 = arith.cmpi ne, %convert_element_type3A, %cond3A : i32
    scf.if %cond3A_2 {
      %get3A_3 = arith.constant 0 : index
      %get3A_4 = arith.constant 0 : index
      %get3A_5 = vector.load %arg2[%get3A_3, %get3A_4] : memref<512x512xf32, #tpu.memory_space<vmem>>, vector<512x512xf32>
      %bitcast_convert_type3A = tpu.bitcast %get3A_5 : vector<512x512xf32> -> vector<512x512xi32>
      %shift_left3A = arith.constant 16 : i32
      %shift_left3A_6 = vector.broadcast %shift_left3A : i32 to vector<512x512xi32>
      %shift_left3A_7 = arith.shli %bitcast_convert_type3A, %shift_left3A_6 : vector<512x512xi32>
      %bitcast_convert_type3A_8 = tpu.bitcast %shift_left3A_7 : vector<512x512xi32> -> vector<512x512xf32>
      %and3A = arith.constant -65536 : i32
      %and3A_9 = vector.broadcast %and3A : i32 to vector<512x512xi32>
      %and3A_10 = arith.andi %bitcast_convert_type3A, %and3A_9 : vector<512x512xi32>
      %bitcast_convert_type3A_11 = tpu.bitcast %and3A_10 : vector<512x512xi32> -> vector<512x512xf32>
      %concatenate3A = tpu.concatenate %bitcast_convert_type3A_8, %bitcast_convert_type3A_11 in 1 : vector<512x512xf32>, vector<512x512xf32> -> vector<512x1024xf32>
      %convert_element_type3A_12 = arith.truncf %concatenate3A : vector<512x1024xf32> to vector<512x1024xbf16>
      %get3A_13 = arith.constant 0 : index
      %get3A_14 = arith.constant 0 : index
      %get3A_15 = arith.constant 0 : index
      %get3A_16 = vector.load %arg3[%get3A_13, %get3A_14, %get3A_15] : memref<1x1024x1024xbf16, #tpu.memory_space<vmem>>, vector<1x1024x1024xbf16>
      %get3A_17 = vector.shape_cast %get3A_16 : vector<1x1024x1024xbf16> to vector<1024x1024xbf16>
      %dot_general3A = arith.constant dense<0.000000e+00> : vector<512x1024xf32>
      %dot_general3A_18 = tpu.matmul %convert_element_type3A_12, %get3A_17, %dot_general3A {dimension_numbers = #tpu.dot_dimension_numbers<[1], [0], [0], [1], [0, 0, 1, 1], [], []>, transpose_lhs_hint = false} : vector<512x1024xbf16>, vector<1024x1024xbf16>, vector<512x1024xf32> -> vector<512x1024xf32>
      %bitcast_convert_type3A_19 = tpu.bitcast %dot_general3A_18 : vector<512x1024xf32> -> vector<512x1024xi32>
      %add3A = arith.constant 32767 : i32
      %add3A_20 = vector.broadcast %add3A : i32 to vector<512x1024xi32>
      %add3A_21 = arith.addi %bitcast_convert_type3A_19, %add3A_20 : vector<512x1024xi32>
      %shift_right_arithmetic3A = arith.constant 16 : i32
      %shift_right_arithmetic3A_22 = vector.broadcast %shift_right_arithmetic3A : i32 to vector<512x1024xi32>
      %shift_right_arithmetic3A_23 = arith.shrsi %bitcast_convert_type3A_19, %shift_right_arithmetic3A_22 : vector<512x1024xi32>
      %and3A_24 = arith.constant 1 : i32
      %and3A_25 = vector.broadcast %and3A_24 : i32 to vector<512x1024xi32>
      %and3A_26 = arith.andi %shift_right_arithmetic3A_23, %and3A_25 : vector<512x1024xi32>
      %add3A_27 = arith.addi %add3A_21, %and3A_26 : vector<512x1024xi32>
      %shift_right_arithmetic3A_28 = arith.constant 16 : i32
      %shift_right_arithmetic3A_29 = vector.broadcast %shift_right_arithmetic3A_28 : i32 to vector<512x1024xi32>
      %shift_right_arithmetic3A_30 = arith.shrsi %add3A_27, %shift_right_arithmetic3A_29 : vector<512x1024xi32>
      %slice3A = vector.extract_strided_slice %shift_right_arithmetic3A_30 {offsets = [0, 0], sizes = [512, 512], strides = [1, 1]} : vector<512x1024xi32> to vector<512x512xi32>
      %and3A_31 = arith.constant 65535 : i32
      %and3A_32 = vector.broadcast %and3A_31 : i32 to vector<512x512xi32>
      %and3A_33 = arith.andi %slice3A, %and3A_32 : vector<512x512xi32>
      %slice3A_34 = vector.extract_strided_slice %shift_right_arithmetic3A_30 {offsets = [0, 512], sizes = [512, 512], strides = [1, 1]} : vector<512x1024xi32> to vector<512x512xi32>
      %shift_left3A_35 = arith.constant 16 : i32
      %shift_left3A_36 = vector.broadcast %shift_left3A_35 : i32 to vector<512x512xi32>
      %shift_left3A_37 = arith.shli %slice3A_34, %shift_left3A_36 : vector<512x512xi32>
      %or3A = arith.ori %and3A_33, %shift_left3A_37 : vector<512x512xi32>
      %bitcast_convert_type3A_38 = tpu.bitcast %or3A : vector<512x512xi32> -> vector<512x512xf32>
      %swap3A = arith.constant 0 : index
      %swap3A_39 = arith.constant 0 : index
      %swap3A_40 = vector.load %arg4[%swap3A, %swap3A_39] : memref<512x512xf32, #tpu.memory_space<vmem>>, vector<512x512xf32>
      tpu.vector_store %arg4[%swap3A, %swap3A_39], %bitcast_convert_type3A_38 {strides = array<i32>} : memref<512x512xf32, #tpu.memory_space<vmem>>, vector<512x512xf32>,
    } else {
    }
    return
  }
  func.func @transform_0(%arg0: i32, %arg1: memref<40xi32, #tpu.memory_space<smem>>) -> (i32, i32) {
    %c0_i32 = arith.constant 0 : i32
    %c0_i32_0 = arith.constant 0 : i32
    return %arg0, %c0_i32 : i32, i32
  }
  func.func @transform_1(%arg0: i32, %arg1: memref<40xi32, #tpu.memory_space<smem>>) -> (i32, i32, i32) {
    %get3A = arith.index_cast %arg0 : i32 to index
    %get3A_0 = memref.load %arg1[%get3A] : memref<40xi32, #tpu.memory_space<smem>>
    %max3A = arith.constant 0 : i32
    %max3A_1 = arith.maxsi %get3A_0, %max3A : i32
    %c0_i32 = arith.constant 0 : i32
    %c0_i32_2 = arith.constant 0 : i32
    %c0_i32_3 = arith.constant 0 : i32
    return %max3A_1, %c0_i32, %c0_i32_2 : i32, i32, i32
  }
  func.func @transform_2(%arg0: i32, %arg1: memref<40xi32, #tpu.memory_space<smem>>) -> (i32, i32) {
    %c0_i32 = arith.constant 0 : i32
    %c0_i32_0 = arith.constant 0 : i32
    return %arg0, %c0_i32 : i32, i32
  }
}

module attributes {stable_mosaic.version = 14 : i64} {
  func.func @_combine_body(%arg0: i32, %arg1: memref<512x512xf32, #tpu.memory_space<vmem>>, %arg2: memref<512x512xf32, #tpu.memory_space<vmem>>, %arg3: memref<512x1xf32, #tpu.memory_space<vmem>>, %arg4: memref<512x1xf32, #tpu.memory_space<vmem>>, %arg5: memref<512x8xf32, #tpu.memory_space<vmem>>, %arg6: memref<8x1024xf32, #tpu.memory_space<vmem>>, %arg7: memref<512x1024xf32, #tpu.memory_space<vmem>>) attributes {dimension_semantics = [#tpu.dimension_semantics<arbitrary>], iteration_bounds = array<i64: 16>, scalar_prefetch = 0 : i64, scratch_operands = 0 : i64, tpu.core_type = #tpu.core_type<tc>, window_params = [{transform_indices = @transform_0, window_bounds = array<i64: 512, 512>}, {transform_indices = @transform_1, window_bounds = array<i64: 512, 512>}, {transform_indices = @transform_2, window_bounds = array<i64: 512, 1>}, {transform_indices = @transform_3, window_bounds = array<i64: 512, 1>}, {transform_indices = @transform_4, window_bounds = array<i64: 512, 8>}, {pipeline_mode = #tpu.pipeline_mode<synchronous>, transform_indices = @transform_5, window_bounds = array<i64: 8, 1024>}, {transform_indices = @transform_6, window_bounds = array<i64: 512, 1024>}]} {
    %get3A = arith.constant 0 : index
    %get3A_0 = arith.constant 0 : index
    %get3A_1 = vector.load %arg1[%get3A, %get3A_0] : memref<512x512xf32, #tpu.memory_space<vmem>>, vector<512x512xf32>
    %bitcast_convert_type3A = tpu.bitcast %get3A_1 : vector<512x512xf32> -> vector<512x512xi32>
    %shift_left3A = arith.constant 16 : i32
    %shift_left3A_2 = vector.broadcast %shift_left3A : i32 to vector<512x512xi32>
    %shift_left3A_3 = arith.shli %bitcast_convert_type3A, %shift_left3A_2 : vector<512x512xi32>
    %bitcast_convert_type3A_4 = tpu.bitcast %shift_left3A_3 : vector<512x512xi32> -> vector<512x512xf32>
    %and3A = arith.constant -65536 : i32
    %and3A_5 = vector.broadcast %and3A : i32 to vector<512x512xi32>
    %and3A_6 = arith.andi %bitcast_convert_type3A, %and3A_5 : vector<512x512xi32>
    %bitcast_convert_type3A_7 = tpu.bitcast %and3A_6 : vector<512x512xi32> -> vector<512x512xf32>
    %concatenate3A = tpu.concatenate %bitcast_convert_type3A_4, %bitcast_convert_type3A_7 in 1 : vector<512x512xf32>, vector<512x512xf32> -> vector<512x1024xf32>
    %convert_element_type3A = arith.truncf %concatenate3A : vector<512x1024xf32> to vector<512x1024xbf16>
    %get3A_8 = arith.constant 0 : index
    %get3A_9 = arith.constant 0 : index
    %get3A_10 = vector.load %arg2[%get3A_8, %get3A_9] : memref<512x512xf32, #tpu.memory_space<vmem>>, vector<512x512xf32>
    %bitcast_convert_type3A_11 = tpu.bitcast %get3A_10 : vector<512x512xf32> -> vector<512x512xi32>
    %shift_left3A_12 = arith.constant 16 : i32
    %shift_left3A_13 = vector.broadcast %shift_left3A_12 : i32 to vector<512x512xi32>
    %shift_left3A_14 = arith.shli %bitcast_convert_type3A_11, %shift_left3A_13 : vector<512x512xi32>
    %bitcast_convert_type3A_15 = tpu.bitcast %shift_left3A_14 : vector<512x512xi32> -> vector<512x512xf32>
    %and3A_16 = arith.constant -65536 : i32
    %and3A_17 = vector.broadcast %and3A_16 : i32 to vector<512x512xi32>
    %and3A_18 = arith.andi %bitcast_convert_type3A_11, %and3A_17 : vector<512x512xi32>
    %bitcast_convert_type3A_19 = tpu.bitcast %and3A_18 : vector<512x512xi32> -> vector<512x512xf32>
    %concatenate3A_20 = tpu.concatenate %bitcast_convert_type3A_15, %bitcast_convert_type3A_19 in 1 : vector<512x512xf32>, vector<512x512xf32> -> vector<512x1024xf32>
    %convert_element_type3A_21 = arith.truncf %concatenate3A_20 : vector<512x1024xf32> to vector<512x1024xbf16>
    %get3A_22 = arith.constant 0 : index
    %get3A_23 = arith.constant 0 : index
    %get3A_24 = vector.load %arg5[%get3A_22, %get3A_23] : memref<512x8xf32, #tpu.memory_space<vmem>>, vector<512x8xf32>
    %get3A_25 = arith.constant 0 : index
    %get3A_26 = arith.constant 0 : index
    %get3A_27 = vector.load %arg6[%get3A_25, %get3A_26] : memref<8x1024xf32, #tpu.memory_space<vmem>>, vector<8x1024xf32>
    %dot_general3A = arith.constant dense<0.000000e+00> : vector<512x1024xf32>
    %dot_general3A_28 = tpu.matmul %get3A_24, %get3A_27, %dot_general3A {dimension_numbers = #tpu.dot_dimension_numbers<[1], [0], [0], [1], [0, 0, 1, 1], [], []>, transpose_lhs_hint = false} : vector<512x8xf32>, vector<8x1024xf32>, vector<512x1024xf32> -> vector<512x1024xf32>
    %get3A_29 = arith.constant 0 : index
    %get3A_30 = arith.constant 0 : index
    %get3A_31 = vector.load %arg3[%get3A_29, %get3A_30] : memref<512x1xf32, #tpu.memory_space<vmem>>, vector<512x1xf32>
    %convert_element_type3A_32 = arith.extf %convert_element_type3A : vector<512x1024xbf16> to vector<512x1024xf32>
    %mul3A = vector.broadcast %get3A_31 : vector<512x1xf32> to vector<512x1024xf32>
    %mul3A_33 = arith.mulf %mul3A, %convert_element_type3A_32 : vector<512x1024xf32>
    %get3A_34 = arith.constant 0 : index
    %get3A_35 = arith.constant 0 : index
    %get3A_36 = vector.load %arg4[%get3A_34, %get3A_35] : memref<512x1xf32, #tpu.memory_space<vmem>>, vector<512x1xf32>
    %convert_element_type3A_37 = arith.extf %convert_element_type3A_21 : vector<512x1024xbf16> to vector<512x1024xf32>
    %mul3A_38 = vector.broadcast %get3A_36 : vector<512x1xf32> to vector<512x1024xf32>
    %mul3A_39 = arith.mulf %mul3A_38, %convert_element_type3A_37 : vector<512x1024xf32>
    %add3A = arith.addf %mul3A_33, %mul3A_39 : vector<512x1024xf32>
    %add3A_40 = arith.addf %add3A, %dot_general3A_28 : vector<512x1024xf32>
    %swap3A = arith.constant 0 : index
    %swap3A_41 = arith.constant 0 : index
    %swap3A_42 = vector.load %arg7[%swap3A, %swap3A_41] : memref<512x1024xf32, #tpu.memory_space<vmem>>, vector<512x1024xf32>
    tpu.vector_store %arg7[%swap3A, %swap3A_41], %add3A_40 {strides = array<i32>} : memref<512x1024xf32, #tpu.memory_space<vmem>>, vector<512x1024xf32>,
    return
  }
  func.func @transform_0(%arg0: i32) -> (i32, i32) {
    %c0_i32 = arith.constant 0 : i32
    %c0_i32_0 = arith.constant 0 : i32
    return %arg0, %c0_i32 : i32, i32
  }
  func.func @transform_1(%arg0: i32) -> (i32, i32) {
    %c0_i32 = arith.constant 0 : i32
    %c0_i32_0 = arith.constant 0 : i32
    return %arg0, %c0_i32 : i32, i32
  }
  func.func @transform_2(%arg0: i32) -> (i32, i32) {
    %c0_i32 = arith.constant 0 : i32
    %c0_i32_0 = arith.constant 0 : i32
    return %arg0, %c0_i32 : i32, i32
  }
  func.func @transform_3(%arg0: i32) -> (i32, i32) {
    %c0_i32 = arith.constant 0 : i32
    %c0_i32_0 = arith.constant 0 : i32
    return %arg0, %c0_i32 : i32, i32
  }
  func.func @transform_4(%arg0: i32) -> (i32, i32) {
    %c0_i32 = arith.constant 0 : i32
    %c0_i32_0 = arith.constant 0 : i32
    return %arg0, %c0_i32 : i32, i32
  }
  func.func @transform_5(%arg0: i32) -> (i32, i32) {
    %c0_i32 = arith.constant 0 : i32
    %c0_i32_0 = arith.constant 0 : i32
    %c0_i32_1 = arith.constant 0 : i32
    return %c0_i32, %c0_i32_0 : i32, i32
  }
  func.func @transform_6(%arg0: i32) -> (i32, i32) {
    %c0_i32 = arith.constant 0 : i32
    %c0_i32_0 = arith.constant 0 : i32
    return %arg0, %c0_i32 : i32, i32
  }
}

</mosaic_0001>

<sc_bundles>
// kernel: kernel.11.cloned.1.call-start
scs
__scs_entry_jumppad:
0x0: {  	(pc) =	sbr.rel $0x88, $3  }
0x1: {  	(tag) =	ssettag $0x0;
	lr =	simm.s32 $0x1  }
0x2: {  	[smem:$0x3F9C] =	sst lr;
	_ =	strace $0xD0000000  }
0x3: {  	_ = 	snop  }
0x4: {  	_ = 	snop  }
0x5: {  	_ = 	snop  }
0x6: {  	_ = 	snop  }
0x7: {  	_ = 	snop  }
__scs_overlays_trampoline_lowered:
0x8: {  	[smem:$0x3FAB] =	sst s0  }
0x9: {  	[smem:$0x3FAC] =	sst s1  }
0xa: {  	[smem:$0x3FAD] =	sst s2  }
0xb: {  	[smem:$0x3FAE] =	sst s3  }
0xc: {  	[smem:$0x3FAF] =	sst s4  }
0xd: {  	[smem:$0x3FB0] =	sst s5  }
0xe: {  	[smem:$0x3FB1] =	sst s6  }
0xf: {  	[smem:$0x3FB2] =	sst s7  }
0x10: {  	[smem:$0x3FB3] =	sst s8  }
0x11: {  	[smem:$0x3FB4] =	sst s9;
	s0 =	simm.s32 @!p0 $0x0  }
0x12: {  	s1 =	sld [smem:$0x3F9A];
	s0 =	simm.s32 @p0 $0x1  }
0x13: {  	[smem:$0x3FB5] =	sst s0;
	s0 =	simm.s32 @!p1 $0x0  }
0x14: {  	s2 =	sld [smem:$0x3F99];
	s0 =	simm.s32 @p1 $0x1  }
0x15: {  	[smem:$0x3FB6] =	sst s0;
	s0 =	simm.s32 @!p2 $0x0  }
0x16: {  	s3 =	sld [smem:$0x3FDB];
	s0 =	simm.s32 @p2 $0x1  }
0x17: {  	s4 =	simm.s32 $0x1BF5;
	[smem:$0x3FB8] =	sst s0  }
0x18: {  	s0 =	sld [smem:$0x3F9B];
	_ =	swait.ge [sflag:s4], $0x0  }
0x19: {  	s7 =	sld [smem:$0x3F9C]  }
0x1a: {  	s8 =	sadd.s32 $0xFFFFE003, lr  }
0x1b: {  	s9 =	sadd.s32 $0xFFFFFEF7, lr;
	s5 =	simm.s32 $0xFFFFFFFF;
	p2 =	slt.u32 s8, $0xFFFFF086  }
0x1c: {  	p1 =	slt.u32 s9, $0xF7A;
	s5 =	simm.s32 @!p2 $0x0  }
0x1d: {  	s5 =	simm.s32 @p1 $0x1;
	p0 =	seq.s32 s7, s2  }
0x1e: {  	s7 =	smul.u32 @!p0 $0xF7A, s2;
	p2 =	seq.s32 @!p0 s5, $0x0  }
0x1f: {  	s9 =	smul.u32 $0xF7A, s1;
	s8 =	simm.s32 @!p0 $0x1BF5;
	p2 =	por !p2, p0  }
0x20: {  	[sflag:s8] =	ssyncset.s32 @!p0 $0xFFFFF086;
	s6 =	sadd.s32 @!p0 s3, s7;
	s7 =	simm.s32 @!p0 $0x108  }
0x21: {  	s3 =	sadd.s32 s3, s9;
	s6 =	sadd.s32 @!p0 $0x88, s6;
	s7 =	simm.s32 @p2 $0x1082  }
0x22: {  	[simem:s7], [sflag:s8] =	dma.local @!p0 [hbm:s6], $0xF7A  }
0x23: {  	s9 =	sor.u32 $0xD0000000, s2;
	s6 =	simm.s32 $0x108;
	_ =	swait.ge @!p0 [sflag:s8], $0x0  }
0x24: {  	s3 =	sadd.s32 $0x88, s3;
	s6 =	simm.s32 @!p1 $0x1082;
	[sflag:s4] =	ssyncset.s32 $0xFFFFF086  }
0x25: {  	[simem:s6], [sflag:s4] =	dma.local [hbm:s3], $0xF7A  }
0x26: {  	[smem:$0x3F9C] =	sst s1;
	(tag) =	ssettag s2;
	_ =	strace s9  }
0x27: {  	s1 =	sld [smem:$0x3FAC]  }
0x28: {  	s2 =	sld [smem:$0x3FAD]  }
0x29: {  	s4 =	sld [smem:$0x3FAF]  }
0x2a: {  	p0 =	seq.s32 s5, $0x0;
	s5 =	sld [smem:$0x3FB0]  }
0x2b: {  	s6 =	sld [smem:$0x3FB1]  }
0x2c: {  	s7 =	sld [smem:$0x3FB2]  }
0x2d: {  	s3 =	simm.s32 $0x108;
	s8 =	sld [smem:$0x3FB3]  }
0x2e: {  	s3 =	simm.s32 @!p0 $0x1082;
	s9 =	sld [smem:$0x3FB4]  }
0x2f: {  	lr =	sadd.s32 s0, s3;
	s0 =	sld [smem:$0x3FAB]  }
0x30: {  	s3 =	sld [smem:$0x3FAE]  }
0x31: {  	[smem:$0x3FB7] =	sst s10  }
0x32: {  	s10 =	sld [smem:$0x3FB5];
	_ =	sdelay $0x3  }
0x33: {  	p0 =	seq.s32 s10, $0x1;
	s10 =	sld [smem:$0x3FB7];
	_ =	sdelay $0x3  }
0x34: {  	[smem:$0x3FB7] =	sst s10  }
0x35: {  	s10 =	sld [smem:$0x3FB6];
	_ =	sdelay $0x3  }
0x36: {  	p1 =	seq.s32 s10, $0x1;
	s10 =	sld [smem:$0x3FB7];
	_ =	sdelay $0x3  }
0x37: {  	[smem:$0x3FB7] =	sst s10  }
0x38: {  	s10 =	sld [smem:$0x3FB8]  }
0x39: {  	_ = 	snop;
	(pc) =	sbr.ind lr, $3  }
0x3a: {  	_ = 	snop  }
0x3b: {  	_ = 	snop  }
0x3c: {  	p2 =	seq.s32 s10, $0x1;
	s10 =	sld [smem:$0x3FB7]  }
0x3d: {  	_ =	shalt  }
0x3e: {  	_ =	shalt  }
0x3f: {  	_ =	shalt  }
0x40: {  	_ =	shalt  }
0x41: {  	_ =	shalt  }
0x42: {  	_ =	shalt  }
0x43: {  	_ =	shalt  }
0x44: {  	_ =	shalt  }
0x45: {  	_ =	shalt  }
0x46: {  	_ =	shalt  }
0x47: {  	_ =	shalt  }
0x48: {  	_ =	shalt  }
0x49: {  	_ =	shalt  }
0x4a: {  	_ =	shalt  }
0x4b: {  	_ =	shalt  }
0x4c: {  	_ =	shalt  }
0x4d: {  	_ =	shalt  }
0x4e: {  	_ =	shalt  }
0x4f: {  	_ =	shalt  }
0x50: {  	_ =	shalt  }
0x51: {  	_ =	shalt  }
0x52: {  	_ =	shalt  }
0x53: {  	_ =	shalt  }
0x54: {  	_ =	shalt  }
0x55: {  	_ =	shalt  }
0x56: {  	_ =	shalt  }
0x57: {  	_ =	shalt  }
0x58: {  	_ =	shalt  }
0x59: {  	_ =	shalt  }
0x5a: {  	_ =	shalt  }
0x5b: {  	_ =	shalt  }
0x5c: {  	_ =	shalt  }
0x5d: {  	_ =	shalt  }
0x5e: {  	_ =	shalt  }
0x5f: {  	_ =	shalt  }
0x60: {  	_ =	shalt  }
0x61: {  	_ =	shalt  }
0x62: {  	_ =	shalt  }
0x63: {  	_ =	shalt  }
0x64: {  	_ =	shalt  }
0x65: {  	_ =	shalt  }
0x66: {  	_ =	shalt  }
0x67: {  	_ =	shalt  }
0x68: {  	_ =	shalt  }
0x69: {  	_ =	shalt  }
0x6a: {  	_ =	shalt  }
0x6b: {  	_ =	shalt  }
0x6c: {  	_ =	shalt  }
0x6d: {  	_ =	shalt  }
0x6e: {  	_ =	shalt  }
0x6f: {  	_ =	shalt  }
0x70: {  	_ =	shalt  }
0x71: {  	_ =	shalt  }
0x72: {  	_ =	shalt  }
0x73: {  	_ =	shalt  }
0x74: {  	_ =	shalt  }
0x75: {  	_ =	shalt  }
0x76: {  	_ =	shalt  }
0x77: {  	_ =	shalt  }
0x78: {  	_ =	shalt  }
0x79: {  	_ =	shalt  }
0x7a: {  	_ =	shalt  }
0x7b: {  	_ =	shalt  }
0x7c: {  	_ =	shalt  }
0x7d: {  	_ =	shalt  }
0x7e: {  	_ =	shalt  }
0x7f: {  	_ =	shalt  }
0x80: {  	_ =	shalt  }
0x81: {  	_ =	shalt  }
0x82: {  	_ =	shalt  }
0x83: {  	_ =	shalt  }
0x84: {  	_ =	shalt  }
0x85: {  	_ =	shalt  }
0x86: {  	_ =	shalt  }
0x87: {  	_ =	shalt  }
.Lfunc_end0:
.L_simem_size_0:
called_computation.1_lowered:
.L_overlay_start_0:
0x88: {  	s2 =	sld [smem:$0x3FD9]  }
0x89: {  	s3 =	sld [smem:$0x3FFE];
	_ =	sdelay $0x1  }
0x8a: {  	s1 =	srdreg.scid  }
0x8b: {  	s0 =	sand.u32 $0x1, s1  }
0x8c: {  	s16 =	sshll.u32 s0, $0xA;
	s2 =	sadd.s32 s3, s2  }
0x8d: {  	s2 =	sadd.s32 s2, s16  }
0x8e: {  	[smem:$0x3FC3] =	sst s2  }
0x8f: {  	_ = 	snop  }
0x90: {  	(tm) =	ssettm $0x1  }
0x91: {  	s17 =	sld [smem:$0x3FFB];
	_ =	sdelay $0x3  }
0x92: {  	_ =	strace s17  }
0x93: {  	s2 =	sld [smem:$0x3FFC];
	_ =	sdelay $0x3  }
0x94: {  	_ =	strace s2  }
0x95: {  	s2 =	sld [smem:$0x3FFD];
	_ =	sdelay $0x3  }
0x96: {  	_ =	strace s2  }
0x97: {  	_ =	strace $0x8FFFFFFF  }
0x98: {  	s18 =	sld [smem:$0x3FDB];
	_ =	sdelay $0x1  }
0x99: {  	s19 =	simm.s32 $_scs_section_size  }
0x9a: {  	s4 =	simm.s32 $_size__tile_overlayer_lowered;
	s5 =	simm.s32 $_tile_overlayer_lowered  }
0x9b: {  	s22 =	simm.s32 $0x1BFF;
	s21 =	sshll.u32 s5, $0x1;
	s2 =	sadd.s32 s19, s18  }
0x9c: {  	s6 =	simm.s32 $0x0;
	s20 =	sshll.u32 s4, $0x1;
	s4 =	sadd.s32 s21, s2  }
0x9d: {  	[timem:s6], [sflag:s22] =	dma.local [hbm:s4], s20  }
0x9e: {  	_ =	swait.ge [sflag:s22], s20  }
0x9f: {  	s3 =	ssub.s32 $0x0, s20;
	[sflag:s22] =	ssyncset.done $0x0  }
0xa0: {  	[sflag:s22] =	ssyncadd.s32 s3;
	_ =	sdelay $0x1  }
0xa1: {  	s23 =	simm.s32 $0x1B8B  }
0xa2: {  	_ =	swait.ge [sflag:s23], $0x1  }
0xa3: {  	[sflag:s23] =	ssyncset.done $0x0  }
0xa4: {  	s25 =	simm.s32 $0x1B8E;
	s24 =	sld [smem:$0x3FFE];
	[sflag:s23] =	ssyncadd.s32 $0xFFFFFFFF  }
0xa5: {  	s26 =	simm.s32 $execute0_lowered;
	[smem:$0x3FD2] =	sst s25  }
0xa6: {  	s4 =	sshll.u32 s26, $0x1;
	_ =	strace $0x80000049;
	[dreg:$0x1] =	wrdreg $0xFFFFFFFF  }
0xa7: {  	s28 =	simm.s32 $_size_execute0_lowered;
	s2 =	sadd.s32 s2, s4;
	[dreg:$0x0] =	wrdreg $0x0  }
0xa8: {  	s4 =	sshll.u32 s28, $0x1;
	[dreg:$0x2] =	wrdreg s2  }
0xa9: {  	[dreg:$0x3] =	wrdreg s4  }
0xaa: {  	[dreg:$0x4] =	wrdreg $0xC0  }
0xab: {  	_ =	task [dreg:s6], $0x5FFFF  }
0xac: {  	[dreg:$0x1] =	wrdreg $0xFFFFFFFF  }
0xad: {  	[dreg:$0x0] =	wrdreg $0x60  }
0xae: {  	[dreg:$0x2] =	wrdreg s24  }
0xaf: {  	[dreg:$0x3] =	wrdreg $0x9  }
0xb0: {  	_ =	task.clear_ibuf [dreg:s6], $0x4FFFF;
	_ =	strace $0x90000049  }
0xb1: {  	s29 =	simm.s32 $0x9;
	_ =	strace $0x8000004B  }
0xb2: {  	_ =	swait.ge [sflag:s29], $0x1  }
0xb3: {  	[sflag:s29] =	ssyncadd.s32 $0xFFFFFFFF  }
0xb4: {  	_ =	strace $0x9000004B  }
0xb5: {  	_ =	sfence  }
0xb6: {  	s30 =	sld [smem:$0x0];
	_ =	sdelay $0x2  }
0xb7: {  	s31 =	sshll.u32 s1, $0xD;
	s1 =	sshrl.u32 s1, $0x2  }
0xb8: {  	s3 =	sand.u32 $0x4000, s31;
	s1 =	sadd.s32 s1, s30  }
0xb9: {  	s0 =	sor.u32 s3, s0;
	s1 =	sshll.u32 s1, $0x11  }
0xba: {  	s0 =	sor.u32 s1, s0  }
0xbb: {  	s0 =	sadd.s32 $0x8F2B, s0  }
0xbc: {  	[sflag:s0] =	ssyncadd.remote.s32 $0x1  }
0xbd: {  	_ =	sfence.sel $0xFFFF  }
0xbe: {  	[dreg:$0x0] =	wrdreg $0xFFFFFFFF;
	(pc) =	sbr.abs _section_cstart, $3  }
0xbf: {  	[dreg:$0x1] =	wrdreg $0xFFFFFFFF  }
0xc0: {  	_ =	task.clear_ibuf [dreg:s6], $0x2FFFF;
	_ =	strace $0x9FFFFFFF  }
0xc1: {  	(tm) =	ssettm $0x7FFFFFFF  }
tec
execute0_lowered:
.L_overlay_start_1:
0x0: {  	(tag) =	ssettag $0x1  }
0x1: {  	s0 =	rddreg [dreg:$0x0];
	s1 =	srdreg.scid  }
0x2: {  	s2 =	simm.s32 $0x0;
	s5 =	stileid.u32;
	s13 =	simm.s32 $0x1  }
0x3: {  	s1 =	sand.u32 $0x1, s1;
	[smem:$0x7FF] =	sst s2;
	s4 =	sshll.u32 s5, $0x7  }
0x4: {  	s23 =	sshll.u32 s5, $0xF;
	s6 =	sadd.s32 $0x61200, s0;
	s24 =	sshll.u32 s1, $0xE  }
0x5: {  	s8 =	sadd.s32 $0xE1200, s0;
	s3 =	sshll.u32 s1, $0x6;
	s5 =	sor.u32 s24, s23  }
0x6: {  	_ =	strace $0x8000004A;
	s3 =	sor.u32 s3, s4;
	s25 =	sadd.s32 s6, s5  }
0x7: {  	s4 =	sadd.s32 s3, s0;
	s28 =	sadd.s32 s8, s5;
	[dreg:$0x3] =	wrdreg s25  }
0x8: {  	s1 =	ssub.s32 $0x2, s1;
	s7 =	sadd.s32 $0x1200, s4;
	[dreg:$0x5] =	wrdreg s28  }
0x9: {  	s9 =	sshrl.u32 s1, $0x1;
	s26 =	sadd.s32 $0x1210, s4;
	[dreg:$0x2] =	wrdreg s7  }
0xa: {  	s5 =	sor.u32 $0x2000, s5;
	s29 =	sadd.s32 $0x1220, s4;
	[dreg:$0x4] =	wrdreg s26  }
0xb: {  	s3 =	sadd.s32 $0x1A1200, s0;
	s6 =	sadd.s32 s6, s5;
	[dreg:$0x6] =	wrdreg s29  }
0xc: {  	v2 =	vlaneseq.u32;
	s1 =	ssub.s32 s1, s9;
	s30 =	sadd.s32 $0x1230, s4;
	[dreg:$0x7] =	wrdreg s6  }
0xd: {  	vm0 =	vmmov $0xffff;
	v1 =	vshrl.u32 v2, $0x3;
	s4 =	sadd.s32 $0x1A1300, s0;
	s31 =	sadd.s32 s8, s5;
	[dreg:$0x8] =	wrdreg s30  }
0xe: {  	v0 =	vand.u32 $0x7, v2;
	v2 =	vor.u32 $0x8, v2;
	v1 =	vmul.u32 $0x8, v1;
	s5 =	smax.u32 s1, $0x1;
	[dreg:$0x9] =	wrdreg s31;
	s7 =	simm.s32 $0x2  }
.LBB2_1:
0xf: {  	s14 =	rddreg [dreg:$0x2];
	s0 =	simm.s32 $0x10000  }
0x10: {  	[tilespmem:s0], [sflag:$0x2] =	stream.linear.gather [hbm4b:s14+s2], $0x80, $0x38;
	[tilespmem:$0x10080] =	vst v63  }
0x11: {  	_ =	swait.ge [sflag:s7], $0x80  }
0x12: {  	[sflag:s7] =	ssyncset.done $0x0  }
0x13: {  	[sflag:s7] =	ssyncadd.s32 $0xFFFFFF80  }
0x14: {  	v3 =	vld [tilespmem:$0x10000];
	_ =	sdelay $0x4  }
0x15: {  	v4 =	vshll.u32 v3, $0x2  }
0x16: {  	v3 =	vand.u32 $0x7, v3;
	v4 =	vand.u32 $0xFFFFFFE0, v4  }
0x17: {  	v3 =	vor.u32 v3, v4  }
0x18: {  	v4 =	vperm.xlane v3, v0;
	_ =	sdelay $0x1  }
0x19: {  	v4 =	vadd.s32 v1, v4;
	_ =	sdelay $0x1  }
0x1a: {  	v3 =	vperm.xlane v3, v2;
	_ =	sdelay $0x1  }
0x1b: {  	v3 =	vadd.s32 v1, v3  }
0x1c: {  	[tilespmem:s2], [sflag:$0x1] =	stream.indirect_vreg.gather [hbm4b:s3+s2], $0x80, v4, vm0, $0xb8;
	[tilespmem:$0x10080] =	vst v63  }
0x1d: {  	s29 =	simm.s32 $0x800  }
0x1e: {  	[tilespmem:s29], [sflag:$0x1] =	stream.indirect_vreg.gather [hbm4b:s4+s2], $0x80, v4, vm0, $0xb8;
	[tilespmem:$0x10080] =	vst v63  }
0x1f: {  	s30 =	simm.s32 $0x1000  }
0x20: {  	[tilespmem:s30], [sflag:$0x1] =	stream.indirect_vreg.gather [hbm4b:s3+s2], $0x80, v3, vm0, $0xb8;
	[tilespmem:$0x10080] =	vst v63  }
0x21: {  	s31 =	simm.s32 $0x1800  }
0x22: {  	[tilespmem:s31], [sflag:$0x1] =	stream.indirect_vreg.gather [hbm4b:s4+s2], $0x80, v3, vm0, $0xb8;
	[tilespmem:$0x10080] =	vst v63  }
0x23: {  	v3 =	vld [tilespmem:$0x10010];
	_ =	sdelay $0x4  }
0x24: {  	v33 =	vshll.u32 v3, $0x2  }
0x25: {  	v3 =	vand.u32 $0x7, v3;
	v4 =	vand.u32 $0xFFFFFFE0, v33  }
0x26: {  	v3 =	vor.u32 v3, v4  }
0x27: {  	v4 =	vperm.xlane v3, v0;
	_ =	sdelay $0x1  }
0x28: {  	v4 =	vadd.s32 v1, v4;
	_ =	sdelay $0x1  }
0x29: {  	v3 =	vperm.xlane v3, v2;
	_ =	sdelay $0x1  }
0x2a: {  	s8 =	simm.s32 $0x2000;
	v3 =	vadd.s32 v1, v3  }
0x2b: {  	[tilespmem:s8], [sflag:$0x1] =	stream.indirect_vreg.gather [hbm4b:s3+s2], $0x80, v4, vm0, $0xb8;
	[tilespmem:$0x10080] =	vst v63  }
0x2c: {  	s9 =	simm.s32 $0x2800  }
0x2d: {  	[tilespmem:s9], [sflag:$0x1] =	stream.indirect_vreg.gather [hbm4b:s4+s2], $0x80, v4, vm0, $0xb8;
	[tilespmem:$0x10080] =	vst v63  }
0x2e: {  	s10 =	simm.s32 $0x3000  }
0x2f: {  	[tilespmem:s10], [sflag:$0x1] =	stream.indirect_vreg.gather [hbm4b:s3+s2], $0x80, v3, vm0, $0xb8;
	[tilespmem:$0x10080] =	vst v63  }
0x30: {  	s12 =	simm.s32 $0x3800  }
0x31: {  	[tilespmem:s12], [sflag:$0x1] =	stream.indirect_vreg.gather [hbm4b:s4+s2], $0x80, v3, vm0, $0xb8;
	[tilespmem:$0x10080] =	vst v63  }
0x32: {  	v3 =	vld [tilespmem:$0x10020];
	_ =	sdelay $0x4  }
0x33: {  	v34 =	vshll.u32 v3, $0x2  }
0x34: {  	v3 =	vand.u32 $0x7, v3;
	v4 =	vand.u32 $0xFFFFFFE0, v34  }
0x35: {  	v3 =	vor.u32 v3, v4  }
0x36: {  	v4 =	vperm.xlane v3, v0;
	_ =	sdelay $0x1  }
0x37: {  	v4 =	vadd.s32 v1, v4;
	_ =	sdelay $0x1  }
0x38: {  	v3 =	vperm.xlane v3, v2;
	_ =	sdelay $0x1  }
0x39: {  	s14 =	simm.s32 $0x4000;
	v3 =	vadd.s32 v1, v3  }
0x3a: {  	[tilespmem:s14], [sflag:$0x1] =	stream.indirect_vreg.gather [hbm4b:s3+s2], $0x80, v4, vm0, $0xb8;
	[tilespmem:$0x10080] =	vst v63  }
0x3b: {  	s15 =	simm.s32 $0x4800  }
0x3c: {  	[tilespmem:s15], [sflag:$0x1] =	stream.indirect_vreg.gather [hbm4b:s4+s2], $0x80, v4, vm0, $0xb8;
	[tilespmem:$0x10080] =	vst v63  }
0x3d: {  	s16 =	simm.s32 $0x5000  }
0x3e: {  	[tilespmem:s16], [sflag:$0x1] =	stream.indirect_vreg.gather [hbm4b:s3+s2], $0x80, v3, vm0, $0xb8;
	[tilespmem:$0x10080] =	vst v63  }
0x3f: {  	s17 =	simm.s32 $0x5800  }
0x40: {  	[tilespmem:s17], [sflag:$0x1] =	stream.indirect_vreg.gather [hbm4b:s4+s2], $0x80, v3, vm0, $0xb8;
	[tilespmem:$0x10080] =	vst v63  }
0x41: {  	v3 =	vld [tilespmem:$0x10030];
	_ =	sdelay $0x4  }
0x42: {  	v35 =	vshll.u32 v3, $0x2  }
0x43: {  	v3 =	vand.u32 $0x7, v3;
	v4 =	vand.u32 $0xFFFFFFE0, v35  }
0x44: {  	v3 =	vor.u32 v3, v4  }
0x45: {  	v4 =	vperm.xlane v3, v0;
	_ =	sdelay $0x1  }
0x46: {  	v4 =	vadd.s32 v1, v4;
	_ =	sdelay $0x1  }
0x47: {  	v3 =	vperm.xlane v3, v2;
	_ =	sdelay $0x1  }
0x48: {  	s18 =	simm.s32 $0x6000;
	v3 =	vadd.s32 v1, v3  }
0x49: {  	[tilespmem:s18], [sflag:$0x1] =	stream.indirect_vreg.gather [hbm4b:s3+s2], $0x80, v4, vm0, $0xb8;
	[tilespmem:$0x10080] =	vst v63  }
0x4a: {  	s19 =	simm.s32 $0x6800  }
0x4b: {  	[tilespmem:s19], [sflag:$0x1] =	stream.indirect_vreg.gather [hbm4b:s4+s2], $0x80, v4, vm0, $0xb8;
	[tilespmem:$0x10080] =	vst v63  }
0x4c: {  	s20 =	simm.s32 $0x7000  }
0x4d: {  	[tilespmem:s20], [sflag:$0x1] =	stream.indirect_vreg.gather [hbm4b:s3+s2], $0x80, v3, vm0, $0xb8;
	[tilespmem:$0x10080] =	vst v63  }
0x4e: {  	s21 =	simm.s32 $0x7800  }
0x4f: {  	[tilespmem:s21], [sflag:$0x1] =	stream.indirect_vreg.gather [hbm4b:s4+s2], $0x80, v3, vm0, $0xb8;
	[tilespmem:$0x10080] =	vst v63  }
0x50: {  	v3 =	vld [tilespmem:$0x10040];
	_ =	sdelay $0x4  }
0x51: {  	v36 =	vshll.u32 v3, $0x2  }
0x52: {  	v3 =	vand.u32 $0x7, v3;
	v4 =	vand.u32 $0xFFFFFFE0, v36  }
0x53: {  	v3 =	vor.u32 v3, v4  }
0x54: {  	v4 =	vperm.xlane v3, v0;
	_ =	sdelay $0x1  }
0x55: {  	v4 =	vadd.s32 v1, v4;
	_ =	sdelay $0x1  }
0x56: {  	v3 =	vperm.xlane v3, v2;
	_ =	sdelay $0x1  }
0x57: {  	s22 =	simm.s32 $0x8000;
	v3 =	vadd.s32 v1, v3  }
0x58: {  	[tilespmem:s22], [sflag:$0x1] =	stream.indirect_vreg.gather [hbm4b:s3+s2], $0x80, v4, vm0, $0xb8;
	[tilespmem:$0x10080] =	vst v63  }
0x59: {  	s23 =	simm.s32 $0x8800  }
0x5a: {  	[tilespmem:s23], [sflag:$0x1] =	stream.indirect_vreg.gather [hbm4b:s4+s2], $0x80, v4, vm0, $0xb8;
	[tilespmem:$0x10080] =	vst v63  }
0x5b: {  	s24 =	simm.s32 $0x9000  }
0x5c: {  	[tilespmem:s24], [sflag:$0x1] =	stream.indirect_vreg.gather [hbm4b:s3+s2], $0x80, v3, vm0, $0xb8;
	[tilespmem:$0x10080] =	vst v63  }
0x5d: {  	s25 =	simm.s32 $0x9800  }
0x5e: {  	[tilespmem:s25], [sflag:$0x1] =	stream.indirect_vreg.gather [hbm4b:s4+s2], $0x80, v3, vm0, $0xb8;
	[tilespmem:$0x10080] =	vst v63  }
0x5f: {  	v3 =	vld [tilespmem:$0x10050];
	_ =	sdelay $0x4  }
0x60: {  	v37 =	vshll.u32 v3, $0x2  }
0x61: {  	v3 =	vand.u32 $0x7, v3;
	v4 =	vand.u32 $0xFFFFFFE0, v37  }
0x62: {  	v3 =	vor.u32 v3, v4  }
0x63: {  	v4 =	vperm.xlane v3, v0;
	_ =	sdelay $0x1  }
0x64: {  	v4 =	vadd.s32 v1, v4;
	_ =	sdelay $0x1  }
0x65: {  	v3 =	vperm.xlane v3, v2;
	_ =	sdelay $0x1  }
0x66: {  	s26 =	simm.s32 $0xA000;
	v3 =	vadd.s32 v1, v3  }
0x67: {  	[tilespmem:s26], [sflag:$0x1] =	stream.indirect_vreg.gather [hbm4b:s3+s2], $0x80, v4, vm0, $0xb8;
	[tilespmem:$0x10080] =	vst v63  }
0x68: {  	s28 =	simm.s32 $0xA800  }
0x69: {  	[tilespmem:s28], [sflag:$0x1] =	stream.indirect_vreg.gather [hbm4b:s4+s2], $0x80, v4, vm0, $0xb8;
	[tilespmem:$0x10080] =	vst v63  }
0x6a: {  	s30 =	simm.s32 $0xB000  }
0x6b: {  	[tilespmem:s30], [sflag:$0x1] =	stream.indirect_vreg.gather [hbm4b:s3+s2], $0x80, v3, vm0, $0xb8;
	[tilespmem:$0x10080] =	vst v63  }
0x6c: {  	s31 =	simm.s32 $0xB800  }
0x6d: {  	[tilespmem:s31], [sflag:$0x1] =	stream.indirect_vreg.gather [hbm4b:s4+s2], $0x80, v3, vm0, $0xb8;
	[tilespmem:$0x10080] =	vst v63  }
0x6e: {  	v3 =	vld [tilespmem:$0x10060];
	_ =	sdelay $0x4  }
0x6f: {  	v38 =	vshll.u32 v3, $0x2  }
0x70: {  	v3 =	vand.u32 $0x7, v3;
	v4 =	vand.u32 $0xFFFFFFE0, v38  }
0x71: {  	v3 =	vor.u32 v3, v4  }
0x72: {  	v4 =	vperm.xlane v3, v0;
	_ =	sdelay $0x1  }
0x73: {  	v4 =	vadd.s32 v1, v4;
	_ =	sdelay $0x1  }
0x74: {  	v3 =	vperm.xlane v3, v2;
	_ =	sdelay $0x1  }
0x75: {  	s0 =	simm.s32 $0xC000;
	v3 =	vadd.s32 v1, v3  }
0x76: {  	[tilespmem:s0], [sflag:$0x1] =	stream.indirect_vreg.gather [hbm4b:s3+s2], $0x80, v4, vm0, $0xb8;
	[tilespmem:$0x10080] =	vst v63  }
0x77: {  	s15 =	simm.s32 $0xC800  }
0x78: {  	[tilespmem:s15], [sflag:$0x1] =	stream.indirect_vreg.gather [hbm4b:s4+s2], $0x80, v4, vm0, $0xb8;
	[tilespmem:$0x10080] =	vst v63  }
0x79: {  	s19 =	simm.s32 $0xD000  }
0x7a: {  	[tilespmem:s19], [sflag:$0x1] =	stream.indirect_vreg.gather [hbm4b:s3+s2], $0x80, v3, vm0, $0xb8;
	[tilespmem:$0x10080] =	vst v63  }
0x7b: {  	s20 =	simm.s32 $0xD800  }
0x7c: {  	[tilespmem:s20], [sflag:$0x1] =	stream.indirect_vreg.gather [hbm4b:s4+s2], $0x80, v3, vm0, $0xb8;
	[tilespmem:$0x10080] =	vst v63  }
0x7d: {  	v3 =	vld [tilespmem:$0x10070];
	_ =	sdelay $0x4  }
0x7e: {  	v39 =	vshll.u32 v3, $0x2  }
0x7f: {  	v3 =	vand.u32 $0x7, v3;
	v4 =	vand.u32 $0xFFFFFFE0, v39  }
0x80: {  	v3 =	vor.u32 v3, v4  }
0x81: {  	v4 =	vperm.xlane v3, v0;
	_ =	sdelay $0x1  }
0x82: {  	v4 =	vadd.s32 v1, v4;
	_ =	sdelay $0x1  }
0x83: {  	v3 =	vperm.xlane v3, v2;
	_ =	sdelay $0x1  }
0x84: {  	s22 =	simm.s32 $0xE000;
	v3 =	vadd.s32 v1, v3  }
0x85: {  	[tilespmem:s22], [sflag:$0x1] =	stream.indirect_vreg.gather [hbm4b:s3+s2], $0x80, v4, vm0, $0xb8;
	[tilespmem:$0x10080] =	vst v63  }
0x86: {  	s23 =	simm.s32 $0xE800  }
0x87: {  	[tilespmem:s23], [sflag:$0x1] =	stream.indirect_vreg.gather [hbm4b:s4+s2], $0x80, v4, vm0, $0xb8;
	[tilespmem:$0x10080] =	vst v63  }
0x88: {  	s24 =	simm.s32 $0xF000  }
0x89: {  	[tilespmem:s24], [sflag:$0x1] =	stream.indirect_vreg.gather [hbm4b:s3+s2], $0x80, v3, vm0, $0xb8;
	[tilespmem:$0x10080] =	vst v63  }
0x8a: {  	s25 =	simm.s32 $0xF800  }
0x8b: {  	[tilespmem:s25], [sflag:$0x1] =	stream.indirect_vreg.gather [hbm4b:s4+s2], $0x80, v3, vm0, $0xb8;
	[tilespmem:$0x10080] =	vst v63  }
0x8c: {  	_ =	swait.ge [sflag:s13], $0x10000  }
0x8d: {  	[sflag:s13] =	ssyncset.done $0x0  }
0x8e: {  	s26 =	rddreg [dreg:$0x3];
	[sflag:s13] =	ssyncadd.s32 $0xFFFF0000  }
0x8f: {  	[hbm4b:s26+s2] =	stream.linear.scatter [tilespmem:s2], [sflag:$0x2], $0x10000, $0x38;
	[tilespmem:$0x10080] =	vst v63  }
0x90: {  	_ =	swait.ge [sflag:s7], $0x10000  }
0x91: {  	[sflag:s7] =	ssyncset.done $0x0  }
0x92: {  	s11 =	simm.s32 $0x10000;
	s28 =	rddreg [dreg:$0x4];
	[sflag:s7] =	ssyncadd.s32 $0xFFFF0000  }
0x93: {  	[tilespmem:s11], [sflag:$0x2] =	stream.linear.gather [hbm4b:s28+s2], $0x80, $0x38;
	[tilespmem:$0x10080] =	vst v63  }
0x94: {  	_ =	swait.ge [sflag:s7], $0x80  }
0x95: {  	[sflag:s7] =	ssyncset.done $0x0  }
0x96: {  	[sflag:s7] =	ssyncadd.s32 $0xFFFFFF80  }
0x97: {  	v3 =	vld [tilespmem:$0x10000];
	_ =	sdelay $0x4  }
0x98: {  	v40 =	vshll.u32 v3, $0x2  }
0x99: {  	v3 =	vand.u32 $0x7, v3;
	v4 =	vand.u32 $0xFFFFFFE0, v40  }
0x9a: {  	v3 =	vor.u32 v3, v4  }
0x9b: {  	v4 =	vperm.xlane v3, v0;
	_ =	sdelay $0x1  }
0x9c: {  	v4 =	vadd.s32 v1, v4;
	_ =	sdelay $0x1  }
0x9d: {  	v3 =	vperm.xlane v3, v2;
	_ =	sdelay $0x1  }
0x9e: {  	v3 =	vadd.s32 v1, v3  }
0x9f: {  	[tilespmem:s2], [sflag:$0x1] =	stream.indirect_vreg.gather [hbm4b:s3+s2], $0x80, v4, vm0, $0xb8;
	[tilespmem:$0x10080] =	vst v63  }
0xa0: {  	s1 =	simm.s32 $0x800  }
0xa1: {  	[tilespmem:s1], [sflag:$0x1] =	stream.indirect_vreg.gather [hbm4b:s4+s2], $0x80, v4, vm0, $0xb8;
	[tilespmem:$0x10080] =	vst v63  }
0xa2: {  	s6 =	simm.s32 $0x1000  }
0xa3: {  	[tilespmem:s6], [sflag:$0x1] =	stream.indirect_vreg.gather [hbm4b:s3+s2], $0x80, v3, vm0, $0xb8;
	[tilespmem:$0x10080] =	vst v63  }
0xa4: {  	s1 =	simm.s32 $0x1800  }
0xa5: {  	[tilespmem:s1], [sflag:$0x1] =	stream.indirect_vreg.gather [hbm4b:s4+s2], $0x80, v3, vm0, $0xb8;
	[tilespmem:$0x10080] =	vst v63  }
0xa6: {  	v3 =	vld [tilespmem:$0x10010];
	_ =	sdelay $0x4  }
0xa7: {  	v41 =	vshll.u32 v3, $0x2  }
0xa8: {  	v3 =	vand.u32 $0x7, v3;
	v4 =	vand.u32 $0xFFFFFFE0, v41  }
0xa9: {  	v3 =	vor.u32 v3, v4  }
0xaa: {  	v4 =	vperm.xlane v3, v0;
	_ =	sdelay $0x1  }
0xab: {  	v4 =	vadd.s32 v1, v4;
	_ =	sdelay $0x1  }
0xac: {  	v3 =	vperm.xlane v3, v2;
	_ =	sdelay $0x1  }
0xad: {  	s8 =	simm.s32 $0x2000;
	v3 =	vadd.s32 v1, v3  }
0xae: {  	[tilespmem:s8], [sflag:$0x1] =	stream.indirect_vreg.gather [hbm4b:s3+s2], $0x80, v4, vm0, $0xb8;
	[tilespmem:$0x10080] =	vst v63  }
0xaf: {  	s9 =	simm.s32 $0x2800  }
0xb0: {  	[tilespmem:s9], [sflag:$0x1] =	stream.indirect_vreg.gather [hbm4b:s4+s2], $0x80, v4, vm0, $0xb8;
	[tilespmem:$0x10080] =	vst v63  }
0xb1: {  	s0 =	simm.s32 $0x3000  }
0xb2: {  	[tilespmem:s0], [sflag:$0x1] =	stream.indirect_vreg.gather [hbm4b:s3+s2], $0x80, v3, vm0, $0xb8;
	[tilespmem:$0x10080] =	vst v63  }
0xb3: {  	s15 =	simm.s32 $0x3800  }
0xb4: {  	[tilespmem:s15], [sflag:$0x1] =	stream.indirect_vreg.gather [hbm4b:s4+s2], $0x80, v3, vm0, $0xb8;
	[tilespmem:$0x10080] =	vst v63  }
0xb5: {  	v3 =	vld [tilespmem:$0x10020];
	_ =	sdelay $0x4  }
0xb6: {  	v42 =	vshll.u32 v3, $0x2  }
0xb7: {  	v3 =	vand.u32 $0x7, v3;
	v4 =	vand.u32 $0xFFFFFFE0, v42  }
0xb8: {  	v3 =	vor.u32 v3, v4  }
0xb9: {  	v4 =	vperm.xlane v3, v0;
	_ =	sdelay $0x1  }
0xba: {  	v4 =	vadd.s32 v1, v4;
	_ =	sdelay $0x1  }
0xbb: {  	v3 =	vperm.xlane v3, v2;
	_ =	sdelay $0x1  }
0xbc: {  	s12 =	simm.s32 $0x4000;
	v3 =	vadd.s32 v1, v3  }
0xbd: {  	[tilespmem:s12], [sflag:$0x1] =	stream.indirect_vreg.gather [hbm4b:s3+s2], $0x80, v4, vm0, $0xb8;
	[tilespmem:$0x10080] =	vst v63  }
0xbe: {  	s6 =	simm.s32 $0x4800  }
0xbf: {  	[tilespmem:s6], [sflag:$0x1] =	stream.indirect_vreg.gather [hbm4b:s4+s2], $0x80, v4, vm0, $0xb8;
	[tilespmem:$0x10080] =	vst v63  }
0xc0: {  	s16 =	simm.s32 $0x5000  }
0xc1: {  	[tilespmem:s16], [sflag:$0x1] =	stream.indirect_vreg.gather [hbm4b:s3+s2], $0x80, v3, vm0, $0xb8;
	[tilespmem:$0x10080] =	vst v63  }
0xc2: {  	s8 =	simm.s32 $0x5800  }
0xc3: {  	[tilespmem:s8], [sflag:$0x1] =	stream.indirect_vreg.gather [hbm4b:s4+s2], $0x80, v3, vm0, $0xb8;
	[tilespmem:$0x10080] =	vst v63  }
0xc4: {  	v3 =	vld [tilespmem:$0x10030];
	_ =	sdelay $0x4  }
0xc5: {  	v43 =	vshll.u32 v3, $0x2  }
0xc6: {  	v3 =	vand.u32 $0x7, v3;
	v4 =	vand.u32 $0xFFFFFFE0, v43  }
0xc7: {  	v3 =	vor.u32 v3, v4  }
0xc8: {  	v4 =	vperm.xlane v3, v0;
	_ =	sdelay $0x1  }
0xc9: {  	v4 =	vadd.s32 v1, v4;
	_ =	sdelay $0x1  }
0xca: {  	v3 =	vperm.xlane v3, v2;
	_ =	sdelay $0x1  }
0xcb: {  	s17 =	simm.s32 $0x6000;
	v3 =	vadd.s32 v1, v3  }
0xcc: {  	[tilespmem:s17], [sflag:$0x1] =	stream.indirect_vreg.gather [hbm4b:s3+s2], $0x80, v4, vm0, $0xb8;
	[tilespmem:$0x10080] =	vst v63  }
0xcd: {  	s29 =	simm.s32 $0x6800  }
0xce: {  	[tilespmem:s29], [sflag:$0x1] =	stream.indirect_vreg.gather [hbm4b:s4+s2], $0x80, v4, vm0, $0xb8;
	[tilespmem:$0x10080] =	vst v63  }
0xcf: {  	s9 =	simm.s32 $0x7000  }
0xd0: {  	[tilespmem:s9], [sflag:$0x1] =	stream.indirect_vreg.gather [hbm4b:s3+s2], $0x80, v3, vm0, $0xb8;
	[tilespmem:$0x10080] =	vst v63  }
0xd1: {  	s18 =	simm.s32 $0x7800  }
0xd2: {  	[tilespmem:s18], [sflag:$0x1] =	stream.indirect_vreg.gather [hbm4b:s4+s2], $0x80, v3, vm0, $0xb8;
	[tilespmem:$0x10080] =	vst v63  }
0xd3: {  	v3 =	vld [tilespmem:$0x10040];
	_ =	sdelay $0x4  }
0xd4: {  	v44 =	vshll.u32 v3, $0x2  }
0xd5: {  	v3 =	vand.u32 $0x7, v3;
	v4 =	vand.u32 $0xFFFFFFE0, v44  }
0xd6: {  	v3 =	vor.u32 v3, v4  }
0xd7: {  	v4 =	vperm.xlane v3, v0;
	_ =	sdelay $0x1  }
0xd8: {  	v4 =	vadd.s32 v1, v4;
	_ =	sdelay $0x1  }
0xd9: {  	v3 =	vperm.xlane v3, v2;
	_ =	sdelay $0x1  }
0xda: {  	s11 =	simm.s32 $0x8000;
	v3 =	vadd.s32 v1, v3  }
0xdb: {  	[tilespmem:s11], [sflag:$0x1] =	stream.indirect_vreg.gather [hbm4b:s3+s2], $0x80, v4, vm0, $0xb8;
	[tilespmem:$0x10080] =	vst v63  }
0xdc: {  	s12 =	simm.s32 $0x8800  }
0xdd: {  	[tilespmem:s12], [sflag:$0x1] =	stream.indirect_vreg.gather [hbm4b:s4+s2], $0x80, v4, vm0, $0xb8;
	[tilespmem:$0x10080] =	vst v63  }
0xde: {  	s16 =	simm.s32 $0x9000  }
0xdf: {  	[tilespmem:s16], [sflag:$0x1] =	stream.indirect_vreg.gather [hbm4b:s3+s2], $0x80, v3, vm0, $0xb8;
	[tilespmem:$0x10080] =	vst v63  }
0xe0: {  	s10 =	simm.s32 $0x9800  }
0xe1: {  	[tilespmem:s10], [sflag:$0x1] =	stream.indirect_vreg.gather [hbm4b:s4+s2], $0x80, v3, vm0, $0xb8;
	[tilespmem:$0x10080] =	vst v63  }
0xe2: {  	v3 =	vld [tilespmem:$0x10050];
	_ =	sdelay $0x4  }
0xe3: {  	v45 =	vshll.u32 v3, $0x2  }
0xe4: {  	v3 =	vand.u32 $0x7, v3;
	v4 =	vand.u32 $0xFFFFFFE0, v45  }
0xe5: {  	v3 =	vor.u32 v3, v4  }
0xe6: {  	v4 =	vperm.xlane v3, v0;
	_ =	sdelay $0x1  }
0xe7: {  	v4 =	vadd.s32 v1, v4;
	_ =	sdelay $0x1  }
0xe8: {  	v3 =	vperm.xlane v3, v2;
	_ =	sdelay $0x1  }
0xe9: {  	s17 =	simm.s32 $0xA000;
	v3 =	vadd.s32 v1, v3  }
0xea: {  	[tilespmem:s17], [sflag:$0x1] =	stream.indirect_vreg.gather [hbm4b:s3+s2], $0x80, v4, vm0, $0xb8;
	[tilespmem:$0x10080] =	vst v63  }
0xeb: {  	s18 =	simm.s32 $0xA800  }
0xec: {  	[tilespmem:s18], [sflag:$0x1] =	stream.indirect_vreg.gather [hbm4b:s4+s2], $0x80, v4, vm0, $0xb8;
	[tilespmem:$0x10080] =	vst v63  }
0xed: {  	s10 =	simm.s32 $0xB000  }
0xee: {  	[tilespmem:s10], [sflag:$0x1] =	stream.indirect_vreg.gather [hbm4b:s3+s2], $0x80, v3, vm0, $0xb8;
	[tilespmem:$0x10080] =	vst v63  }
0xef: {  	s21 =	simm.s32 $0xB800  }
0xf0: {  	[tilespmem:s21], [sflag:$0x1] =	stream.indirect_vreg.gather [hbm4b:s4+s2], $0x80, v3, vm0, $0xb8;
	[tilespmem:$0x10080] =	vst v63  }
0xf1: {  	v3 =	vld [tilespmem:$0x10060];
	_ =	sdelay $0x4  }
0xf2: {  	v46 =	vshll.u32 v3, $0x2  }
0xf3: {  	v3 =	vand.u32 $0x7, v3;
	v4 =	vand.u32 $0xFFFFFFE0, v46  }
0xf4: {  	v3 =	vor.u32 v3, v4  }
0xf5: {  	v4 =	vperm.xlane v3, v0;
	_ =	sdelay $0x1  }
0xf6: {  	v4 =	vadd.s32 v1, v4;
	_ =	sdelay $0x1  }
0xf7: {  	v3 =	vperm.xlane v3, v2;
	_ =	sdelay $0x1  }
0xf8: {  	s29 =	simm.s32 $0xC000;
	v3 =	vadd.s32 v1, v3  }
0xf9: {  	[tilespmem:s29], [sflag:$0x1] =	stream.indirect_vreg.gather [hbm4b:s3+s2], $0x80, v4, vm0, $0xb8;
	[tilespmem:$0x10080] =	vst v63  }
0xfa: {  	s21 =	simm.s32 $0xC800  }
0xfb: {  	[tilespmem:s21], [sflag:$0x1] =	stream.indirect_vreg.gather [hbm4b:s4+s2], $0x80, v4, vm0, $0xb8;
	[tilespmem:$0x10080] =	vst v63  }
0xfc: {  	s21 =	simm.s32 $0xD000  }
0xfd: {  	[tilespmem:s21], [sflag:$0x1] =	stream.indirect_vreg.gather [hbm4b:s3+s2], $0x80, v3, vm0, $0xb8;
	[tilespmem:$0x10080] =	vst v63  }
0xfe: {  	s19 =	simm.s32 $0xD800  }
0xff: {  	[tilespmem:s19], [sflag:$0x1] =	stream.indirect_vreg.gather [hbm4b:s4+s2], $0x80, v3, vm0, $0xb8;
	[tilespmem:$0x10080] =	vst v63  }
0x100: {  	v3 =	vld [tilespmem:$0x10070];
	_ =	sdelay $0x4  }
0x101: {  	v47 =	vshll.u32 v3, $0x2  }
0x102: {  	v3 =	vand.u32 $0x7, v3;
	v4 =	vand.u32 $0xFFFFFFE0, v47  }
0x103: {  	v3 =	vor.u32 v3, v4  }
0x104: {  	v4 =	vperm.xlane v3, v0;
	_ =	sdelay $0x1  }
0x105: {  	v4 =	vadd.s32 v1, v4;
	_ =	sdelay $0x1  }
0x106: {  	v3 =	vperm.xlane v3, v2;
	_ =	sdelay $0x1  }
0x107: {  	s22 =	simm.s32 $0xE000;
	v3 =	vadd.s32 v1, v3  }
0x108: {  	[tilespmem:s22], [sflag:$0x1] =	stream.indirect_vreg.gather [hbm4b:s3+s2], $0x80, v4, vm0, $0xb8;
	[tilespmem:$0x10080] =	vst v63  }
0x109: {  	s19 =	simm.s32 $0xE800  }
0x10a: {  	[tilespmem:s19], [sflag:$0x1] =	stream.indirect_vreg.gather [hbm4b:s4+s2], $0x80, v4, vm0, $0xb8;
	[tilespmem:$0x10080] =	vst v63  }
0x10b: {  	s24 =	simm.s32 $0xF000  }
0x10c: {  	[tilespmem:s24], [sflag:$0x1] =	stream.indirect_vreg.gather [hbm4b:s3+s2], $0x80, v3, vm0, $0xb8;
	[tilespmem:$0x10080] =	vst v63  }
0x10d: {  	s23 =	simm.s32 $0xF800  }
0x10e: {  	[tilespmem:s23], [sflag:$0x1] =	stream.indirect_vreg.gather [hbm4b:s4+s2], $0x80, v3, vm0, $0xb8;
	[tilespmem:$0x10080] =	vst v63  }
0x10f: {  	_ =	swait.ge [sflag:s13], $0x10000  }
0x110: {  	[sflag:s13] =	ssyncset.done $0x0  }
0x111: {  	s23 =	rddreg [dreg:$0x5];
	[sflag:s13] =	ssyncadd.s32 $0xFFFF0000  }
0x112: {  	[hbm4b:s23+s2] =	stream.linear.scatter [tilespmem:s2], [sflag:$0x2], $0x10000, $0x38;
	[tilespmem:$0x10080] =	vst v63  }
0x113: {  	_ =	swait.ge [sflag:s7], $0x10000  }
0x114: {  	[sflag:s7] =	ssyncset.done $0x0  }
0x115: {  	s25 =	simm.s32 $0x10000;
	s23 =	rddreg [dreg:$0x6];
	[sflag:s7] =	ssyncadd.s32 $0xFFFF0000  }
0x116: {  	[tilespmem:s25], [sflag:$0x2] =	stream.linear.gather [hbm4b:s23+s2], $0x80, $0x38;
	[tilespmem:$0x10080] =	vst v63  }
0x117: {  	_ =	swait.ge [sflag:s7], $0x80  }
0x118: {  	[sflag:s7] =	ssyncset.done $0x0  }
0x119: {  	[sflag:s7] =	ssyncadd.s32 $0xFFFFFF80  }
0x11a: {  	v3 =	vld [tilespmem:$0x10000];
	_ =	sdelay $0x4  }
0x11b: {  	v48 =	vshll.u32 v3, $0x2  }
0x11c: {  	v3 =	vand.u32 $0x7, v3;
	v4 =	vand.u32 $0xFFFFFFE0, v48  }
0x11d: {  	v3 =	vor.u32 v3, v4  }
0x11e: {  	v4 =	vperm.xlane v3, v0;
	_ =	sdelay $0x1  }
0x11f: {  	v4 =	vadd.s32 v1, v4;
	_ =	sdelay $0x1  }
0x120: {  	v3 =	vperm.xlane v3, v2;
	_ =	sdelay $0x1  }
0x121: {  	v3 =	vadd.s32 v1, v3  }
0x122: {  	[tilespmem:s2], [sflag:$0x1] =	stream.indirect_vreg.gather [hbm4b:s3+s2], $0x80, v4, vm0, $0xb8;
	[tilespmem:$0x10080] =	vst v63  }
0x123: {  	s20 =	simm.s32 $0x800  }
0x124: {  	[tilespmem:s20], [sflag:$0x1] =	stream.indirect_vreg.gather [hbm4b:s4+s2], $0x80, v4, vm0, $0xb8;
	[tilespmem:$0x10080] =	vst v63  }
0x125: {  	s30 =	simm.s32 $0x1000  }
0x126: {  	[tilespmem:s30], [sflag:$0x1] =	stream.indirect_vreg.gather [hbm4b:s3+s2], $0x80, v3, vm0, $0xb8;
	[tilespmem:$0x10080] =	vst v63  }
0x127: {  	_ = 	snop  }
0x128: {  	[tilespmem:s1], [sflag:$0x1] =	stream.indirect_vreg.gather [hbm4b:s4+s2], $0x80, v3, vm0, $0xb8;
	[tilespmem:$0x10080] =	vst v63  }
0x129: {  	v3 =	vld [tilespmem:$0x10010];
	_ =	sdelay $0x4  }
0x12a: {  	v49 =	vshll.u32 v3, $0x2  }
0x12b: {  	v3 =	vand.u32 $0x7, v3;
	v4 =	vand.u32 $0xFFFFFFE0, v49  }
0x12c: {  	v3 =	vor.u32 v3, v4  }
0x12d: {  	v4 =	vperm.xlane v3, v0;
	_ =	sdelay $0x1  }
0x12e: {  	v4 =	vadd.s32 v1, v4;
	_ =	sdelay $0x1  }
0x12f: {  	v3 =	vperm.xlane v3, v2;
	_ =	sdelay $0x1  }
0x130: {  	s26 =	simm.s32 $0x2000;
	v3 =	vadd.s32 v1, v3  }
0x131: {  	[tilespmem:s26], [sflag:$0x1] =	stream.indirect_vreg.gather [hbm4b:s3+s2], $0x80, v4, vm0, $0xb8;
	[tilespmem:$0x10080] =	vst v63  }
0x132: {  	s28 =	simm.s32 $0x2800  }
0x133: {  	[tilespmem:s28], [sflag:$0x1] =	stream.indirect_vreg.gather [hbm4b:s4+s2], $0x80, v4, vm0, $0xb8;
	[tilespmem:$0x10080] =	vst v63  }
0x134: {  	_ = 	snop  }
0x135: {  	[tilespmem:s0], [sflag:$0x1] =	stream.indirect_vreg.gather [hbm4b:s3+s2], $0x80, v3, vm0, $0xb8;
	[tilespmem:$0x10080] =	vst v63  }
0x136: {  	_ = 	snop  }
0x137: {  	[tilespmem:s15], [sflag:$0x1] =	stream.indirect_vreg.gather [hbm4b:s4+s2], $0x80, v3, vm0, $0xb8;
	[tilespmem:$0x10080] =	vst v63  }
0x138: {  	v3 =	vld [tilespmem:$0x10020];
	_ =	sdelay $0x4  }
0x139: {  	v50 =	vshll.u32 v3, $0x2  }
0x13a: {  	v3 =	vand.u32 $0x7, v3;
	v4 =	vand.u32 $0xFFFFFFE0, v50  }
0x13b: {  	v3 =	vor.u32 v3, v4  }
0x13c: {  	v4 =	vperm.xlane v3, v0;
	_ =	sdelay $0x1  }
0x13d: {  	v4 =	vadd.s32 v1, v4;
	_ =	sdelay $0x1  }
0x13e: {  	v3 =	vperm.xlane v3, v2;
	_ =	sdelay $0x1  }
0x13f: {  	s31 =	simm.s32 $0x4000;
	v3 =	vadd.s32 v1, v3  }
0x140: {  	[tilespmem:s31], [sflag:$0x1] =	stream.indirect_vreg.gather [hbm4b:s3+s2], $0x80, v4, vm0, $0xb8;
	[tilespmem:$0x10080] =	vst v63  }
0x141: {  	_ = 	snop  }
0x142: {  	[tilespmem:s6], [sflag:$0x1] =	stream.indirect_vreg.gather [hbm4b:s4+s2], $0x80, v4, vm0, $0xb8;
	[tilespmem:$0x10080] =	vst v63  }
0x143: {  	s1 =	simm.s32 $0x5000  }
0x144: {  	[tilespmem:s1], [sflag:$0x1] =	stream.indirect_vreg.gather [hbm4b:s3+s2], $0x80, v3, vm0, $0xb8;
	[tilespmem:$0x10080] =	vst v63  }
0x145: {  	_ = 	snop  }
0x146: {  	[tilespmem:s8], [sflag:$0x1] =	stream.indirect_vreg.gather [hbm4b:s4+s2], $0x80, v3, vm0, $0xb8;
	[tilespmem:$0x10080] =	vst v63  }
0x147: {  	v3 =	vld [tilespmem:$0x10030];
	_ =	sdelay $0x4  }
0x148: {  	v51 =	vshll.u32 v3, $0x2  }
0x149: {  	v3 =	vand.u32 $0x7, v3;
	v4 =	vand.u32 $0xFFFFFFE0, v51  }
0x14a: {  	v3 =	vor.u32 v3, v4  }
0x14b: {  	v4 =	vperm.xlane v3, v0;
	_ =	sdelay $0x1  }
0x14c: {  	v4 =	vadd.s32 v1, v4;
	_ =	sdelay $0x1  }
0x14d: {  	v3 =	vperm.xlane v3, v2;
	_ =	sdelay $0x1  }
0x14e: {  	s6 =	simm.s32 $0x6000;
	v3 =	vadd.s32 v1, v3  }
0x14f: {  	[tilespmem:s6], [sflag:$0x1] =	stream.indirect_vreg.gather [hbm4b:s3+s2], $0x80, v4, vm0, $0xb8;
	[tilespmem:$0x10080] =	vst v63  }
0x150: {  	s8 =	simm.s32 $0x6800  }
0x151: {  	[tilespmem:s8], [sflag:$0x1] =	stream.indirect_vreg.gather [hbm4b:s4+s2], $0x80, v4, vm0, $0xb8;
	[tilespmem:$0x10080] =	vst v63  }
0x152: {  	_ = 	snop  }
0x153: {  	[tilespmem:s9], [sflag:$0x1] =	stream.indirect_vreg.gather [hbm4b:s3+s2], $0x80, v3, vm0, $0xb8;
	[tilespmem:$0x10080] =	vst v63  }
0x154: {  	s14 =	simm.s32 $0x7800  }
0x155: {  	[tilespmem:s14], [sflag:$0x1] =	stream.indirect_vreg.gather [hbm4b:s4+s2], $0x80, v3, vm0, $0xb8;
	[tilespmem:$0x10080] =	vst v63  }
0x156: {  	v3 =	vld [tilespmem:$0x10040];
	_ =	sdelay $0x4  }
0x157: {  	v52 =	vshll.u32 v3, $0x2  }
0x158: {  	v3 =	vand.u32 $0x7, v3;
	v4 =	vand.u32 $0xFFFFFFE0, v52  }
0x159: {  	v3 =	vor.u32 v3, v4  }
0x15a: {  	v4 =	vperm.xlane v3, v0;
	_ =	sdelay $0x1  }
0x15b: {  	v4 =	vadd.s32 v1, v4;
	_ =	sdelay $0x1  }
0x15c: {  	v3 =	vperm.xlane v3, v2;
	_ =	sdelay $0x1  }
0x15d: {  	v3 =	vadd.s32 v1, v3  }
0x15e: {  	[tilespmem:s11], [sflag:$0x1] =	stream.indirect_vreg.gather [hbm4b:s3+s2], $0x80, v4, vm0, $0xb8;
	[tilespmem:$0x10080] =	vst v63  }
0x15f: {  	_ = 	snop  }
0x160: {  	[tilespmem:s12], [sflag:$0x1] =	stream.indirect_vreg.gather [hbm4b:s4+s2], $0x80, v4, vm0, $0xb8;
	[tilespmem:$0x10080] =	vst v63  }
0x161: {  	_ = 	snop  }
0x162: {  	[tilespmem:s16], [sflag:$0x1] =	stream.indirect_vreg.gather [hbm4b:s3+s2], $0x80, v3, vm0, $0xb8;
	[tilespmem:$0x10080] =	vst v63  }
0x163: {  	s16 =	simm.s32 $0x9800  }
0x164: {  	[tilespmem:s16], [sflag:$0x1] =	stream.indirect_vreg.gather [hbm4b:s4+s2], $0x80, v3, vm0, $0xb8;
	[tilespmem:$0x10080] =	vst v63  }
0x165: {  	v3 =	vld [tilespmem:$0x10050];
	_ =	sdelay $0x4  }
0x166: {  	v53 =	vshll.u32 v3, $0x2  }
0x167: {  	v3 =	vand.u32 $0x7, v3;
	v4 =	vand.u32 $0xFFFFFFE0, v53  }
0x168: {  	v3 =	vor.u32 v3, v4  }
0x169: {  	v4 =	vperm.xlane v3, v0;
	_ =	sdelay $0x1  }
0x16a: {  	v4 =	vadd.s32 v1, v4;
	_ =	sdelay $0x1  }
0x16b: {  	v3 =	vperm.xlane v3, v2;
	_ =	sdelay $0x1  }
0x16c: {  	v3 =	vadd.s32 v1, v3  }
0x16d: {  	[tilespmem:s17], [sflag:$0x1] =	stream.indirect_vreg.gather [hbm4b:s3+s2], $0x80, v4, vm0, $0xb8;
	[tilespmem:$0x10080] =	vst v63  }
0x16e: {  	_ = 	snop  }
0x16f: {  	[tilespmem:s18], [sflag:$0x1] =	stream.indirect_vreg.gather [hbm4b:s4+s2], $0x80, v4, vm0, $0xb8;
	[tilespmem:$0x10080] =	vst v63  }
0x170: {  	_ = 	snop  }
0x171: {  	[tilespmem:s10], [sflag:$0x1] =	stream.indirect_vreg.gather [hbm4b:s3+s2], $0x80, v3, vm0, $0xb8;
	[tilespmem:$0x10080] =	vst v63  }
0x172: {  	s17 =	simm.s32 $0xB800  }
0x173: {  	[tilespmem:s17], [sflag:$0x1] =	stream.indirect_vreg.gather [hbm4b:s4+s2], $0x80, v3, vm0, $0xb8;
	[tilespmem:$0x10080] =	vst v63  }
0x174: {  	v3 =	vld [tilespmem:$0x10060];
	_ =	sdelay $0x4  }
0x175: {  	v54 =	vshll.u32 v3, $0x2  }
0x176: {  	v3 =	vand.u32 $0x7, v3;
	v4 =	vand.u32 $0xFFFFFFE0, v54  }
0x177: {  	v3 =	vor.u32 v3, v4  }
0x178: {  	v4 =	vperm.xlane v3, v0;
	_ =	sdelay $0x1  }
0x179: {  	v4 =	vadd.s32 v1, v4;
	_ =	sdelay $0x1  }
0x17a: {  	v3 =	vperm.xlane v3, v2;
	_ =	sdelay $0x1  }
0x17b: {  	s29 =	simm.s32 $0xC000;
	v3 =	vadd.s32 v1, v3  }
0x17c: {  	[tilespmem:s29], [sflag:$0x1] =	stream.indirect_vreg.gather [hbm4b:s3+s2], $0x80, v4, vm0, $0xb8;
	[tilespmem:$0x10080] =	vst v63  }
0x17d: {  	s18 =	simm.s32 $0xC800  }
0x17e: {  	[tilespmem:s18], [sflag:$0x1] =	stream.indirect_vreg.gather [hbm4b:s4+s2], $0x80, v4, vm0, $0xb8;
	[tilespmem:$0x10080] =	vst v63  }
0x17f: {  	s21 =	simm.s32 $0xD000  }
0x180: {  	[tilespmem:s21], [sflag:$0x1] =	stream.indirect_vreg.gather [hbm4b:s3+s2], $0x80, v3, vm0, $0xb8;
	[tilespmem:$0x10080] =	vst v63  }
0x181: {  	s21 =	simm.s32 $0xD800  }
0x182: {  	[tilespmem:s21], [sflag:$0x1] =	stream.indirect_vreg.gather [hbm4b:s4+s2], $0x80, v3, vm0, $0xb8;
	[tilespmem:$0x10080] =	vst v63  }
0x183: {  	v3 =	vld [tilespmem:$0x10070];
	_ =	sdelay $0x4  }
0x184: {  	v55 =	vshll.u32 v3, $0x2  }
0x185: {  	v3 =	vand.u32 $0x7, v3;
	v4 =	vand.u32 $0xFFFFFFE0, v55  }
0x186: {  	v3 =	vor.u32 v3, v4  }
0x187: {  	v4 =	vperm.xlane v3, v0;
	_ =	sdelay $0x1  }
0x188: {  	v4 =	vadd.s32 v1, v4;
	_ =	sdelay $0x1  }
0x189: {  	v3 =	vperm.xlane v3, v2;
	_ =	sdelay $0x1  }
0x18a: {  	s22 =	simm.s32 $0xE000;
	v3 =	vadd.s32 v1, v3  }
0x18b: {  	[tilespmem:s22], [sflag:$0x1] =	stream.indirect_vreg.gather [hbm4b:s3+s2], $0x80, v4, vm0, $0xb8;
	[tilespmem:$0x10080] =	vst v63  }
0x18c: {  	s19 =	simm.s32 $0xE800  }
0x18d: {  	[tilespmem:s19], [sflag:$0x1] =	stream.indirect_vreg.gather [hbm4b:s4+s2], $0x80, v4, vm0, $0xb8;
	[tilespmem:$0x10080] =	vst v63  }
0x18e: {  	s24 =	simm.s32 $0xF000  }
0x18f: {  	[tilespmem:s24], [sflag:$0x1] =	stream.indirect_vreg.gather [hbm4b:s3+s2], $0x80, v3, vm0, $0xb8;
	[tilespmem:$0x10080] =	vst v63  }
0x190: {  	s24 =	simm.s32 $0xF800  }
0x191: {  	[tilespmem:s24], [sflag:$0x1] =	stream.indirect_vreg.gather [hbm4b:s4+s2], $0x80, v3, vm0, $0xb8;
	[tilespmem:$0x10080] =	vst v63  }
0x192: {  	_ =	swait.ge [sflag:s13], $0x10000  }
0x193: {  	[sflag:s13] =	ssyncset.done $0x0  }
0x194: {  	s29 =	rddreg [dreg:$0x7];
	[sflag:s13] =	ssyncadd.s32 $0xFFFF0000  }
0x195: {  	[hbm4b:s29+s2] =	stream.linear.scatter [tilespmem:s2], [sflag:$0x2], $0x10000, $0x38;
	[tilespmem:$0x10080] =	vst v63  }
0x196: {  	_ =	swait.ge [sflag:s7], $0x10000  }
0x197: {  	[sflag:s7] =	ssyncset.done $0x0  }
0x198: {  	s29 =	simm.s32 $0x10000;
	s24 =	rddreg [dreg:$0x8];
	[sflag:s7] =	ssyncadd.s32 $0xFFFF0000  }
0x199: {  	[tilespmem:s29], [sflag:$0x2] =	stream.linear.gather [hbm4b:s24+s2], $0x80, $0x38;
	[tilespmem:$0x10080] =	vst v63  }
0x19a: {  	_ =	swait.ge [sflag:s7], $0x80  }
0x19b: {  	[sflag:s7] =	ssyncset.done $0x0  }
0x19c: {  	[sflag:s7] =	ssyncadd.s32 $0xFFFFFF80  }
0x19d: {  	v3 =	vld [tilespmem:$0x10000];
	_ =	sdelay $0x4  }
0x19e: {  	v56 =	vshll.u32 v3, $0x2  }
0x19f: {  	v3 =	vand.u32 $0x7, v3;
	v4 =	vand.u32 $0xFFFFFFE0, v56  }
0x1a0: {  	v3 =	vor.u32 v3, v4  }
0x1a1: {  	v4 =	vperm.xlane v3, v0;
	_ =	sdelay $0x1  }
0x1a2: {  	v4 =	vadd.s32 v1, v4;
	_ =	sdelay $0x1  }
0x1a3: {  	v3 =	vperm.xlane v3, v2;
	_ =	sdelay $0x1  }
0x1a4: {  	v3 =	vadd.s32 v1, v3  }
0x1a5: {  	[tilespmem:s2], [sflag:$0x1] =	stream.indirect_vreg.gather [hbm4b:s3+s2], $0x80, v4, vm0, $0xb8;
	[tilespmem:$0x10080] =	vst v63  }
0x1a6: {  	s25 =	simm.s32 $0x800  }
0x1a7: {  	[tilespmem:s25], [sflag:$0x1] =	stream.indirect_vreg.gather [hbm4b:s4+s2], $0x80, v4, vm0, $0xb8;
	[tilespmem:$0x10080] =	vst v63  }
0x1a8: {  	s30 =	simm.s32 $0x1000  }
0x1a9: {  	[tilespmem:s30], [sflag:$0x1] =	stream.indirect_vreg.gather [hbm4b:s3+s2], $0x80, v3, vm0, $0xb8;
	[tilespmem:$0x10080] =	vst v63  }
0x1aa: {  	s20 =	simm.s32 $0x1800  }
0x1ab: {  	[tilespmem:s20], [sflag:$0x1] =	stream.indirect_vreg.gather [hbm4b:s4+s2], $0x80, v3, vm0, $0xb8;
	[tilespmem:$0x10080] =	vst v63  }
0x1ac: {  	v3 =	vld [tilespmem:$0x10010];
	_ =	sdelay $0x4  }
0x1ad: {  	v57 =	vshll.u32 v3, $0x2  }
0x1ae: {  	v3 =	vand.u32 $0x7, v3;
	v4 =	vand.u32 $0xFFFFFFE0, v57  }
0x1af: {  	v3 =	vor.u32 v3, v4  }
0x1b0: {  	v4 =	vperm.xlane v3, v0;
	_ =	sdelay $0x1  }
0x1b1: {  	v4 =	vadd.s32 v1, v4;
	_ =	sdelay $0x1  }
0x1b2: {  	v3 =	vperm.xlane v3, v2;
	_ =	sdelay $0x1  }
0x1b3: {  	s29 =	simm.s32 $0x2000;
	v3 =	vadd.s32 v1, v3  }
0x1b4: {  	[tilespmem:s29], [sflag:$0x1] =	stream.indirect_vreg.gather [hbm4b:s3+s2], $0x80, v4, vm0, $0xb8;
	[tilespmem:$0x10080] =	vst v63  }
0x1b5: {  	s30 =	simm.s32 $0x2800  }
0x1b6: {  	[tilespmem:s30], [sflag:$0x1] =	stream.indirect_vreg.gather [hbm4b:s4+s2], $0x80, v4, vm0, $0xb8;
	[tilespmem:$0x10080] =	vst v63  }
0x1b7: {  	s26 =	simm.s32 $0x3000  }
0x1b8: {  	[tilespmem:s26], [sflag:$0x1] =	stream.indirect_vreg.gather [hbm4b:s3+s2], $0x80, v3, vm0, $0xb8;
	[tilespmem:$0x10080] =	vst v63  }
0x1b9: {  	s15 =	simm.s32 $0x3800  }
0x1ba: {  	[tilespmem:s15], [sflag:$0x1] =	stream.indirect_vreg.gather [hbm4b:s4+s2], $0x80, v3, vm0, $0xb8;
	[tilespmem:$0x10080] =	vst v63  }
0x1bb: {  	v3 =	vld [tilespmem:$0x10020];
	_ =	sdelay $0x4  }
0x1bc: {  	v58 =	vshll.u32 v3, $0x2  }
0x1bd: {  	v3 =	vand.u32 $0x7, v3;
	v4 =	vand.u32 $0xFFFFFFE0, v58  }
0x1be: {  	v3 =	vor.u32 v3, v4  }
0x1bf: {  	v4 =	vperm.xlane v3, v0;
	_ =	sdelay $0x1  }
0x1c0: {  	v4 =	vadd.s32 v1, v4;
	_ =	sdelay $0x1  }
0x1c1: {  	v3 =	vperm.xlane v3, v2;
	_ =	sdelay $0x1  }
0x1c2: {  	s20 =	simm.s32 $0x4000;
	v3 =	vadd.s32 v1, v3  }
0x1c3: {  	[tilespmem:s20], [sflag:$0x1] =	stream.indirect_vreg.gather [hbm4b:s3+s2], $0x80, v4, vm0, $0xb8;
	[tilespmem:$0x10080] =	vst v63  }
0x1c4: {  	s23 =	simm.s32 $0x4800  }
0x1c5: {  	[tilespmem:s23], [sflag:$0x1] =	stream.indirect_vreg.gather [hbm4b:s4+s2], $0x80, v4, vm0, $0xb8;
	[tilespmem:$0x10080] =	vst v63  }
0x1c6: {  	s24 =	simm.s32 $0x5000  }
0x1c7: {  	[tilespmem:s24], [sflag:$0x1] =	stream.indirect_vreg.gather [hbm4b:s3+s2], $0x80, v3, vm0, $0xb8;
	[tilespmem:$0x10080] =	vst v63  }
0x1c8: {  	s28 =	simm.s32 $0x5800  }
0x1c9: {  	[tilespmem:s28], [sflag:$0x1] =	stream.indirect_vreg.gather [hbm4b:s4+s2], $0x80, v3, vm0, $0xb8;
	[tilespmem:$0x10080] =	vst v63  }
0x1ca: {  	v3 =	vld [tilespmem:$0x10030];
	_ =	sdelay $0x4  }
0x1cb: {  	v59 =	vshll.u32 v3, $0x2  }
0x1cc: {  	v3 =	vand.u32 $0x7, v3;
	v4 =	vand.u32 $0xFFFFFFE0, v59  }
0x1cd: {  	v3 =	vor.u32 v3, v4  }
0x1ce: {  	v4 =	vperm.xlane v3, v0;
	_ =	sdelay $0x1  }
0x1cf: {  	v4 =	vadd.s32 v1, v4;
	_ =	sdelay $0x1  }
0x1d0: {  	v3 =	vperm.xlane v3, v2;
	_ =	sdelay $0x1  }
0x1d1: {  	s25 =	simm.s32 $0x6000;
	v3 =	vadd.s32 v1, v3  }
0x1d2: {  	[tilespmem:s25], [sflag:$0x1] =	stream.indirect_vreg.gather [hbm4b:s3+s2], $0x80, v4, vm0, $0xb8;
	[tilespmem:$0x10080] =	vst v63  }
0x1d3: {  	s26 =	simm.s32 $0x6800  }
0x1d4: {  	[tilespmem:s26], [sflag:$0x1] =	stream.indirect_vreg.gather [hbm4b:s4+s2], $0x80, v4, vm0, $0xb8;
	[tilespmem:$0x10080] =	vst v63  }
0x1d5: {  	s31 =	simm.s32 $0x7000  }
0x1d6: {  	[tilespmem:s31], [sflag:$0x1] =	stream.indirect_vreg.gather [hbm4b:s3+s2], $0x80, v3, vm0, $0xb8;
	[tilespmem:$0x10080] =	vst v63  }
0x1d7: {  	s28 =	simm.s32 $0x7800  }
0x1d8: {  	[tilespmem:s28], [sflag:$0x1] =	stream.indirect_vreg.gather [hbm4b:s4+s2], $0x80, v3, vm0, $0xb8;
	[tilespmem:$0x10080] =	vst v63  }
0x1d9: {  	v3 =	vld [tilespmem:$0x10040];
	_ =	sdelay $0x4  }
0x1da: {  	v60 =	vshll.u32 v3, $0x2  }
0x1db: {  	v3 =	vand.u32 $0x7, v3;
	v4 =	vand.u32 $0xFFFFFFE0, v60  }
0x1dc: {  	v3 =	vor.u32 v3, v4  }
0x1dd: {  	v4 =	vperm.xlane v3, v0;
	_ =	sdelay $0x1  }
0x1de: {  	v4 =	vadd.s32 v1, v4;
	_ =	sdelay $0x1  }
0x1df: {  	v3 =	vperm.xlane v3, v2;
	_ =	sdelay $0x1  }
0x1e0: {  	s0 =	simm.s32 $0x8000;
	v3 =	vadd.s32 v1, v3  }
0x1e1: {  	[tilespmem:s0], [sflag:$0x1] =	stream.indirect_vreg.gather [hbm4b:s3+s2], $0x80, v4, vm0, $0xb8;
	[tilespmem:$0x10080] =	vst v63  }
0x1e2: {  	s1 =	simm.s32 $0x8800  }
0x1e3: {  	[tilespmem:s1], [sflag:$0x1] =	stream.indirect_vreg.gather [hbm4b:s4+s2], $0x80, v4, vm0, $0xb8;
	[tilespmem:$0x10080] =	vst v63  }
0x1e4: {  	s6 =	simm.s32 $0x9000  }
0x1e5: {  	[tilespmem:s6], [sflag:$0x1] =	stream.indirect_vreg.gather [hbm4b:s3+s2], $0x80, v3, vm0, $0xb8;
	[tilespmem:$0x10080] =	vst v63  }
0x1e6: {  	s29 =	simm.s32 $0x9800  }
0x1e7: {  	[tilespmem:s29], [sflag:$0x1] =	stream.indirect_vreg.gather [hbm4b:s4+s2], $0x80, v3, vm0, $0xb8;
	[tilespmem:$0x10080] =	vst v63  }
0x1e8: {  	v3 =	vld [tilespmem:$0x10050];
	_ =	sdelay $0x4  }
0x1e9: {  	v61 =	vshll.u32 v3, $0x2  }
0x1ea: {  	v3 =	vand.u32 $0x7, v3;
	v4 =	vand.u32 $0xFFFFFFE0, v61  }
0x1eb: {  	v3 =	vor.u32 v3, v4  }
0x1ec: {  	v4 =	vperm.xlane v3, v0;
	_ =	sdelay $0x1  }
0x1ed: {  	v4 =	vadd.s32 v1, v4;
	_ =	sdelay $0x1  }
0x1ee: {  	v3 =	vperm.xlane v3, v2;
	_ =	sdelay $0x1  }
0x1ef: {  	s8 =	simm.s32 $0xA000;
	v3 =	vadd.s32 v1, v3  }
0x1f0: {  	[tilespmem:s8], [sflag:$0x1] =	stream.indirect_vreg.gather [hbm4b:s3+s2], $0x80, v4, vm0, $0xb8;
	[tilespmem:$0x10080] =	vst v63  }
0x1f1: {  	s9 =	simm.s32 $0xA800  }
0x1f2: {  	[tilespmem:s9], [sflag:$0x1] =	stream.indirect_vreg.gather [hbm4b:s4+s2], $0x80, v4, vm0, $0xb8;
	[tilespmem:$0x10080] =	vst v63  }
0x1f3: {  	s10 =	simm.s32 $0xB000  }
0x1f4: {  	[tilespmem:s10], [sflag:$0x1] =	stream.indirect_vreg.gather [hbm4b:s3+s2], $0x80, v3, vm0, $0xb8;
	[tilespmem:$0x10080] =	vst v63  }
0x1f5: {  	s30 =	simm.s32 $0xB800  }
0x1f6: {  	[tilespmem:s30], [sflag:$0x1] =	stream.indirect_vreg.gather [hbm4b:s4+s2], $0x80, v3, vm0, $0xb8;
	[tilespmem:$0x10080] =	vst v63  }
0x1f7: {  	v3 =	vld [tilespmem:$0x10060];
	_ =	sdelay $0x4  }
0x1f8: {  	v62 =	vshll.u32 v3, $0x2  }
0x1f9: {  	v3 =	vand.u32 $0x7, v3;
	v4 =	vand.u32 $0xFFFFFFE0, v62  }
0x1fa: {  	v3 =	vor.u32 v3, v4  }
0x1fb: {  	v4 =	vperm.xlane v3, v0;
	_ =	sdelay $0x1  }
0x1fc: {  	v4 =	vadd.s32 v1, v4;
	_ =	sdelay $0x1  }
0x1fd: {  	v3 =	vperm.xlane v3, v2;
	_ =	sdelay $0x1  }
0x1fe: {  	s17 =	simm.s32 $0xC000;
	v3 =	vadd.s32 v1, v3  }
0x1ff: {  	[tilespmem:s17], [sflag:$0x1] =	stream.indirect_vreg.gather [hbm4b:s3+s2], $0x80, v4, vm0, $0xb8;
	[tilespmem:$0x10080] =	vst v63  }
0x200: {  	s11 =	simm.s32 $0xC800  }
0x201: {  	[tilespmem:s11], [sflag:$0x1] =	stream.indirect_vreg.gather [hbm4b:s4+s2], $0x80, v4, vm0, $0xb8;
	[tilespmem:$0x10080] =	vst v63  }
0x202: {  	s12 =	simm.s32 $0xD000  }
0x203: {  	[tilespmem:s12], [sflag:$0x1] =	stream.indirect_vreg.gather [hbm4b:s3+s2], $0x80, v3, vm0, $0xb8;
	[tilespmem:$0x10080] =	vst v63  }
0x204: {  	s21 =	simm.s32 $0xD800  }
0x205: {  	[tilespmem:s21], [sflag:$0x1] =	stream.indirect_vreg.gather [hbm4b:s4+s2], $0x80, v3, vm0, $0xb8;
	[tilespmem:$0x10080] =	vst v63  }
0x206: {  	v3 =	vld [tilespmem:$0x10070];
	_ =	sdelay $0x4  }
0x207: {  	v63 =	vshll.u32 v3, $0x2  }
0x208: {  	v3 =	vand.u32 $0x7, v3;
	v4 =	vand.u32 $0xFFFFFFE0, v63  }
0x209: {  	v3 =	vor.u32 v3, v4  }
0x20a: {  	v4 =	vperm.xlane v3, v0;
	_ =	sdelay $0x1  }
0x20b: {  	v4 =	vadd.s32 v1, v4;
	_ =	sdelay $0x1  }
0x20c: {  	v3 =	vperm.xlane v3, v2;
	_ =	sdelay $0x1  }
0x20d: {  	s18 =	simm.s32 $0xE000;
	v3 =	vadd.s32 v1, v3  }
0x20e: {  	[tilespmem:s18], [sflag:$0x1] =	stream.indirect_vreg.gather [hbm4b:s3+s2], $0x80, v4, vm0, $0xb8;
	[tilespmem:$0x10080] =	vst v63  }
0x20f: {  	s16 =	simm.s32 $0xE800  }
0x210: {  	[tilespmem:s16], [sflag:$0x1] =	stream.indirect_vreg.gather [hbm4b:s4+s2], $0x80, v4, vm0, $0xb8;
	[tilespmem:$0x10080] =	vst v63  }
0x211: {  	s19 =	simm.s32 $0xF000  }
0x212: {  	[tilespmem:s19], [sflag:$0x1] =	stream.indirect_vreg.gather [hbm4b:s3+s2], $0x80, v3, vm0, $0xb8;
	[tilespmem:$0x10080] =	vst v63  }
0x213: {  	s22 =	simm.s32 $0xF800  }
0x214: {  	[tilespmem:s22], [sflag:$0x1] =	stream.indirect_vreg.gather [hbm4b:s4+s2], $0x80, v3, vm0, $0xb8;
	[tilespmem:$0x10080] =	vst v63  }
0x215: {  	_ =	swait.ge [sflag:s13], $0x10000  }
0x216: {  	p0 =	sne.s32 s5, $0x1;
	[sflag:s13] =	ssyncset.done $0x0  }
.Ltmp0:
0x217: {  	s31 =	rddreg [dreg:$0x9];
	[sflag:s13] =	ssyncadd.s32 $0xFFFF0000;
	(pc) =	sbr.rel @p0 .LBB2_1-.Ltmp0, $4  }
0x218: {  	[hbm4b:s31+s2] =	stream.linear.scatter [tilespmem:s2], [sflag:$0x2], $0x10000, $0x38;
	[tilespmem:$0x10080] =	vst v63  }
0x219: {  	_ =	swait.ge [sflag:s7], $0x10000  }
0x21a: {  	[sflag:s7] =	ssyncset.done $0x0  }
0x21b: {  	s5 =	sadd.s32 $0xFFFFFFFF, s5;
	[sflag:s7] =	ssyncadd.s32 $0xFFFF0000  }
0x21c: {  	_ =	sfence.sel $0x180000  }
0x21d: {  	[bflag:$0x0] =	sbarrier.arrive $0xFFFF  }
0x21e: {  	_ =	strace $0x9000004A  }
0x21f: {  	s0 =	stileid.u32;
	[bflag:$0x2] =	sbarrier.arrive $0xFFFF  }
0x220: {  	p0 =	sne.s32 s0, $0x0;
	s0 =	rddreg [dreg:$0x1]  }
0x221: {  	s0 =	sadd.s32 @!p0 $0x100000, s0  }
0x222: {  	[sflag:s0] =	ssyncadd.tile.s32 @!p0 $0x1;
	_ =	shalt  }
.Lfunc_end2:
_tile_overlayer_lowered:
.L_overlay_start_2:
0x223: {  	(tag) =	ssettag $0x2  }
0x224: {  	s0 =	rddreg [dreg:$0x0];
	s2 =	stileid.u32  }
0x225: {  	s1 =	rddreg [dreg:$0x1];
	p0 =	sne.s32 s2, $0x0  }
0x226: {  	s3 =	rddreg [dreg:$0x2];
	[bflag:$0x3] =	sbarrier.arrive $0xFFFF;
	s2 =	simm.s32 @!p0 $0x1C02  }
0x227: {  	[timem:s3], [sflag:s2] =	dma.local @!p0 [hbm:s0], s1  }
0x228: {  	s0 =	simm.s32 @!p0 $0x2  }
0x229: {  	_ =	swait.ge @!p0 [sflag:s0], s1  }
0x22a: {  	s1 =	ssub.s32 @!p0 $0x0, s1;
	[sflag:s0] =	ssyncset.done @!p0 $0x0  }
0x22b: {  	[sflag:s0] =	ssyncadd.s32 @!p0 s1  }
0x22c: {  	[bflag:$0x3] =	sbarrier.arrive $0xFFFF  }
0x22d: {  	_ =	shalt  }

// kernel: kernel.8.cloned.1.call-start
scs
__scs_entry_jumppad:
0x0: {  	(pc) =	sbr.rel $0x88, $3  }
0x1: {  	(tag) =	ssettag $0x0;
	lr =	simm.s32 $0x1  }
0x2: {  	[smem:$0x3F9C] =	sst lr;
	_ =	strace $0xD0000000  }
0x3: {  	_ = 	snop  }
0x4: {  	_ = 	snop  }
0x5: {  	_ = 	snop  }
0x6: {  	_ = 	snop  }
0x7: {  	_ = 	snop  }
__scs_overlays_trampoline_lowered:
0x8: {  	[smem:$0x3FAB] =	sst s0  }
0x9: {  	[smem:$0x3FAC] =	sst s1  }
0xa: {  	[smem:$0x3FAD] =	sst s2  }
0xb: {  	[smem:$0x3FAE] =	sst s3  }
0xc: {  	[smem:$0x3FAF] =	sst s4  }
0xd: {  	[smem:$0x3FB0] =	sst s5  }
0xe: {  	[smem:$0x3FB1] =	sst s6  }
0xf: {  	[smem:$0x3FB2] =	sst s7  }
0x10: {  	[smem:$0x3FB3] =	sst s8  }
0x11: {  	[smem:$0x3FB4] =	sst s9;
	s0 =	simm.s32 @!p0 $0x0  }
0x12: {  	s1 =	sld [smem:$0x3F9A];
	s0 =	simm.s32 @p0 $0x1  }
0x13: {  	[smem:$0x3FB5] =	sst s0;
	s0 =	simm.s32 @!p1 $0x0  }
0x14: {  	s2 =	sld [smem:$0x3F99];
	s0 =	simm.s32 @p1 $0x1  }
0x15: {  	[smem:$0x3FB6] =	sst s0;
	s0 =	simm.s32 @!p2 $0x0  }
0x16: {  	s3 =	sld [smem:$0x3FDB];
	s0 =	simm.s32 @p2 $0x1  }
0x17: {  	s4 =	simm.s32 $0x1BF5;
	[smem:$0x3FB8] =	sst s0  }
0x18: {  	s0 =	sld [smem:$0x3F9B];
	_ =	swait.ge [sflag:s4], $0x0  }
0x19: {  	s7 =	sld [smem:$0x3F9C]  }
0x1a: {  	s8 =	sadd.s32 $0xFFFFE003, lr  }
0x1b: {  	s9 =	sadd.s32 $0xFFFFFEF7, lr;
	s5 =	simm.s32 $0xFFFFFFFF;
	p2 =	slt.u32 s8, $0xFFFFF086  }
0x1c: {  	p1 =	slt.u32 s9, $0xF7A;
	s5 =	simm.s32 @!p2 $0x0  }
0x1d: {  	s5 =	simm.s32 @p1 $0x1;
	p0 =	seq.s32 s7, s2  }
0x1e: {  	s7 =	smul.u32 @!p0 $0xF7A, s2;
	p2 =	seq.s32 @!p0 s5, $0x0  }
0x1f: {  	s9 =	smul.u32 $0xF7A, s1;
	s8 =	simm.s32 @!p0 $0x1BF5;
	p2 =	por !p2, p0  }
0x20: {  	[sflag:s8] =	ssyncset.s32 @!p0 $0xFFFFF086;
	s6 =	sadd.s32 @!p0 s3, s7;
	s7 =	simm.s32 @!p0 $0x108  }
0x21: {  	s3 =	sadd.s32 s3, s9;
	s6 =	sadd.s32 @!p0 $0x88, s6;
	s7 =	simm.s32 @p2 $0x1082  }
0x22: {  	[simem:s7], [sflag:s8] =	dma.local @!p0 [hbm:s6], $0xF7A  }
0x23: {  	s9 =	sor.u32 $0xD0000000, s2;
	s6 =	simm.s32 $0x108;
	_ =	swait.ge @!p0 [sflag:s8], $0x0  }
0x24: {  	s3 =	sadd.s32 $0x88, s3;
	s6 =	simm.s32 @!p1 $0x1082;
	[sflag:s4] =	ssyncset.s32 $0xFFFFF086  }
0x25: {  	[simem:s6], [sflag:s4] =	dma.local [hbm:s3], $0xF7A  }
0x26: {  	[smem:$0x3F9C] =	sst s1;
	(tag) =	ssettag s2;
	_ =	strace s9  }
0x27: {  	s1 =	sld [smem:$0x3FAC]  }
0x28: {  	s2 =	sld [smem:$0x3FAD]  }
0x29: {  	s4 =	sld [smem:$0x3FAF]  }
0x2a: {  	p0 =	seq.s32 s5, $0x0;
	s5 =	sld [smem:$0x3FB0]  }
0x2b: {  	s6 =	sld [smem:$0x3FB1]  }
0x2c: {  	s7 =	sld [smem:$0x3FB2]  }
0x2d: {  	s3 =	simm.s32 $0x108;
	s8 =	sld [smem:$0x3FB3]  }
0x2e: {  	s3 =	simm.s32 @!p0 $0x1082;
	s9 =	sld [smem:$0x3FB4]  }
0x2f: {  	lr =	sadd.s32 s0, s3;
	s0 =	sld [smem:$0x3FAB]  }
0x30: {  	s3 =	sld [smem:$0x3FAE]  }
0x31: {  	[smem:$0x3FB7] =	sst s10  }
0x32: {  	s10 =	sld [smem:$0x3FB5];
	_ =	sdelay $0x3  }
0x33: {  	p0 =	seq.s32 s10, $0x1;
	s10 =	sld [smem:$0x3FB7];
	_ =	sdelay $0x3  }
0x34: {  	[smem:$0x3FB7] =	sst s10  }
0x35: {  	s10 =	sld [smem:$0x3FB6];
	_ =	sdelay $0x3  }
0x36: {  	p1 =	seq.s32 s10, $0x1;
	s10 =	sld [smem:$0x3FB7];
	_ =	sdelay $0x3  }
0x37: {  	[smem:$0x3FB7] =	sst s10  }
0x38: {  	s10 =	sld [smem:$0x3FB8]  }
0x39: {  	_ = 	snop;
	(pc) =	sbr.ind lr, $3  }
0x3a: {  	_ = 	snop  }
0x3b: {  	_ = 	snop  }
0x3c: {  	p2 =	seq.s32 s10, $0x1;
	s10 =	sld [smem:$0x3FB7]  }
0x3d: {  	_ =	shalt  }
0x3e: {  	_ =	shalt  }
0x3f: {  	_ =	shalt  }
0x40: {  	_ =	shalt  }
0x41: {  	_ =	shalt  }
0x42: {  	_ =	shalt  }
0x43: {  	_ =	shalt  }
0x44: {  	_ =	shalt  }
0x45: {  	_ =	shalt  }
0x46: {  	_ =	shalt  }
0x47: {  	_ =	shalt  }
0x48: {  	_ =	shalt  }
0x49: {  	_ =	shalt  }
0x4a: {  	_ =	shalt  }
0x4b: {  	_ =	shalt  }
0x4c: {  	_ =	shalt  }
0x4d: {  	_ =	shalt  }
0x4e: {  	_ =	shalt  }
0x4f: {  	_ =	shalt  }
0x50: {  	_ =	shalt  }
0x51: {  	_ =	shalt  }
0x52: {  	_ =	shalt  }
0x53: {  	_ =	shalt  }
0x54: {  	_ =	shalt  }
0x55: {  	_ =	shalt  }
0x56: {  	_ =	shalt  }
0x57: {  	_ =	shalt  }
0x58: {  	_ =	shalt  }
0x59: {  	_ =	shalt  }
0x5a: {  	_ =	shalt  }
0x5b: {  	_ =	shalt  }
0x5c: {  	_ =	shalt  }
0x5d: {  	_ =	shalt  }
0x5e: {  	_ =	shalt  }
0x5f: {  	_ =	shalt  }
0x60: {  	_ =	shalt  }
0x61: {  	_ =	shalt  }
0x62: {  	_ =	shalt  }
0x63: {  	_ =	shalt  }
0x64: {  	_ =	shalt  }
0x65: {  	_ =	shalt  }
0x66: {  	_ =	shalt  }
0x67: {  	_ =	shalt  }
0x68: {  	_ =	shalt  }
0x69: {  	_ =	shalt  }
0x6a: {  	_ =	shalt  }
0x6b: {  	_ =	shalt  }
0x6c: {  	_ =	shalt  }
0x6d: {  	_ =	shalt  }
0x6e: {  	_ =	shalt  }
0x6f: {  	_ =	shalt  }
0x70: {  	_ =	shalt  }
0x71: {  	_ =	shalt  }
0x72: {  	_ =	shalt  }
0x73: {  	_ =	shalt  }
0x74: {  	_ =	shalt  }
0x75: {  	_ =	shalt  }
0x76: {  	_ =	shalt  }
0x77: {  	_ =	shalt  }
0x78: {  	_ =	shalt  }
0x79: {  	_ =	shalt  }
0x7a: {  	_ =	shalt  }
0x7b: {  	_ =	shalt  }
0x7c: {  	_ =	shalt  }
0x7d: {  	_ =	shalt  }
0x7e: {  	_ =	shalt  }
0x7f: {  	_ =	shalt  }
0x80: {  	_ =	shalt  }
0x81: {  	_ =	shalt  }
0x82: {  	_ =	shalt  }
0x83: {  	_ =	shalt  }
0x84: {  	_ =	shalt  }
0x85: {  	_ =	shalt  }
0x86: {  	_ =	shalt  }
0x87: {  	_ =	shalt  }
.Lfunc_end0:
.L_simem_size_0:
called_computation_lowered:
.L_overlay_start_0:
0x88: {  	s2 =	sld [smem:$0x3FD9]  }
0x89: {  	s3 =	sld [smem:$0x3FFE];
	_ =	sdelay $0x1  }
0x8a: {  	s1 =	srdreg.scid  }
0x8b: {  	s0 =	sand.u32 $0x1, s1  }
0x8c: {  	s17 =	sshll.u32 s0, $0xA;
	s2 =	sadd.s32 s3, s2  }
0x8d: {  	s2 =	sadd.s32 s2, s17  }
0x8e: {  	[smem:$0x3FC3] =	sst s2  }
0x8f: {  	_ = 	snop  }
0x90: {  	s2 =	sld [smem:$0x3FD0];
	(tm) =	ssettm $0x1  }
0x91: {  	s18 =	sld [smem:$0x3FFB];
	_ =	sdelay $0x3  }
0x92: {  	_ =	strace s18  }
0x93: {  	s3 =	sld [smem:$0x3FFC];
	_ =	sdelay $0x3  }
0x94: {  	_ =	strace s3  }
0x95: {  	s3 =	sld [smem:$0x3FFD];
	_ =	sdelay $0x3  }
0x96: {  	_ =	strace s3  }
0x97: {  	_ =	strace $0x8FFFFFFF  }
0x98: {  	s19 =	sld [smem:$0x3FDB];
	_ =	sdelay $0x1  }
0x99: {  	s4 =	simm.s32 $_scs_section_size  }
0x9a: {  	s5 =	simm.s32 $_size__tile_overlayer_lowered;
	s6 =	simm.s32 $_tile_overlayer_lowered  }
0x9b: {  	s22 =	simm.s32 $0x1BFF;
	s21 =	sshll.u32 s6, $0x1;
	s3 =	sadd.s32 s4, s19  }
0x9c: {  	s7 =	simm.s32 $0x0;
	s20 =	sshll.u32 s5, $0x1;
	s5 =	sadd.s32 s21, s3  }
0x9d: {  	[timem:s7], [sflag:s22] =	dma.local [hbm:s5], s20  }
0x9e: {  	_ =	swait.ge [sflag:s22], s20  }
0x9f: {  	s4 =	ssub.s32 $0x0, s20;
	[sflag:s22] =	ssyncset.done $0x0  }
0xa0: {  	[sflag:s22] =	ssyncadd.s32 s4;
	_ =	sdelay $0x1  }
0xa1: {  	s23 =	simm.s32 $0x1B8B  }
0xa2: {  	_ =	swait.ge [sflag:s23], $0x1  }
0xa3: {  	[sflag:s23] =	ssyncset.done $0x0  }
0xa4: {  	s25 =	simm.s32 $0x1B8E;
	s24 =	sld [smem:$0x3FFE];
	[sflag:s23] =	ssyncadd.s32 $0xFFFFFFFF  }
0xa5: {  	s26 =	simm.s32 $execute0_lowered;
	[smem:$0x3FD2] =	sst s25  }
0xa6: {  	s5 =	sshll.u32 s26, $0x1;
	_ =	strace $0x80000046;
	[dreg:$0x1] =	wrdreg $0xFFFFFFFF  }
0xa7: {  	s28 =	simm.s32 $_size_execute0_lowered;
	s3 =	sadd.s32 s3, s5;
	[dreg:$0x0] =	wrdreg $0x0  }
0xa8: {  	s5 =	sshll.u32 s28, $0x1;
	[dreg:$0x2] =	wrdreg s3  }
0xa9: {  	[dreg:$0x3] =	wrdreg s5  }
0xaa: {  	[dreg:$0x4] =	wrdreg $0xC0  }
0xab: {  	_ =	task [dreg:s7], $0x5FFFF  }
0xac: {  	[dreg:$0x1] =	wrdreg $0xFFFFFFFF  }
0xad: {  	[dreg:$0x0] =	wrdreg $0x60  }
0xae: {  	[dreg:$0x2] =	wrdreg s2  }
0xaf: {  	[dreg:$0x3] =	wrdreg s24  }
0xb0: {  	[dreg:$0x4] =	wrdreg $0x9  }
0xb1: {  	_ =	task.clear_ibuf [dreg:s7], $0x5FFFF;
	_ =	strace $0x90000046  }
0xb2: {  	s29 =	simm.s32 $0x9;
	_ =	strace $0x80000048  }
0xb3: {  	_ =	swait.ge [sflag:s29], $0x1  }
0xb4: {  	[sflag:s29] =	ssyncadd.s32 $0xFFFFFFFF  }
0xb5: {  	_ =	strace $0x90000048  }
0xb6: {  	_ =	sfence  }
0xb7: {  	s30 =	sld [smem:$0x0];
	_ =	sdelay $0x2  }
0xb8: {  	s31 =	sshll.u32 s1, $0xD;
	s1 =	sshrl.u32 s1, $0x2  }
0xb9: {  	s3 =	sand.u32 $0x4000, s31;
	s1 =	sadd.s32 s1, s30  }
0xba: {  	s0 =	sor.u32 s3, s0;
	s1 =	sshll.u32 s1, $0x11  }
0xbb: {  	s0 =	sor.u32 s1, s0  }
0xbc: {  	s0 =	sadd.s32 $0x8F2B, s0  }
0xbd: {  	[sflag:s0] =	ssyncadd.remote.s32 $0x1  }
0xbe: {  	_ =	sfence.sel $0xFFFF  }
0xbf: {  	[dreg:$0x0] =	wrdreg $0xFFFFFFFF;
	(pc) =	sbr.abs _section_cstart, $3  }
0xc0: {  	[dreg:$0x1] =	wrdreg $0xFFFFFFFF  }
0xc1: {  	_ =	task.clear_ibuf [dreg:s7], $0x2FFFF;
	_ =	strace $0x9FFFFFFF  }
0xc2: {  	(tm) =	ssettm $0x7FFFFFFF  }
0xc3: {  	_ =	shalt  }
tec
execute0_lowered:
.L_overlay_start_1:
0x0: {  	(tag) =	ssettag $0x1  }
0x1: {  	s0 =	rddreg [dreg:$0x0];
	s2 =	srdreg.scid  }
0x2: {  	s1 =	rddreg [dreg:$0x1];
	s6 =	stileid.u32;
	s3 =	sand.u32 $0x1, s2  }
0x3: {  	s15 =	simm.s32 $0x1;
	s5 =	sshll.u32 s6, $0x7;
	s4 =	sshll.u32 s3, $0x6  }
0x4: {  	s2 =	simm.s32 $0x0;
	s23 =	sshll.u32 s6, $0xF;
	s4 =	sor.u32 s4, s5  }
0x5: {  	[smem:$0x7FF] =	sst s2;
	s24 =	sshll.u32 s3, $0xE;
	s5 =	sadd.s32 s4, s1  }
0x6: {  	s3 =	ssub.s32 $0x2, s3;
	_ =	strace $0x80000047;
	s25 =	sadd.s32 $0x1200, s5  }
0x7: {  	s4 =	sor.u32 s24, s23;
	s26 =	sadd.s32 $0x1210, s5;
	[dreg:$0x3] =	wrdreg s25  }
0x8: {  	s30 =	sshrl.u32 s3, $0x1;
	s7 =	sadd.s32 s0, s4;
	[dreg:$0x4] =	wrdreg s26  }
0x9: {  	s3 =	ssub.s32 s3, s30;
	s29 =	sadd.s32 $0x1220, s5;
	[dreg:$0x8] =	wrdreg s7  }
0xa: {  	v2 =	vlaneseq.u32;
	s4 =	sadd.s32 $0x61200, s1;
	s31 =	sadd.s32 $0x1230, s5;
	[dreg:$0x6] =	wrdreg s29  }
0xb: {  	vm0 =	vmmov $0xffff;
	v1 =	vshrl.u32 v2, $0x3;
	s5 =	sadd.s32 $0x61300, s1;
	s28 =	sadd.s32 $0x2000, s7;
	[dreg:$0x7] =	wrdreg s31  }
0xc: {  	v0 =	vand.u32 $0x7, v2;
	v2 =	vor.u32 $0x8, v2;
	v1 =	vmul.u32 $0x8, v1;
	s6 =	smax.u32 s3, $0x1;
	s7 =	simm.s32 $0x2;
	[dreg:$0x5] =	wrdreg s28  }
.LBB2_1:
0xd: {  	s16 =	rddreg [dreg:$0x8]  }
0xe: {  	[tilespmem:s2], [sflag:$0x2] =	stream.linear.gather [hbm4b:s16+s2], $0x10000, $0x38;
	[tilespmem:$0x10100] =	vst v63  }
0xf: {  	_ =	swait.ge [sflag:s7], $0x10000  }
0x10: {  	[sflag:s7] =	ssyncset.done $0x0  }
0x11: {  	s0 =	simm.s32 $0x10000;
	s24 =	rddreg [dreg:$0x3];
	[sflag:s7] =	ssyncadd.s32 $0xFFFF0000  }
0x12: {  	[tilespmem:s0], [sflag:$0x2] =	stream.linear.gather [hbm4b:s24+s2], $0x80, $0x38;
	[tilespmem:$0x10100] =	vst v63  }
0x13: {  	_ =	swait.ge [sflag:s7], $0x80  }
0x14: {  	[sflag:s7] =	ssyncset.done $0x0  }
0x15: {  	s26 =	simm.s32 $0x10080;
	s25 =	rddreg [dreg:$0x4];
	[sflag:s7] =	ssyncadd.s32 $0xFFFFFF80  }
0x16: {  	[tilespmem:s26], [sflag:$0x2] =	stream.linear.gather [hbm4b:s25+s2], $0x80, $0x38;
	[tilespmem:$0x10100] =	vst v63  }
0x17: {  	_ =	swait.ge [sflag:s7], $0x80  }
0x18: {  	[sflag:s7] =	ssyncset.done $0x0  }
0x19: {  	[sflag:s7] =	ssyncadd.s32 $0xFFFFFF80  }
0x1a: {  	v3 =	vld [tilespmem:$0x10000];
	_ =	sdelay $0x4  }
0x1b: {  	v4 =	vshll.u32 v3, $0x2  }
0x1c: {  	v3 =	vand.u32 $0x7, v3;
	v4 =	vand.u32 $0xFFFFFFE0, v4  }
0x1d: {  	v3 =	vor.u32 v3, v4  }
0x1e: {  	v4 =	vperm.xlane v3, v0;
	_ =	sdelay $0x1  }
0x1f: {  	v4 =	vadd.s32 v1, v4;
	_ =	sdelay $0x1  }
0x20: {  	v3 =	vperm.xlane v3, v2;
	_ =	sdelay $0x1  }
0x21: {  	v3 =	vadd.s32 v1, v3  }
0x22: {  	[hbm4b:s4+s2] =	stream.indirect_vreg.scatter [tilespmem:s2], [sflag:$0x1], $0x80, v4, vm0, $0xb8;
	[tilespmem:$0x10100] =	vst v63  }
0x23: {  	s28 =	simm.s32 $0x800  }
0x24: {  	[hbm4b:s5+s2] =	stream.indirect_vreg.scatter [tilespmem:s28], [sflag:$0x1], $0x80, v4, vm0, $0xb8;
	[tilespmem:$0x10100] =	vst v63  }
0x25: {  	s29 =	simm.s32 $0x1000  }
0x26: {  	[hbm4b:s4+s2] =	stream.indirect_vreg.scatter [tilespmem:s29], [sflag:$0x1], $0x80, v3, vm0, $0xb8;
	[tilespmem:$0x10100] =	vst v63  }
0x27: {  	s30 =	simm.s32 $0x1800  }
0x28: {  	[hbm4b:s5+s2] =	stream.indirect_vreg.scatter [tilespmem:s30], [sflag:$0x1], $0x80, v3, vm0, $0xb8;
	[tilespmem:$0x10100] =	vst v63  }
0x29: {  	v3 =	vld [tilespmem:$0x10010];
	_ =	sdelay $0x4  }
0x2a: {  	v33 =	vshll.u32 v3, $0x2  }
0x2b: {  	v3 =	vand.u32 $0x7, v3;
	v4 =	vand.u32 $0xFFFFFFE0, v33  }
0x2c: {  	v3 =	vor.u32 v3, v4  }
0x2d: {  	v4 =	vperm.xlane v3, v0;
	_ =	sdelay $0x1  }
0x2e: {  	v4 =	vadd.s32 v1, v4;
	_ =	sdelay $0x1  }
0x2f: {  	v3 =	vperm.xlane v3, v2;
	_ =	sdelay $0x1  }
0x30: {  	s31 =	simm.s32 $0x2000;
	v3 =	vadd.s32 v1, v3  }
0x31: {  	[hbm4b:s4+s2] =	stream.indirect_vreg.scatter [tilespmem:s31], [sflag:$0x1], $0x80, v4, vm0, $0xb8;
	[tilespmem:$0x10100] =	vst v63  }
0x32: {  	s3 =	simm.s32 $0x2800  }
0x33: {  	[hbm4b:s5+s2] =	stream.indirect_vreg.scatter [tilespmem:s3], [sflag:$0x1], $0x80, v4, vm0, $0xb8;
	[tilespmem:$0x10100] =	vst v63  }
0x34: {  	s8 =	simm.s32 $0x3000  }
0x35: {  	[hbm4b:s4+s2] =	stream.indirect_vreg.scatter [tilespmem:s8], [sflag:$0x1], $0x80, v3, vm0, $0xb8;
	[tilespmem:$0x10100] =	vst v63  }
0x36: {  	s9 =	simm.s32 $0x3800  }
0x37: {  	[hbm4b:s5+s2] =	stream.indirect_vreg.scatter [tilespmem:s9], [sflag:$0x1], $0x80, v3, vm0, $0xb8;
	[tilespmem:$0x10100] =	vst v63  }
0x38: {  	v3 =	vld [tilespmem:$0x10020];
	_ =	sdelay $0x4  }
0x39: {  	v34 =	vshll.u32 v3, $0x2  }
0x3a: {  	v3 =	vand.u32 $0x7, v3;
	v4 =	vand.u32 $0xFFFFFFE0, v34  }
0x3b: {  	v3 =	vor.u32 v3, v4  }
0x3c: {  	v4 =	vperm.xlane v3, v0;
	_ =	sdelay $0x1  }
0x3d: {  	v4 =	vadd.s32 v1, v4;
	_ =	sdelay $0x1  }
0x3e: {  	v3 =	vperm.xlane v3, v2;
	_ =	sdelay $0x1  }
0x3f: {  	s10 =	simm.s32 $0x4000;
	v3 =	vadd.s32 v1, v3  }
0x40: {  	[hbm4b:s4+s2] =	stream.indirect_vreg.scatter [tilespmem:s10], [sflag:$0x1], $0x80, v4, vm0, $0xb8;
	[tilespmem:$0x10100] =	vst v63  }
0x41: {  	s11 =	simm.s32 $0x4800  }
0x42: {  	[hbm4b:s5+s2] =	stream.indirect_vreg.scatter [tilespmem:s11], [sflag:$0x1], $0x80, v4, vm0, $0xb8;
	[tilespmem:$0x10100] =	vst v63  }
0x43: {  	s12 =	simm.s32 $0x5000  }
0x44: {  	[hbm4b:s4+s2] =	stream.indirect_vreg.scatter [tilespmem:s12], [sflag:$0x1], $0x80, v3, vm0, $0xb8;
	[tilespmem:$0x10100] =	vst v63  }
0x45: {  	s13 =	simm.s32 $0x5800  }
0x46: {  	[hbm4b:s5+s2] =	stream.indirect_vreg.scatter [tilespmem:s13], [sflag:$0x1], $0x80, v3, vm0, $0xb8;
	[tilespmem:$0x10100] =	vst v63  }
0x47: {  	v3 =	vld [tilespmem:$0x10030];
	_ =	sdelay $0x4  }
0x48: {  	v35 =	vshll.u32 v3, $0x2  }
0x49: {  	v3 =	vand.u32 $0x7, v3;
	v4 =	vand.u32 $0xFFFFFFE0, v35  }
0x4a: {  	v3 =	vor.u32 v3, v4  }
0x4b: {  	v4 =	vperm.xlane v3, v0;
	_ =	sdelay $0x1  }
0x4c: {  	v4 =	vadd.s32 v1, v4;
	_ =	sdelay $0x1  }
0x4d: {  	v3 =	vperm.xlane v3, v2;
	_ =	sdelay $0x1  }
0x4e: {  	s14 =	simm.s32 $0x6000;
	v3 =	vadd.s32 v1, v3  }
0x4f: {  	[hbm4b:s4+s2] =	stream.indirect_vreg.scatter [tilespmem:s14], [sflag:$0x1], $0x80, v4, vm0, $0xb8;
	[tilespmem:$0x10100] =	vst v63  }
0x50: {  	s16 =	simm.s32 $0x6800  }
0x51: {  	[hbm4b:s5+s2] =	stream.indirect_vreg.scatter [tilespmem:s16], [sflag:$0x1], $0x80, v4, vm0, $0xb8;
	[tilespmem:$0x10100] =	vst v63  }
0x52: {  	s17 =	simm.s32 $0x7000  }
0x53: {  	[hbm4b:s4+s2] =	stream.indirect_vreg.scatter [tilespmem:s17], [sflag:$0x1], $0x80, v3, vm0, $0xb8;
	[tilespmem:$0x10100] =	vst v63  }
0x54: {  	s18 =	simm.s32 $0x7800  }
0x55: {  	[hbm4b:s5+s2] =	stream.indirect_vreg.scatter [tilespmem:s18], [sflag:$0x1], $0x80, v3, vm0, $0xb8;
	[tilespmem:$0x10100] =	vst v63  }
0x56: {  	v3 =	vld [tilespmem:$0x10040];
	_ =	sdelay $0x4  }
0x57: {  	v36 =	vshll.u32 v3, $0x2  }
0x58: {  	v3 =	vand.u32 $0x7, v3;
	v4 =	vand.u32 $0xFFFFFFE0, v36  }
0x59: {  	v3 =	vor.u32 v3, v4  }
0x5a: {  	v4 =	vperm.xlane v3, v0;
	_ =	sdelay $0x1  }
0x5b: {  	v4 =	vadd.s32 v1, v4;
	_ =	sdelay $0x1  }
0x5c: {  	v3 =	vperm.xlane v3, v2;
	_ =	sdelay $0x1  }
0x5d: {  	s19 =	simm.s32 $0x8000;
	v3 =	vadd.s32 v1, v3  }
0x5e: {  	[hbm4b:s4+s2] =	stream.indirect_vreg.scatter [tilespmem:s19], [sflag:$0x1], $0x80, v4, vm0, $0xb8;
	[tilespmem:$0x10100] =	vst v63  }
0x5f: {  	s20 =	simm.s32 $0x8800  }
0x60: {  	[hbm4b:s5+s2] =	stream.indirect_vreg.scatter [tilespmem:s20], [sflag:$0x1], $0x80, v4, vm0, $0xb8;
	[tilespmem:$0x10100] =	vst v63  }
0x61: {  	s26 =	simm.s32 $0x9000  }
0x62: {  	[hbm4b:s4+s2] =	stream.indirect_vreg.scatter [tilespmem:s26], [sflag:$0x1], $0x80, v3, vm0, $0xb8;
	[tilespmem:$0x10100] =	vst v63  }
0x63: {  	s31 =	simm.s32 $0x9800  }
0x64: {  	[hbm4b:s5+s2] =	stream.indirect_vreg.scatter [tilespmem:s31], [sflag:$0x1], $0x80, v3, vm0, $0xb8;
	[tilespmem:$0x10100] =	vst v63  }
0x65: {  	v3 =	vld [tilespmem:$0x10050];
	_ =	sdelay $0x4  }
0x66: {  	v37 =	vshll.u32 v3, $0x2  }
0x67: {  	v3 =	vand.u32 $0x7, v3;
	v4 =	vand.u32 $0xFFFFFFE0, v37  }
0x68: {  	v3 =	vor.u32 v3, v4  }
0x69: {  	v4 =	vperm.xlane v3, v0;
	_ =	sdelay $0x1  }
0x6a: {  	v4 =	vadd.s32 v1, v4;
	_ =	sdelay $0x1  }
0x6b: {  	v3 =	vperm.xlane v3, v2;
	_ =	sdelay $0x1  }
0x6c: {  	s9 =	simm.s32 $0xA000;
	v3 =	vadd.s32 v1, v3  }
0x6d: {  	[hbm4b:s4+s2] =	stream.indirect_vreg.scatter [tilespmem:s9], [sflag:$0x1], $0x80, v4, vm0, $0xb8;
	[tilespmem:$0x10100] =	vst v63  }
0x6e: {  	s10 =	simm.s32 $0xA800  }
0x6f: {  	[hbm4b:s5+s2] =	stream.indirect_vreg.scatter [tilespmem:s10], [sflag:$0x1], $0x80, v4, vm0, $0xb8;
	[tilespmem:$0x10100] =	vst v63  }
0x70: {  	s11 =	simm.s32 $0xB000  }
0x71: {  	[hbm4b:s4+s2] =	stream.indirect_vreg.scatter [tilespmem:s11], [sflag:$0x1], $0x80, v3, vm0, $0xb8;
	[tilespmem:$0x10100] =	vst v63  }
0x72: {  	s16 =	simm.s32 $0xB800  }
0x73: {  	[hbm4b:s5+s2] =	stream.indirect_vreg.scatter [tilespmem:s16], [sflag:$0x1], $0x80, v3, vm0, $0xb8;
	[tilespmem:$0x10100] =	vst v63  }
0x74: {  	v3 =	vld [tilespmem:$0x10060];
	_ =	sdelay $0x4  }
0x75: {  	v38 =	vshll.u32 v3, $0x2  }
0x76: {  	v3 =	vand.u32 $0x7, v3;
	v4 =	vand.u32 $0xFFFFFFE0, v38  }
0x77: {  	v3 =	vor.u32 v3, v4  }
0x78: {  	v4 =	vperm.xlane v3, v0;
	_ =	sdelay $0x1  }
0x79: {  	v4 =	vadd.s32 v1, v4;
	_ =	sdelay $0x1  }
0x7a: {  	v3 =	vperm.xlane v3, v2;
	_ =	sdelay $0x1  }
0x7b: {  	s20 =	simm.s32 $0xC000;
	v3 =	vadd.s32 v1, v3  }
0x7c: {  	[hbm4b:s4+s2] =	stream.indirect_vreg.scatter [tilespmem:s20], [sflag:$0x1], $0x80, v4, vm0, $0xb8;
	[tilespmem:$0x10100] =	vst v63  }
0x7d: {  	s26 =	simm.s32 $0xC800  }
0x7e: {  	[hbm4b:s5+s2] =	stream.indirect_vreg.scatter [tilespmem:s26], [sflag:$0x1], $0x80, v4, vm0, $0xb8;
	[tilespmem:$0x10100] =	vst v63  }
0x7f: {  	s31 =	simm.s32 $0xD000  }
0x80: {  	[hbm4b:s4+s2] =	stream.indirect_vreg.scatter [tilespmem:s31], [sflag:$0x1], $0x80, v3, vm0, $0xb8;
	[tilespmem:$0x10100] =	vst v63  }
0x81: {  	s9 =	simm.s32 $0xD800  }
0x82: {  	[hbm4b:s5+s2] =	stream.indirect_vreg.scatter [tilespmem:s9], [sflag:$0x1], $0x80, v3, vm0, $0xb8;
	[tilespmem:$0x10100] =	vst v63  }
0x83: {  	v3 =	vld [tilespmem:$0x10070];
	_ =	sdelay $0x4  }
0x84: {  	v39 =	vshll.u32 v3, $0x2  }
0x85: {  	v3 =	vand.u32 $0x7, v3;
	v4 =	vand.u32 $0xFFFFFFE0, v39  }
0x86: {  	v3 =	vor.u32 v3, v4  }
0x87: {  	v4 =	vperm.xlane v3, v0;
	_ =	sdelay $0x1  }
0x88: {  	v4 =	vadd.s32 v1, v4;
	_ =	sdelay $0x1  }
0x89: {  	v3 =	vperm.xlane v3, v2;
	_ =	sdelay $0x1  }
0x8a: {  	s10 =	simm.s32 $0xE000;
	v3 =	vadd.s32 v1, v3  }
0x8b: {  	[hbm4b:s4+s2] =	stream.indirect_vreg.scatter [tilespmem:s10], [sflag:$0x1], $0x80, v4, vm0, $0xb8;
	[tilespmem:$0x10100] =	vst v63  }
0x8c: {  	s11 =	simm.s32 $0xE800  }
0x8d: {  	[hbm4b:s5+s2] =	stream.indirect_vreg.scatter [tilespmem:s11], [sflag:$0x1], $0x80, v4, vm0, $0xb8;
	[tilespmem:$0x10100] =	vst v63  }
0x8e: {  	s10 =	simm.s32 $0xF000  }
0x8f: {  	[hbm4b:s4+s2] =	stream.indirect_vreg.scatter [tilespmem:s10], [sflag:$0x1], $0x80, v3, vm0, $0xb8;
	[tilespmem:$0x10100] =	vst v63  }
0x90: {  	s11 =	simm.s32 $0xF800  }
0x91: {  	[hbm4b:s5+s2] =	stream.indirect_vreg.scatter [tilespmem:s11], [sflag:$0x1], $0x80, v3, vm0, $0xb8;
	[tilespmem:$0x10100] =	vst v63  }
0x92: {  	v3 =	vld [tilespmem:$0x10080];
	_ =	sdelay $0x4  }
0x93: {  	v40 =	vshll.u32 v3, $0x2  }
0x94: {  	v3 =	vand.u32 $0x7, v3;
	v4 =	vand.u32 $0xFFFFFFE0, v40  }
0x95: {  	v3 =	vor.u32 v3, v4  }
0x96: {  	v4 =	vperm.xlane v3, v0;
	_ =	sdelay $0x1  }
0x97: {  	v4 =	vadd.s32 v1, v4;
	_ =	sdelay $0x1  }
0x98: {  	v3 =	vperm.xlane v3, v2;
	_ =	sdelay $0x1  }
0x99: {  	v3 =	vadd.s32 v1, v3  }
0x9a: {  	[hbm4b:s4+s2] =	stream.indirect_vreg.scatter [tilespmem:s2], [sflag:$0x1], $0x80, v4, vm0, $0xb8;
	[tilespmem:$0x10100] =	vst v63  }
0x9b: {  	s21 =	simm.s32 $0x800  }
0x9c: {  	[hbm4b:s5+s2] =	stream.indirect_vreg.scatter [tilespmem:s21], [sflag:$0x1], $0x80, v4, vm0, $0xb8;
	[tilespmem:$0x10100] =	vst v63  }
0x9d: {  	s22 =	simm.s32 $0x1000  }
0x9e: {  	[hbm4b:s4+s2] =	stream.indirect_vreg.scatter [tilespmem:s22], [sflag:$0x1], $0x80, v3, vm0, $0xb8;
	[tilespmem:$0x10100] =	vst v63  }
0x9f: {  	s1 =	simm.s32 $0x1800  }
0xa0: {  	[hbm4b:s5+s2] =	stream.indirect_vreg.scatter [tilespmem:s1], [sflag:$0x1], $0x80, v3, vm0, $0xb8;
	[tilespmem:$0x10100] =	vst v63  }
0xa1: {  	v3 =	vld [tilespmem:$0x10090];
	_ =	sdelay $0x4  }
0xa2: {  	v41 =	vshll.u32 v3, $0x2  }
0xa3: {  	v3 =	vand.u32 $0x7, v3;
	v4 =	vand.u32 $0xFFFFFFE0, v41  }
0xa4: {  	v3 =	vor.u32 v3, v4  }
0xa5: {  	v4 =	vperm.xlane v3, v0;
	_ =	sdelay $0x1  }
0xa6: {  	v4 =	vadd.s32 v1, v4;
	_ =	sdelay $0x1  }
0xa7: {  	v3 =	vperm.xlane v3, v2;
	_ =	sdelay $0x1  }
0xa8: {  	s23 =	simm.s32 $0x2000;
	v3 =	vadd.s32 v1, v3  }
0xa9: {  	[hbm4b:s4+s2] =	stream.indirect_vreg.scatter [tilespmem:s23], [sflag:$0x1], $0x80, v4, vm0, $0xb8;
	[tilespmem:$0x10100] =	vst v63  }
0xaa: {  	s24 =	simm.s32 $0x2800  }
0xab: {  	[hbm4b:s5+s2] =	stream.indirect_vreg.scatter [tilespmem:s24], [sflag:$0x1], $0x80, v4, vm0, $0xb8;
	[tilespmem:$0x10100] =	vst v63  }
0xac: {  	s25 =	simm.s32 $0x3000  }
0xad: {  	[hbm4b:s4+s2] =	stream.indirect_vreg.scatter [tilespmem:s25], [sflag:$0x1], $0x80, v3, vm0, $0xb8;
	[tilespmem:$0x10100] =	vst v63  }
0xae: {  	s22 =	simm.s32 $0x3800  }
0xaf: {  	[hbm4b:s5+s2] =	stream.indirect_vreg.scatter [tilespmem:s22], [sflag:$0x1], $0x80, v3, vm0, $0xb8;
	[tilespmem:$0x10100] =	vst v63  }
0xb0: {  	v3 =	vld [tilespmem:$0x100A0];
	_ =	sdelay $0x4  }
0xb1: {  	v42 =	vshll.u32 v3, $0x2  }
0xb2: {  	v3 =	vand.u32 $0x7, v3;
	v4 =	vand.u32 $0xFFFFFFE0, v42  }
0xb3: {  	v3 =	vor.u32 v3, v4  }
0xb4: {  	v4 =	vperm.xlane v3, v0;
	_ =	sdelay $0x1  }
0xb5: {  	v4 =	vadd.s32 v1, v4;
	_ =	sdelay $0x1  }
0xb6: {  	v3 =	vperm.xlane v3, v2;
	_ =	sdelay $0x1  }
0xb7: {  	s28 =	simm.s32 $0x4000;
	v3 =	vadd.s32 v1, v3  }
0xb8: {  	[hbm4b:s4+s2] =	stream.indirect_vreg.scatter [tilespmem:s28], [sflag:$0x1], $0x80, v4, vm0, $0xb8;
	[tilespmem:$0x10100] =	vst v63  }
0xb9: {  	s29 =	simm.s32 $0x4800  }
0xba: {  	[hbm4b:s5+s2] =	stream.indirect_vreg.scatter [tilespmem:s29], [sflag:$0x1], $0x80, v4, vm0, $0xb8;
	[tilespmem:$0x10100] =	vst v63  }
0xbb: {  	s30 =	simm.s32 $0x5000  }
0xbc: {  	[hbm4b:s4+s2] =	stream.indirect_vreg.scatter [tilespmem:s30], [sflag:$0x1], $0x80, v3, vm0, $0xb8;
	[tilespmem:$0x10100] =	vst v63  }
0xbd: {  	s8 =	simm.s32 $0x5800  }
0xbe: {  	[hbm4b:s5+s2] =	stream.indirect_vreg.scatter [tilespmem:s8], [sflag:$0x1], $0x80, v3, vm0, $0xb8;
	[tilespmem:$0x10100] =	vst v63  }
0xbf: {  	v3 =	vld [tilespmem:$0x100B0];
	_ =	sdelay $0x4  }
0xc0: {  	v43 =	vshll.u32 v3, $0x2  }
0xc1: {  	v3 =	vand.u32 $0x7, v3;
	v4 =	vand.u32 $0xFFFFFFE0, v43  }
0xc2: {  	v3 =	vor.u32 v3, v4  }
0xc3: {  	v4 =	vperm.xlane v3, v0;
	_ =	sdelay $0x1  }
0xc4: {  	v4 =	vadd.s32 v1, v4;
	_ =	sdelay $0x1  }
0xc5: {  	v3 =	vperm.xlane v3, v2;
	_ =	sdelay $0x1  }
0xc6: {  	s10 =	simm.s32 $0x6000;
	v3 =	vadd.s32 v1, v3  }
0xc7: {  	[hbm4b:s4+s2] =	stream.indirect_vreg.scatter [tilespmem:s10], [sflag:$0x1], $0x80, v4, vm0, $0xb8;
	[tilespmem:$0x10100] =	vst v63  }
0xc8: {  	s11 =	simm.s32 $0x6800  }
0xc9: {  	[hbm4b:s5+s2] =	stream.indirect_vreg.scatter [tilespmem:s11], [sflag:$0x1], $0x80, v4, vm0, $0xb8;
	[tilespmem:$0x10100] =	vst v63  }
0xca: {  	s21 =	simm.s32 $0x7000  }
0xcb: {  	[hbm4b:s4+s2] =	stream.indirect_vreg.scatter [tilespmem:s21], [sflag:$0x1], $0x80, v3, vm0, $0xb8;
	[tilespmem:$0x10100] =	vst v63  }
0xcc: {  	s3 =	simm.s32 $0x7800  }
0xcd: {  	[hbm4b:s5+s2] =	stream.indirect_vreg.scatter [tilespmem:s3], [sflag:$0x1], $0x80, v3, vm0, $0xb8;
	[tilespmem:$0x10100] =	vst v63  }
0xce: {  	v3 =	vld [tilespmem:$0x100C0];
	_ =	sdelay $0x4  }
0xcf: {  	v44 =	vshll.u32 v3, $0x2  }
0xd0: {  	v3 =	vand.u32 $0x7, v3;
	v4 =	vand.u32 $0xFFFFFFE0, v44  }
0xd1: {  	v3 =	vor.u32 v3, v4  }
0xd2: {  	v4 =	vperm.xlane v3, v0;
	_ =	sdelay $0x1  }
0xd3: {  	v4 =	vadd.s32 v1, v4;
	_ =	sdelay $0x1  }
0xd4: {  	v3 =	vperm.xlane v3, v2;
	_ =	sdelay $0x1  }
0xd5: {  	s13 =	simm.s32 $0x8000;
	v3 =	vadd.s32 v1, v3  }
0xd6: {  	[hbm4b:s4+s2] =	stream.indirect_vreg.scatter [tilespmem:s13], [sflag:$0x1], $0x80, v4, vm0, $0xb8;
	[tilespmem:$0x10100] =	vst v63  }
0xd7: {  	s12 =	simm.s32 $0x8800  }
0xd8: {  	[hbm4b:s5+s2] =	stream.indirect_vreg.scatter [tilespmem:s12], [sflag:$0x1], $0x80, v4, vm0, $0xb8;
	[tilespmem:$0x10100] =	vst v63  }
0xd9: {  	s14 =	simm.s32 $0x9000  }
0xda: {  	[hbm4b:s4+s2] =	stream.indirect_vreg.scatter [tilespmem:s14], [sflag:$0x1], $0x80, v3, vm0, $0xb8;
	[tilespmem:$0x10100] =	vst v63  }
0xdb: {  	s3 =	simm.s32 $0x9800  }
0xdc: {  	[hbm4b:s5+s2] =	stream.indirect_vreg.scatter [tilespmem:s3], [sflag:$0x1], $0x80, v3, vm0, $0xb8;
	[tilespmem:$0x10100] =	vst v63  }
0xdd: {  	v3 =	vld [tilespmem:$0x100D0];
	_ =	sdelay $0x4  }
0xde: {  	v45 =	vshll.u32 v3, $0x2  }
0xdf: {  	v3 =	vand.u32 $0x7, v3;
	v4 =	vand.u32 $0xFFFFFFE0, v45  }
0xe0: {  	v3 =	vor.u32 v3, v4  }
0xe1: {  	v4 =	vperm.xlane v3, v0;
	_ =	sdelay $0x1  }
0xe2: {  	v4 =	vadd.s32 v1, v4;
	_ =	sdelay $0x1  }
0xe3: {  	v3 =	vperm.xlane v3, v2;
	_ =	sdelay $0x1  }
0xe4: {  	s17 =	simm.s32 $0xA000;
	v3 =	vadd.s32 v1, v3  }
0xe5: {  	[hbm4b:s4+s2] =	stream.indirect_vreg.scatter [tilespmem:s17], [sflag:$0x1], $0x80, v4, vm0, $0xb8;
	[tilespmem:$0x10100] =	vst v63  }
0xe6: {  	s18 =	simm.s32 $0xA800  }
0xe7: {  	[hbm4b:s5+s2] =	stream.indirect_vreg.scatter [tilespmem:s18], [sflag:$0x1], $0x80, v4, vm0, $0xb8;
	[tilespmem:$0x10100] =	vst v63  }
0xe8: {  	s19 =	simm.s32 $0xB000  }
0xe9: {  	[hbm4b:s4+s2] =	stream.indirect_vreg.scatter [tilespmem:s19], [sflag:$0x1], $0x80, v3, vm0, $0xb8;
	[tilespmem:$0x10100] =	vst v63  }
0xea: {  	s19 =	simm.s32 $0xB800  }
0xeb: {  	[hbm4b:s5+s2] =	stream.indirect_vreg.scatter [tilespmem:s19], [sflag:$0x1], $0x80, v3, vm0, $0xb8;
	[tilespmem:$0x10100] =	vst v63  }
0xec: {  	v3 =	vld [tilespmem:$0x100E0];
	_ =	sdelay $0x4  }
0xed: {  	v46 =	vshll.u32 v3, $0x2  }
0xee: {  	v3 =	vand.u32 $0x7, v3;
	v4 =	vand.u32 $0xFFFFFFE0, v46  }
0xef: {  	v3 =	vor.u32 v3, v4  }
0xf0: {  	v4 =	vperm.xlane v3, v0;
	_ =	sdelay $0x1  }
0xf1: {  	v4 =	vadd.s32 v1, v4;
	_ =	sdelay $0x1  }
0xf2: {  	v3 =	vperm.xlane v3, v2;
	_ =	sdelay $0x1  }
0xf3: {  	s20 =	simm.s32 $0xC000;
	v3 =	vadd.s32 v1, v3  }
0xf4: {  	[hbm4b:s4+s2] =	stream.indirect_vreg.scatter [tilespmem:s20], [sflag:$0x1], $0x80, v4, vm0, $0xb8;
	[tilespmem:$0x10100] =	vst v63  }
0xf5: {  	s0 =	simm.s32 $0xC800  }
0xf6: {  	[hbm4b:s5+s2] =	stream.indirect_vreg.scatter [tilespmem:s0], [sflag:$0x1], $0x80, v4, vm0, $0xb8;
	[tilespmem:$0x10100] =	vst v63  }
0xf7: {  	s26 =	simm.s32 $0xD000  }
0xf8: {  	[hbm4b:s4+s2] =	stream.indirect_vreg.scatter [tilespmem:s26], [sflag:$0x1], $0x80, v3, vm0, $0xb8;
	[tilespmem:$0x10100] =	vst v63  }
0xf9: {  	s9 =	simm.s32 $0xD800  }
0xfa: {  	[hbm4b:s5+s2] =	stream.indirect_vreg.scatter [tilespmem:s9], [sflag:$0x1], $0x80, v3, vm0, $0xb8;
	[tilespmem:$0x10100] =	vst v63  }
0xfb: {  	v3 =	vld [tilespmem:$0x100F0];
	_ =	sdelay $0x4  }
0xfc: {  	v47 =	vshll.u32 v3, $0x2  }
0xfd: {  	v3 =	vand.u32 $0x7, v3;
	v4 =	vand.u32 $0xFFFFFFE0, v47  }
0xfe: {  	v3 =	vor.u32 v3, v4  }
0xff: {  	v4 =	vperm.xlane v3, v0;
	_ =	sdelay $0x1  }
0x100: {  	v4 =	vadd.s32 v1, v4;
	_ =	sdelay $0x1  }
0x101: {  	v3 =	vperm.xlane v3, v2;
	_ =	sdelay $0x1  }
0x102: {  	s31 =	simm.s32 $0xE000;
	v3 =	vadd.s32 v1, v3  }
0x103: {  	[hbm4b:s4+s2] =	stream.indirect_vreg.scatter [tilespmem:s31], [sflag:$0x1], $0x80, v4, vm0, $0xb8;
	[tilespmem:$0x10100] =	vst v63  }
0x104: {  	s23 =	simm.s32 $0xE800  }
0x105: {  	[hbm4b:s5+s2] =	stream.indirect_vreg.scatter [tilespmem:s23], [sflag:$0x1], $0x80, v4, vm0, $0xb8;
	[tilespmem:$0x10100] =	vst v63  }
0x106: {  	s25 =	simm.s32 $0xF000  }
0x107: {  	[hbm4b:s4+s2] =	stream.indirect_vreg.scatter [tilespmem:s25], [sflag:$0x1], $0x80, v3, vm0, $0xb8;
	[tilespmem:$0x10100] =	vst v63  }
0x108: {  	s16 =	simm.s32 $0xF800  }
0x109: {  	[hbm4b:s5+s2] =	stream.indirect_vreg.scatter [tilespmem:s16], [sflag:$0x1], $0x80, v3, vm0, $0xb8;
	[tilespmem:$0x10100] =	vst v63  }
0x10a: {  	_ =	swait.ge [sflag:s15], $0x10000  }
0x10b: {  	[sflag:s15] =	ssyncset.done $0x0  }
0x10c: {  	[sflag:s15] =	ssyncadd.s32 $0xFFFF0000  }
0x10d: {  	_ =	swait.ge [sflag:s15], $0x10000  }
0x10e: {  	[sflag:s15] =	ssyncset.done $0x0  }
0x10f: {  	s29 =	rddreg [dreg:$0x5];
	[sflag:s15] =	ssyncadd.s32 $0xFFFF0000  }
0x110: {  	[tilespmem:s2], [sflag:$0x2] =	stream.linear.gather [hbm4b:s29+s2], $0x10000, $0x38;
	[tilespmem:$0x10100] =	vst v63  }
0x111: {  	_ =	swait.ge [sflag:s7], $0x10000  }
0x112: {  	[sflag:s7] =	ssyncset.done $0x0  }
0x113: {  	s8 =	simm.s32 $0x10000;
	s0 =	rddreg [dreg:$0x6];
	[sflag:s7] =	ssyncadd.s32 $0xFFFF0000  }
0x114: {  	[tilespmem:s8], [sflag:$0x2] =	stream.linear.gather [hbm4b:s0+s2], $0x80, $0x38;
	[tilespmem:$0x10100] =	vst v63  }
0x115: {  	_ =	swait.ge [sflag:s7], $0x80  }
0x116: {  	[sflag:s7] =	ssyncset.done $0x0  }
0x117: {  	s20 =	simm.s32 $0x10080;
	s9 =	rddreg [dreg:$0x7];
	[sflag:s7] =	ssyncadd.s32 $0xFFFFFF80  }
0x118: {  	[tilespmem:s20], [sflag:$0x2] =	stream.linear.gather [hbm4b:s9+s2], $0x80, $0x38;
	[tilespmem:$0x10100] =	vst v63  }
0x119: {  	_ =	swait.ge [sflag:s7], $0x80  }
0x11a: {  	[sflag:s7] =	ssyncset.done $0x0  }
0x11b: {  	[sflag:s7] =	ssyncadd.s32 $0xFFFFFF80  }
0x11c: {  	v3 =	vld [tilespmem:$0x10000];
	_ =	sdelay $0x4  }
0x11d: {  	v48 =	vshll.u32 v3, $0x2  }
0x11e: {  	v3 =	vand.u32 $0x7, v3;
	v4 =	vand.u32 $0xFFFFFFE0, v48  }
0x11f: {  	v3 =	vor.u32 v3, v4  }
0x120: {  	v4 =	vperm.xlane v3, v0;
	_ =	sdelay $0x1  }
0x121: {  	v4 =	vadd.s32 v1, v4;
	_ =	sdelay $0x1  }
0x122: {  	v3 =	vperm.xlane v3, v2;
	_ =	sdelay $0x1  }
0x123: {  	v3 =	vadd.s32 v1, v3  }
0x124: {  	[hbm4b:s4+s2] =	stream.indirect_vreg.scatter [tilespmem:s2], [sflag:$0x1], $0x80, v4, vm0, $0xb8;
	[tilespmem:$0x10100] =	vst v63  }
0x125: {  	s23 =	simm.s32 $0x800  }
0x126: {  	[hbm4b:s5+s2] =	stream.indirect_vreg.scatter [tilespmem:s23], [sflag:$0x1], $0x80, v4, vm0, $0xb8;
	[tilespmem:$0x10100] =	vst v63  }
0x127: {  	s0 =	simm.s32 $0x1000  }
0x128: {  	[hbm4b:s4+s2] =	stream.indirect_vreg.scatter [tilespmem:s0], [sflag:$0x1], $0x80, v3, vm0, $0xb8;
	[tilespmem:$0x10100] =	vst v63  }
0x129: {  	s25 =	simm.s32 $0x1800  }
0x12a: {  	[hbm4b:s5+s2] =	stream.indirect_vreg.scatter [tilespmem:s25], [sflag:$0x1], $0x80, v3, vm0, $0xb8;
	[tilespmem:$0x10100] =	vst v63  }
0x12b: {  	v3 =	vld [tilespmem:$0x10010];
	_ =	sdelay $0x4  }
0x12c: {  	v49 =	vshll.u32 v3, $0x2  }
0x12d: {  	v3 =	vand.u32 $0x7, v3;
	v4 =	vand.u32 $0xFFFFFFE0, v49  }
0x12e: {  	v3 =	vor.u32 v3, v4  }
0x12f: {  	v4 =	vperm.xlane v3, v0;
	_ =	sdelay $0x1  }
0x130: {  	v4 =	vadd.s32 v1, v4;
	_ =	sdelay $0x1  }
0x131: {  	v3 =	vperm.xlane v3, v2;
	_ =	sdelay $0x1  }
0x132: {  	s1 =	simm.s32 $0x2000;
	v3 =	vadd.s32 v1, v3  }
0x133: {  	[hbm4b:s4+s2] =	stream.indirect_vreg.scatter [tilespmem:s1], [sflag:$0x1], $0x80, v4, vm0, $0xb8;
	[tilespmem:$0x10100] =	vst v63  }
0x134: {  	s1 =	simm.s32 $0x2800  }
0x135: {  	[hbm4b:s5+s2] =	stream.indirect_vreg.scatter [tilespmem:s1], [sflag:$0x1], $0x80, v4, vm0, $0xb8;
	[tilespmem:$0x10100] =	vst v63  }
0x136: {  	s24 =	simm.s32 $0x3000  }
0x137: {  	[hbm4b:s4+s2] =	stream.indirect_vreg.scatter [tilespmem:s24], [sflag:$0x1], $0x80, v3, vm0, $0xb8;
	[tilespmem:$0x10100] =	vst v63  }
0x138: {  	_ = 	snop  }
0x139: {  	[hbm4b:s5+s2] =	stream.indirect_vreg.scatter [tilespmem:s22], [sflag:$0x1], $0x80, v3, vm0, $0xb8;
	[tilespmem:$0x10100] =	vst v63  }
0x13a: {  	v3 =	vld [tilespmem:$0x10020];
	_ =	sdelay $0x4  }
0x13b: {  	v50 =	vshll.u32 v3, $0x2  }
0x13c: {  	v3 =	vand.u32 $0x7, v3;
	v4 =	vand.u32 $0xFFFFFFE0, v50  }
0x13d: {  	v3 =	vor.u32 v3, v4  }
0x13e: {  	v4 =	vperm.xlane v3, v0;
	_ =	sdelay $0x1  }
0x13f: {  	v4 =	vadd.s32 v1, v4;
	_ =	sdelay $0x1  }
0x140: {  	v3 =	vperm.xlane v3, v2;
	_ =	sdelay $0x1  }
0x141: {  	s28 =	simm.s32 $0x4000;
	v3 =	vadd.s32 v1, v3  }
0x142: {  	[hbm4b:s4+s2] =	stream.indirect_vreg.scatter [tilespmem:s28], [sflag:$0x1], $0x80, v4, vm0, $0xb8;
	[tilespmem:$0x10100] =	vst v63  }
0x143: {  	s8 =	simm.s32 $0x4800  }
0x144: {  	[hbm4b:s5+s2] =	stream.indirect_vreg.scatter [tilespmem:s8], [sflag:$0x1], $0x80, v4, vm0, $0xb8;
	[tilespmem:$0x10100] =	vst v63  }
0x145: {  	s9 =	simm.s32 $0x5000  }
0x146: {  	[hbm4b:s4+s2] =	stream.indirect_vreg.scatter [tilespmem:s9], [sflag:$0x1], $0x80, v3, vm0, $0xb8;
	[tilespmem:$0x10100] =	vst v63  }
0x147: {  	s28 =	simm.s32 $0x5800  }
0x148: {  	[hbm4b:s5+s2] =	stream.indirect_vreg.scatter [tilespmem:s28], [sflag:$0x1], $0x80, v3, vm0, $0xb8;
	[tilespmem:$0x10100] =	vst v63  }
0x149: {  	v3 =	vld [tilespmem:$0x10030];
	_ =	sdelay $0x4  }
0x14a: {  	v51 =	vshll.u32 v3, $0x2  }
0x14b: {  	v3 =	vand.u32 $0x7, v3;
	v4 =	vand.u32 $0xFFFFFFE0, v51  }
0x14c: {  	v3 =	vor.u32 v3, v4  }
0x14d: {  	v4 =	vperm.xlane v3, v0;
	_ =	sdelay $0x1  }
0x14e: {  	v4 =	vadd.s32 v1, v4;
	_ =	sdelay $0x1  }
0x14f: {  	v3 =	vperm.xlane v3, v2;
	_ =	sdelay $0x1  }
0x150: {  	v3 =	vadd.s32 v1, v3  }
0x151: {  	[hbm4b:s4+s2] =	stream.indirect_vreg.scatter [tilespmem:s10], [sflag:$0x1], $0x80, v4, vm0, $0xb8;
	[tilespmem:$0x10100] =	vst v63  }
0x152: {  	_ = 	snop  }
0x153: {  	[hbm4b:s5+s2] =	stream.indirect_vreg.scatter [tilespmem:s11], [sflag:$0x1], $0x80, v4, vm0, $0xb8;
	[tilespmem:$0x10100] =	vst v63  }
0x154: {  	s11 =	simm.s32 $0x7000  }
0x155: {  	[hbm4b:s4+s2] =	stream.indirect_vreg.scatter [tilespmem:s11], [sflag:$0x1], $0x80, v3, vm0, $0xb8;
	[tilespmem:$0x10100] =	vst v63  }
0x156: {  	s16 =	simm.s32 $0x7800  }
0x157: {  	[hbm4b:s5+s2] =	stream.indirect_vreg.scatter [tilespmem:s16], [sflag:$0x1], $0x80, v3, vm0, $0xb8;
	[tilespmem:$0x10100] =	vst v63  }
0x158: {  	v3 =	vld [tilespmem:$0x10040];
	_ =	sdelay $0x4  }
0x159: {  	v52 =	vshll.u32 v3, $0x2  }
0x15a: {  	v3 =	vand.u32 $0x7, v3;
	v4 =	vand.u32 $0xFFFFFFE0, v52  }
0x15b: {  	v3 =	vor.u32 v3, v4  }
0x15c: {  	v4 =	vperm.xlane v3, v0;
	_ =	sdelay $0x1  }
0x15d: {  	v4 =	vadd.s32 v1, v4;
	_ =	sdelay $0x1  }
0x15e: {  	v3 =	vperm.xlane v3, v2;
	_ =	sdelay $0x1  }
0x15f: {  	s13 =	simm.s32 $0x8000;
	v3 =	vadd.s32 v1, v3  }
0x160: {  	[hbm4b:s4+s2] =	stream.indirect_vreg.scatter [tilespmem:s13], [sflag:$0x1], $0x80, v4, vm0, $0xb8;
	[tilespmem:$0x10100] =	vst v63  }
0x161: {  	s12 =	simm.s32 $0x8800  }
0x162: {  	[hbm4b:s5+s2] =	stream.indirect_vreg.scatter [tilespmem:s12], [sflag:$0x1], $0x80, v4, vm0, $0xb8;
	[tilespmem:$0x10100] =	vst v63  }
0x163: {  	s14 =	simm.s32 $0x9000  }
0x164: {  	[hbm4b:s4+s2] =	stream.indirect_vreg.scatter [tilespmem:s14], [sflag:$0x1], $0x80, v3, vm0, $0xb8;
	[tilespmem:$0x10100] =	vst v63  }
0x165: {  	_ = 	snop  }
0x166: {  	[hbm4b:s5+s2] =	stream.indirect_vreg.scatter [tilespmem:s3], [sflag:$0x1], $0x80, v3, vm0, $0xb8;
	[tilespmem:$0x10100] =	vst v63  }
0x167: {  	v3 =	vld [tilespmem:$0x10050];
	_ =	sdelay $0x4  }
0x168: {  	v53 =	vshll.u32 v3, $0x2  }
0x169: {  	v3 =	vand.u32 $0x7, v3;
	v4 =	vand.u32 $0xFFFFFFE0, v53  }
0x16a: {  	v3 =	vor.u32 v3, v4  }
0x16b: {  	v4 =	vperm.xlane v3, v0;
	_ =	sdelay $0x1  }
0x16c: {  	v4 =	vadd.s32 v1, v4;
	_ =	sdelay $0x1  }
0x16d: {  	v3 =	vperm.xlane v3, v2;
	_ =	sdelay $0x1  }
0x16e: {  	s17 =	simm.s32 $0xA000;
	v3 =	vadd.s32 v1, v3  }
0x16f: {  	[hbm4b:s4+s2] =	stream.indirect_vreg.scatter [tilespmem:s17], [sflag:$0x1], $0x80, v4, vm0, $0xb8;
	[tilespmem:$0x10100] =	vst v63  }
0x170: {  	s18 =	simm.s32 $0xA800  }
0x171: {  	[hbm4b:s5+s2] =	stream.indirect_vreg.scatter [tilespmem:s18], [sflag:$0x1], $0x80, v4, vm0, $0xb8;
	[tilespmem:$0x10100] =	vst v63  }
0x172: {  	s21 =	simm.s32 $0xB000  }
0x173: {  	[hbm4b:s4+s2] =	stream.indirect_vreg.scatter [tilespmem:s21], [sflag:$0x1], $0x80, v3, vm0, $0xb8;
	[tilespmem:$0x10100] =	vst v63  }
0x174: {  	_ = 	snop  }
0x175: {  	[hbm4b:s5+s2] =	stream.indirect_vreg.scatter [tilespmem:s19], [sflag:$0x1], $0x80, v3, vm0, $0xb8;
	[tilespmem:$0x10100] =	vst v63  }
0x176: {  	v3 =	vld [tilespmem:$0x10060];
	_ =	sdelay $0x4  }
0x177: {  	v54 =	vshll.u32 v3, $0x2  }
0x178: {  	v3 =	vand.u32 $0x7, v3;
	v4 =	vand.u32 $0xFFFFFFE0, v54  }
0x179: {  	v3 =	vor.u32 v3, v4  }
0x17a: {  	v4 =	vperm.xlane v3, v0;
	_ =	sdelay $0x1  }
0x17b: {  	v4 =	vadd.s32 v1, v4;
	_ =	sdelay $0x1  }
0x17c: {  	v3 =	vperm.xlane v3, v2;
	_ =	sdelay $0x1  }
0x17d: {  	s30 =	simm.s32 $0xC000;
	v3 =	vadd.s32 v1, v3  }
0x17e: {  	[hbm4b:s4+s2] =	stream.indirect_vreg.scatter [tilespmem:s30], [sflag:$0x1], $0x80, v4, vm0, $0xb8;
	[tilespmem:$0x10100] =	vst v63  }
0x17f: {  	s16 =	simm.s32 $0xC800  }
0x180: {  	[hbm4b:s5+s2] =	stream.indirect_vreg.scatter [tilespmem:s16], [sflag:$0x1], $0x80, v4, vm0, $0xb8;
	[tilespmem:$0x10100] =	vst v63  }
0x181: {  	s26 =	simm.s32 $0xD000  }
0x182: {  	[hbm4b:s4+s2] =	stream.indirect_vreg.scatter [tilespmem:s26], [sflag:$0x1], $0x80, v3, vm0, $0xb8;
	[tilespmem:$0x10100] =	vst v63  }
0x183: {  	s3 =	simm.s32 $0xD800  }
0x184: {  	[hbm4b:s5+s2] =	stream.indirect_vreg.scatter [tilespmem:s3], [sflag:$0x1], $0x80, v3, vm0, $0xb8;
	[tilespmem:$0x10100] =	vst v63  }
0x185: {  	v3 =	vld [tilespmem:$0x10070];
	_ =	sdelay $0x4  }
0x186: {  	v55 =	vshll.u32 v3, $0x2  }
0x187: {  	v3 =	vand.u32 $0x7, v3;
	v4 =	vand.u32 $0xFFFFFFE0, v55  }
0x188: {  	v3 =	vor.u32 v3, v4  }
0x189: {  	v4 =	vperm.xlane v3, v0;
	_ =	sdelay $0x1  }
0x18a: {  	v4 =	vadd.s32 v1, v4;
	_ =	sdelay $0x1  }
0x18b: {  	v3 =	vperm.xlane v3, v2;
	_ =	sdelay $0x1  }
0x18c: {  	s26 =	simm.s32 $0xE000;
	v3 =	vadd.s32 v1, v3  }
0x18d: {  	[hbm4b:s4+s2] =	stream.indirect_vreg.scatter [tilespmem:s26], [sflag:$0x1], $0x80, v4, vm0, $0xb8;
	[tilespmem:$0x10100] =	vst v63  }
0x18e: {  	s31 =	simm.s32 $0xE800  }
0x18f: {  	[hbm4b:s5+s2] =	stream.indirect_vreg.scatter [tilespmem:s31], [sflag:$0x1], $0x80, v4, vm0, $0xb8;
	[tilespmem:$0x10100] =	vst v63  }
0x190: {  	s31 =	simm.s32 $0xF000  }
0x191: {  	[hbm4b:s4+s2] =	stream.indirect_vreg.scatter [tilespmem:s31], [sflag:$0x1], $0x80, v3, vm0, $0xb8;
	[tilespmem:$0x10100] =	vst v63  }
0x192: {  	s10 =	simm.s32 $0xF800  }
0x193: {  	[hbm4b:s5+s2] =	stream.indirect_vreg.scatter [tilespmem:s10], [sflag:$0x1], $0x80, v3, vm0, $0xb8;
	[tilespmem:$0x10100] =	vst v63  }
0x194: {  	v3 =	vld [tilespmem:$0x10080];
	_ =	sdelay $0x4  }
0x195: {  	v56 =	vshll.u32 v3, $0x2  }
0x196: {  	v3 =	vand.u32 $0x7, v3;
	v4 =	vand.u32 $0xFFFFFFE0, v56  }
0x197: {  	v3 =	vor.u32 v3, v4  }
0x198: {  	v4 =	vperm.xlane v3, v0;
	_ =	sdelay $0x1  }
0x199: {  	v4 =	vadd.s32 v1, v4;
	_ =	sdelay $0x1  }
0x19a: {  	v3 =	vperm.xlane v3, v2;
	_ =	sdelay $0x1  }
0x19b: {  	v3 =	vadd.s32 v1, v3  }
0x19c: {  	[hbm4b:s4+s2] =	stream.indirect_vreg.scatter [tilespmem:s2], [sflag:$0x1], $0x80, v4, vm0, $0xb8;
	[tilespmem:$0x10100] =	vst v63  }
0x19d: {  	s20 =	simm.s32 $0x800  }
0x19e: {  	[hbm4b:s5+s2] =	stream.indirect_vreg.scatter [tilespmem:s20], [sflag:$0x1], $0x80, v4, vm0, $0xb8;
	[tilespmem:$0x10100] =	vst v63  }
0x19f: {  	_ = 	snop  }
0x1a0: {  	[hbm4b:s4+s2] =	stream.indirect_vreg.scatter [tilespmem:s0], [sflag:$0x1], $0x80, v3, vm0, $0xb8;
	[tilespmem:$0x10100] =	vst v63  }
0x1a1: {  	s20 =	simm.s32 $0x1800  }
0x1a2: {  	[hbm4b:s5+s2] =	stream.indirect_vreg.scatter [tilespmem:s20], [sflag:$0x1], $0x80, v3, vm0, $0xb8;
	[tilespmem:$0x10100] =	vst v63  }
0x1a3: {  	v3 =	vld [tilespmem:$0x10090];
	_ =	sdelay $0x4  }
0x1a4: {  	v57 =	vshll.u32 v3, $0x2  }
0x1a5: {  	v3 =	vand.u32 $0x7, v3;
	v4 =	vand.u32 $0xFFFFFFE0, v57  }
0x1a6: {  	v3 =	vor.u32 v3, v4  }
0x1a7: {  	v4 =	vperm.xlane v3, v0;
	_ =	sdelay $0x1  }
0x1a8: {  	v4 =	vadd.s32 v1, v4;
	_ =	sdelay $0x1  }
0x1a9: {  	v3 =	vperm.xlane v3, v2;
	_ =	sdelay $0x1  }
0x1aa: {  	s23 =	simm.s32 $0x2000;
	v3 =	vadd.s32 v1, v3  }
0x1ab: {  	[hbm4b:s4+s2] =	stream.indirect_vreg.scatter [tilespmem:s23], [sflag:$0x1], $0x80, v4, vm0, $0xb8;
	[tilespmem:$0x10100] =	vst v63  }
0x1ac: {  	_ = 	snop  }
0x1ad: {  	[hbm4b:s5+s2] =	stream.indirect_vreg.scatter [tilespmem:s1], [sflag:$0x1], $0x80, v4, vm0, $0xb8;
	[tilespmem:$0x10100] =	vst v63  }
0x1ae: {  	s25 =	simm.s32 $0x3000  }
0x1af: {  	[hbm4b:s4+s2] =	stream.indirect_vreg.scatter [tilespmem:s25], [sflag:$0x1], $0x80, v3, vm0, $0xb8;
	[tilespmem:$0x10100] =	vst v63  }
0x1b0: {  	s20 =	simm.s32 $0x3800  }
0x1b1: {  	[hbm4b:s5+s2] =	stream.indirect_vreg.scatter [tilespmem:s20], [sflag:$0x1], $0x80, v3, vm0, $0xb8;
	[tilespmem:$0x10100] =	vst v63  }
0x1b2: {  	v3 =	vld [tilespmem:$0x100A0];
	_ =	sdelay $0x4  }
0x1b3: {  	v58 =	vshll.u32 v3, $0x2  }
0x1b4: {  	v3 =	vand.u32 $0x7, v3;
	v4 =	vand.u32 $0xFFFFFFE0, v58  }
0x1b5: {  	v3 =	vor.u32 v3, v4  }
0x1b6: {  	v4 =	vperm.xlane v3, v0;
	_ =	sdelay $0x1  }
0x1b7: {  	v4 =	vadd.s32 v1, v4;
	_ =	sdelay $0x1  }
0x1b8: {  	v3 =	vperm.xlane v3, v2;
	_ =	sdelay $0x1  }
0x1b9: {  	s29 =	simm.s32 $0x4000;
	v3 =	vadd.s32 v1, v3  }
0x1ba: {  	[hbm4b:s4+s2] =	stream.indirect_vreg.scatter [tilespmem:s29], [sflag:$0x1], $0x80, v4, vm0, $0xb8;
	[tilespmem:$0x10100] =	vst v63  }
0x1bb: {  	_ = 	snop  }
0x1bc: {  	[hbm4b:s5+s2] =	stream.indirect_vreg.scatter [tilespmem:s8], [sflag:$0x1], $0x80, v4, vm0, $0xb8;
	[tilespmem:$0x10100] =	vst v63  }
0x1bd: {  	_ = 	snop  }
0x1be: {  	[hbm4b:s4+s2] =	stream.indirect_vreg.scatter [tilespmem:s9], [sflag:$0x1], $0x80, v3, vm0, $0xb8;
	[tilespmem:$0x10100] =	vst v63  }
0x1bf: {  	s23 =	simm.s32 $0x5800  }
0x1c0: {  	[hbm4b:s5+s2] =	stream.indirect_vreg.scatter [tilespmem:s23], [sflag:$0x1], $0x80, v3, vm0, $0xb8;
	[tilespmem:$0x10100] =	vst v63  }
0x1c1: {  	v3 =	vld [tilespmem:$0x100B0];
	_ =	sdelay $0x4  }
0x1c2: {  	v59 =	vshll.u32 v3, $0x2  }
0x1c3: {  	v3 =	vand.u32 $0x7, v3;
	v4 =	vand.u32 $0xFFFFFFE0, v59  }
0x1c4: {  	v3 =	vor.u32 v3, v4  }
0x1c5: {  	v4 =	vperm.xlane v3, v0;
	_ =	sdelay $0x1  }
0x1c6: {  	v4 =	vadd.s32 v1, v4;
	_ =	sdelay $0x1  }
0x1c7: {  	v3 =	vperm.xlane v3, v2;
	_ =	sdelay $0x1  }
0x1c8: {  	s24 =	simm.s32 $0x6000;
	v3 =	vadd.s32 v1, v3  }
0x1c9: {  	[hbm4b:s4+s2] =	stream.indirect_vreg.scatter [tilespmem:s24], [sflag:$0x1], $0x80, v4, vm0, $0xb8;
	[tilespmem:$0x10100] =	vst v63  }
0x1ca: {  	s22 =	simm.s32 $0x6800  }
0x1cb: {  	[hbm4b:s5+s2] =	stream.indirect_vreg.scatter [tilespmem:s22], [sflag:$0x1], $0x80, v4, vm0, $0xb8;
	[tilespmem:$0x10100] =	vst v63  }
0x1cc: {  	s11 =	simm.s32 $0x7000  }
0x1cd: {  	[hbm4b:s4+s2] =	stream.indirect_vreg.scatter [tilespmem:s11], [sflag:$0x1], $0x80, v3, vm0, $0xb8;
	[tilespmem:$0x10100] =	vst v63  }
0x1ce: {  	s25 =	simm.s32 $0x7800  }
0x1cf: {  	[hbm4b:s5+s2] =	stream.indirect_vreg.scatter [tilespmem:s25], [sflag:$0x1], $0x80, v3, vm0, $0xb8;
	[tilespmem:$0x10100] =	vst v63  }
0x1d0: {  	v3 =	vld [tilespmem:$0x100C0];
	_ =	sdelay $0x4  }
0x1d1: {  	v60 =	vshll.u32 v3, $0x2  }
0x1d2: {  	v3 =	vand.u32 $0x7, v3;
	v4 =	vand.u32 $0xFFFFFFE0, v60  }
0x1d3: {  	v3 =	vor.u32 v3, v4  }
0x1d4: {  	v4 =	vperm.xlane v3, v0;
	_ =	sdelay $0x1  }
0x1d5: {  	v4 =	vadd.s32 v1, v4;
	_ =	sdelay $0x1  }
0x1d6: {  	v3 =	vperm.xlane v3, v2;
	_ =	sdelay $0x1  }
0x1d7: {  	s13 =	simm.s32 $0x8000;
	v3 =	vadd.s32 v1, v3  }
0x1d8: {  	[hbm4b:s4+s2] =	stream.indirect_vreg.scatter [tilespmem:s13], [sflag:$0x1], $0x80, v4, vm0, $0xb8;
	[tilespmem:$0x10100] =	vst v63  }
0x1d9: {  	s12 =	simm.s32 $0x8800  }
0x1da: {  	[hbm4b:s5+s2] =	stream.indirect_vreg.scatter [tilespmem:s12], [sflag:$0x1], $0x80, v4, vm0, $0xb8;
	[tilespmem:$0x10100] =	vst v63  }
0x1db: {  	s14 =	simm.s32 $0x9000  }
0x1dc: {  	[hbm4b:s4+s2] =	stream.indirect_vreg.scatter [tilespmem:s14], [sflag:$0x1], $0x80, v3, vm0, $0xb8;
	[tilespmem:$0x10100] =	vst v63  }
0x1dd: {  	s28 =	simm.s32 $0x9800  }
0x1de: {  	[hbm4b:s5+s2] =	stream.indirect_vreg.scatter [tilespmem:s28], [sflag:$0x1], $0x80, v3, vm0, $0xb8;
	[tilespmem:$0x10100] =	vst v63  }
0x1df: {  	v3 =	vld [tilespmem:$0x100D0];
	_ =	sdelay $0x4  }
0x1e0: {  	v61 =	vshll.u32 v3, $0x2  }
0x1e1: {  	v3 =	vand.u32 $0x7, v3;
	v4 =	vand.u32 $0xFFFFFFE0, v61  }
0x1e2: {  	v3 =	vor.u32 v3, v4  }
0x1e3: {  	v4 =	vperm.xlane v3, v0;
	_ =	sdelay $0x1  }
0x1e4: {  	v4 =	vadd.s32 v1, v4;
	_ =	sdelay $0x1  }
0x1e5: {  	v3 =	vperm.xlane v3, v2;
	_ =	sdelay $0x1  }
0x1e6: {  	s17 =	simm.s32 $0xA000;
	v3 =	vadd.s32 v1, v3  }
0x1e7: {  	[hbm4b:s4+s2] =	stream.indirect_vreg.scatter [tilespmem:s17], [sflag:$0x1], $0x80, v4, vm0, $0xb8;
	[tilespmem:$0x10100] =	vst v63  }
0x1e8: {  	s18 =	simm.s32 $0xA800  }
0x1e9: {  	[hbm4b:s5+s2] =	stream.indirect_vreg.scatter [tilespmem:s18], [sflag:$0x1], $0x80, v4, vm0, $0xb8;
	[tilespmem:$0x10100] =	vst v63  }
0x1ea: {  	s21 =	simm.s32 $0xB000  }
0x1eb: {  	[hbm4b:s4+s2] =	stream.indirect_vreg.scatter [tilespmem:s21], [sflag:$0x1], $0x80, v3, vm0, $0xb8;
	[tilespmem:$0x10100] =	vst v63  }
0x1ec: {  	s19 =	simm.s32 $0xB800  }
0x1ed: {  	[hbm4b:s5+s2] =	stream.indirect_vreg.scatter [tilespmem:s19], [sflag:$0x1], $0x80, v3, vm0, $0xb8;
	[tilespmem:$0x10100] =	vst v63  }
0x1ee: {  	v3 =	vld [tilespmem:$0x100E0];
	_ =	sdelay $0x4  }
0x1ef: {  	v62 =	vshll.u32 v3, $0x2  }
0x1f0: {  	v3 =	vand.u32 $0x7, v3;
	v4 =	vand.u32 $0xFFFFFFE0, v62  }
0x1f1: {  	v3 =	vor.u32 v3, v4  }
0x1f2: {  	v4 =	vperm.xlane v3, v0;
	_ =	sdelay $0x1  }
0x1f3: {  	v4 =	vadd.s32 v1, v4;
	_ =	sdelay $0x1  }
0x1f4: {  	v3 =	vperm.xlane v3, v2;
	_ =	sdelay $0x1  }
0x1f5: {  	s29 =	simm.s32 $0xC000;
	v3 =	vadd.s32 v1, v3  }
0x1f6: {  	[hbm4b:s4+s2] =	stream.indirect_vreg.scatter [tilespmem:s29], [sflag:$0x1], $0x80, v4, vm0, $0xb8;
	[tilespmem:$0x10100] =	vst v63  }
0x1f7: {  	_ = 	snop  }
0x1f8: {  	[hbm4b:s5+s2] =	stream.indirect_vreg.scatter [tilespmem:s16], [sflag:$0x1], $0x80, v4, vm0, $0xb8;
	[tilespmem:$0x10100] =	vst v63  }
0x1f9: {  	s30 =	simm.s32 $0xD000  }
0x1fa: {  	[hbm4b:s4+s2] =	stream.indirect_vreg.scatter [tilespmem:s30], [sflag:$0x1], $0x80, v3, vm0, $0xb8;
	[tilespmem:$0x10100] =	vst v63  }
0x1fb: {  	_ = 	snop  }
0x1fc: {  	[hbm4b:s5+s2] =	stream.indirect_vreg.scatter [tilespmem:s3], [sflag:$0x1], $0x80, v3, vm0, $0xb8;
	[tilespmem:$0x10100] =	vst v63  }
0x1fd: {  	v3 =	vld [tilespmem:$0x100F0];
	_ =	sdelay $0x4  }
0x1fe: {  	v63 =	vshll.u32 v3, $0x2  }
0x1ff: {  	v3 =	vand.u32 $0x7, v3;
	v4 =	vand.u32 $0xFFFFFFE0, v63  }
0x200: {  	v3 =	vor.u32 v3, v4  }
0x201: {  	v4 =	vperm.xlane v3, v0;
	_ =	sdelay $0x1  }
0x202: {  	v4 =	vadd.s32 v1, v4;
	_ =	sdelay $0x1  }
0x203: {  	v3 =	vperm.xlane v3, v2;
	_ =	sdelay $0x1  }
0x204: {  	v3 =	vadd.s32 v1, v3  }
0x205: {  	[hbm4b:s4+s2] =	stream.indirect_vreg.scatter [tilespmem:s26], [sflag:$0x1], $0x80, v4, vm0, $0xb8;
	[tilespmem:$0x10100] =	vst v63  }
0x206: {  	s30 =	simm.s32 $0xE800  }
0x207: {  	[hbm4b:s5+s2] =	stream.indirect_vreg.scatter [tilespmem:s30], [sflag:$0x1], $0x80, v4, vm0, $0xb8;
	[tilespmem:$0x10100] =	vst v63  }
0x208: {  	_ = 	snop  }
0x209: {  	[hbm4b:s4+s2] =	stream.indirect_vreg.scatter [tilespmem:s31], [sflag:$0x1], $0x80, v3, vm0, $0xb8;
	[tilespmem:$0x10100] =	vst v63  }
0x20a: {  	_ = 	snop  }
0x20b: {  	[hbm4b:s5+s2] =	stream.indirect_vreg.scatter [tilespmem:s10], [sflag:$0x1], $0x80, v3, vm0, $0xb8;
	[tilespmem:$0x10100] =	vst v63  }
0x20c: {  	p0 =	sne.s32 s6, $0x1;
	_ =	swait.ge [sflag:s15], $0x10000  }
.Ltmp0:
0x20d: {  	[sflag:s15] =	ssyncset.done $0x0;
	(pc) =	sbr.rel @p0 .LBB2_1-.Ltmp0, $4  }
0x20e: {  	[sflag:s15] =	ssyncadd.s32 $0xFFFF0000  }
0x20f: {  	_ =	swait.ge [sflag:s15], $0x10000  }
0x210: {  	[sflag:s15] =	ssyncset.done $0x0  }
0x211: {  	s6 =	sadd.s32 $0xFFFFFFFF, s6;
	[sflag:s15] =	ssyncadd.s32 $0xFFFF0000  }
0x212: {  	_ =	sfence.sel $0x180000  }
0x213: {  	[bflag:$0x0] =	sbarrier.arrive $0xFFFF  }
0x214: {  	_ =	strace $0x90000047  }
0x215: {  	s0 =	stileid.u32;
	[bflag:$0x2] =	sbarrier.arrive $0xFFFF  }
0x216: {  	p0 =	sne.s32 s0, $0x0;
	s0 =	rddreg [dreg:$0x2]  }
0x217: {  	s0 =	sadd.s32 @!p0 $0x100000, s0  }
0x218: {  	[sflag:s0] =	ssyncadd.tile.s32 @!p0 $0x1;
	_ =	shalt  }
.Lfunc_end2:
_tile_overlayer_lowered:
.L_overlay_start_2:
0x219: {  	(tag) =	ssettag $0x2  }
0x21a: {  	s0 =	rddreg [dreg:$0x0];
	s2 =	stileid.u32  }
0x21b: {  	s1 =	rddreg [dreg:$0x1];
	p0 =	sne.s32 s2, $0x0  }
0x21c: {  	s3 =	rddreg [dreg:$0x2];
	[bflag:$0x3] =	sbarrier.arrive $0xFFFF;
	s2 =	simm.s32 @!p0 $0x1C02  }
0x21d: {  	[timem:s3], [sflag:s2] =	dma.local @!p0 [hbm:s0], s1  }
0x21e: {  	s0 =	simm.s32 @!p0 $0x2  }
0x21f: {  	_ =	swait.ge @!p0 [sflag:s0], s1  }
0x220: {  	s1 =	ssub.s32 @!p0 $0x0, s1;
	[sflag:s0] =	ssyncset.done @!p0 $0x0  }
0x221: {  	[sflag:s0] =	ssyncadd.s32 @!p0 s1  }
0x222: {  	[bflag:$0x3] =	sbarrier.arrive $0xFFFF  }
0x223: {  	_ =	shalt  }

</sc_bundles>
